<compile_context>
chip_gen: v7x
topology: tpu7x:2x2x1
jax: 0.10.2.dev20260603
libtpu: 0.0.44.dev20260713+nightly
codegen_flags: <defaults>
</compile_context>

<pallas_src>
import functools

import jax
import jax.numpy as jnp
from jax import lax
from jax.experimental import pallas as pl
from jax.experimental.pallas import tpu as pltpu
from jax.experimental.pallas import tpu_sc as plsc

N = 10000
D = 128
HALF = D // 2
E = 320000

NC = 2
NS = 16

CHUNK = 128
CHUNKS = 158
NB = 2
DCH = CHUNKS // 2
EPAD = NS * CHUNKS * CHUNK
TRASH = N
NPAD = 10240
ROWS_PER_TILE = NPAD // NS
RB = ROWS_PER_TILE // CHUNK

_mesh = plsc.VectorSubcoreMesh(core_axis_name="c", subcore_axis_name="s")


@functools.partial(
    pl.kernel,
    out_type=jax.ShapeDtypeStruct((NC, NPAD), jnp.float32),
    mesh=_mesh,
    scratch_types=[
        pltpu.VMEM((DCH, CHUNK), jnp.int32),
        pltpu.VMEM((CHUNK,), jnp.float32),
        pltpu.VMEM((ROWS_PER_TILE,), jnp.float32),
        pltpu.VMEM_SHARED((NPAD,), jnp.float32),
    ],
)
def _deg_kernel(dst_hbm, degp_hbm, dst_v, ones_v, dbuf_v, deg_sh):
    c = lax.axis_index("c")
    s = lax.axis_index("s")
    pltpu.sync_copy(dst_hbm.at[c, s], dst_v)

    @pl.loop(0, ROWS_PER_TILE // 16)
    def _zero(i):
        dbuf_v[pl.ds(i * 16, 16)] = jnp.zeros((16,), jnp.float32)

    for k in range(CHUNK // 16):
        ones_v[pl.ds(k * 16, 16)] = jnp.ones((16,), jnp.float32)
    pltpu.sync_copy(dbuf_v, deg_sh.at[pl.ds(s * ROWS_PER_TILE, ROWS_PER_TILE)])
    plsc.subcore_barrier()

    @pl.loop(0, DCH)
    def _acc(j):
        pltpu.sync_copy(ones_v, deg_sh.at[dst_v.at[j]], add=True)

    plsc.subcore_barrier()
    pltpu.sync_copy(deg_sh.at[pl.ds(s * ROWS_PER_TILE, ROWS_PER_TILE)], dbuf_v)
    pltpu.sync_copy(dbuf_v, degp_hbm.at[c, pl.ds(s * ROWS_PER_TILE, ROWS_PER_TILE)])


@functools.partial(
    pl.kernel,
    out_type=jax.ShapeDtypeStruct((NC, NPAD, HALF), jnp.float32),
    mesh=_mesh,
    compiler_params=pltpu.CompilerParams(use_tc_tiling_on_sc=False),
    scratch_types=[
        pltpu.VMEM((CHUNKS, CHUNK), jnp.int32),
        pltpu.VMEM((CHUNKS, CHUNK), jnp.int32),
        pltpu.VMEM((NB, CHUNK, HALF), jnp.float32),
        pltpu.VMEM_SHARED((NPAD, HALF), jnp.float32),
    ] + [pltpu.SemaphoreType.DMA] * NB,
)
def _agg_kernel(hs0_hbm, hs1_hbm, src_hbm, dst_hbm, accp_hbm,
                src_v, dst_v, rows_v, acc_sh, *sems):
    gs = sems
    c = lax.axis_index("c")
    s = lax.axis_index("s")
    pltpu.sync_copy(src_hbm.at[s], src_v)
    pltpu.sync_copy(dst_hbm.at[s], dst_v)

    @pl.loop(0, CHUNK)
    def _zero(r):
        for k in range(HALF // 16):
            rows_v[0, r, pl.ds(k * 16, 16)] = jnp.zeros((16,), jnp.float32)

    for t in range(RB):
        pltpu.sync_copy(
            rows_v.at[0], acc_sh.at[pl.ds(s * ROWS_PER_TILE + t * CHUNK, CHUNK)])
    plsc.subcore_barrier()

    def run(hs_hbm):
        pltpu.async_copy(hs_hbm.at[src_v.at[0]], rows_v.at[0], gs[0]).wait()

        @pl.loop(0, CHUNKS - 1)
        def _body(j):
            nxt = pltpu.async_copy(hs_hbm.at[src_v.at[j + 1]],
                                   rows_v.at[(j + 1) % 2], gs[1])
            pltpu.sync_copy(rows_v.at[j % 2], acc_sh.at[dst_v.at[j]], add=True)
            nxt.wait()

        pltpu.sync_copy(rows_v.at[(CHUNKS - 1) % 2],
                        acc_sh.at[dst_v.at[CHUNKS - 1]], add=True)

    @pl.when(c == 0)
    def _c0():
        run(hs0_hbm)

    @pl.when(c == 1)
    def _c1():
        run(hs1_hbm)

    plsc.subcore_barrier()
    for t in range(RB):
        row0 = s * ROWS_PER_TILE + t * CHUNK
        pltpu.sync_copy(acc_sh.at[pl.ds(row0, CHUNK)], rows_v.at[0])
        pltpu.sync_copy(rows_v.at[0], accp_hbm.at[c, pl.ds(row0, CHUNK)])


_BR = 512
_GRID = NPAD // _BR


def _tc_pre_body(x_ref, w_ref, d0_ref, d1_ref, hs0_ref, hs1_ref):
    dis = lax.rsqrt(d0_ref[...] + d1_ref[...] + 1.0)
    hs = jnp.dot(x_ref[...], w_ref[...],
                 preferred_element_type=jnp.float32) * dis
    hs0_ref[...] = hs[:, :HALF]
    hs1_ref[...] = hs[:, HALF:]


def _tc_mid_body(p0_ref, p1_ref, h0_ref, h1_ref, d0_ref, d1_ref, w_ref,
                 bi_ref, hs0_ref, hs1_ref):
    dis = lax.rsqrt(d0_ref[...] + d1_ref[...] + 1.0)
    a = jnp.concatenate(
        [p0_ref[...] + h0_ref[...],
         p1_ref[...] + h1_ref[...]],
        axis=1)
    a = jnp.maximum(dis * a + bi_ref[...], 0.0)
    hs = jnp.dot(a, w_ref[...], preferred_element_type=jnp.float32) * dis
    hs0_ref[...] = hs[:, :HALF]
    hs1_ref[...] = hs[:, HALF:]


def _tc_fin_body(p0_ref, p1_ref, h0_ref, h1_ref, d0_ref, d1_ref, w_ref,
                 bi_ref, bo_ref, out_ref):
    dis = lax.rsqrt(d0_ref[...] + d1_ref[...] + 1.0)
    a = jnp.concatenate(
        [p0_ref[...] + h0_ref[...],
         p1_ref[...] + h1_ref[...]],
        axis=1)
    a = jnp.maximum(dis * a + bi_ref[...], 0.0)
    out_ref[...] = jnp.dot(a, w_ref[...],
                           preferred_element_type=jnp.float32) + bo_ref[...]


_row_spec = pl.BlockSpec((_BR, D), lambda i: (i, 0))
_half_spec = pl.BlockSpec((_BR, HALF), lambda i: (i, 0))
_deg_spec = pl.BlockSpec((_BR, 1), lambda i: (i, 0))
_w_spec = pl.BlockSpec((D, D), lambda i: (0, 0))
_b_spec = pl.BlockSpec((1, D), lambda i: (0, 0))

_half_out = jax.ShapeDtypeStruct((NPAD, HALF), jnp.float32)

_tc_pre = pl.pallas_call(
    _tc_pre_body,
    grid=(_GRID,),
    in_specs=[_row_spec, _w_spec, _deg_spec, _deg_spec],
    out_specs=[_half_spec, _half_spec],
    out_shape=[_half_out, _half_out],
)

_tc_mid = pl.pallas_call(
    _tc_mid_body,
    grid=(_GRID,),
    in_specs=[_half_spec, _half_spec, _half_spec, _half_spec,
              _deg_spec, _deg_spec, _w_spec, _b_spec],
    out_specs=[_half_spec, _half_spec],
    out_shape=[_half_out, _half_out],
)

_tc_fin = pl.pallas_call(
    _tc_fin_body,
    grid=(_GRID,),
    in_specs=[_half_spec, _half_spec, _half_spec, _half_spec,
              _deg_spec, _deg_spec, _w_spec, _b_spec, _b_spec],
    out_specs=_row_spec,
    out_shape=jax.ShapeDtypeStruct((NPAD, D), jnp.float32),
)


def kernel(x, edge_index, W1, b1, W2, b2, Wf, bf):
    src = edge_index[0]
    dst = edge_index[1]
    npad_e = EPAD - E
    src_t = jnp.concatenate(
        [src, jnp.zeros((npad_e,), jnp.int32)]).reshape(NS, CHUNKS, CHUNK)
    dst_p = jnp.concatenate([dst, jnp.full((npad_e,), TRASH, jnp.int32)])
    dst_t = dst_p.reshape(NS, CHUNKS, CHUNK)
    dst_d = dst_p.reshape(NC, NS, DCH, CHUNK)

    x_pad = jnp.concatenate([x, jnp.zeros((NPAD - N, D), jnp.float32)], axis=0)

    degp = _deg_kernel(dst_d)
    d0 = degp[0].reshape(NPAD, 1)
    d1 = degp[1].reshape(NPAD, 1)

    b1r = b1.reshape(1, D)
    b2r = b2.reshape(1, D)
    bfr = bf.reshape(1, D)

    hs1a, hs1b = _tc_pre(x_pad, W1, d0, d1)
    acc1 = _agg_kernel(hs1a, hs1b, src_t, dst_t)
    hs2a, hs2b = _tc_mid(acc1[0], acc1[1], hs1a, hs1b, d0, d1, W2, b1r)
    acc2 = _agg_kernel(hs2a, hs2b, src_t, dst_t)
    out = _tc_fin(acc2[0], acc2[1], hs2a, hs2b, d0, d1, Wf, b2r, bfr)
    return out[:N]

# --- scband reference (transcript-rebuilt; emitter-appended) ---
"""Pipeline reference for scband-gcn-2534030704733 (READ-ONLY COPY).

The authoritative reference and input builder live on the scoring server;
editing this copy changes nothing except your own understanding.
"""

import jax, jax.numpy as jnp
import numpy as np

N = 10000
E = 320000
D_IN = 128
D_HID = 128
D_OUT = 128


def setup_inputs(seed: int = 0) -> dict:
    key = jax.random.key(seed)
    ks = jax.random.split(key, 8)
    x = jax.random.normal(ks[0], (N, D_IN), dtype=jnp.float32)
    edge_index = jax.random.randint(ks[1], (2, E), 0, N, dtype=jnp.int32)
    s1 = 1.0 / np.sqrt(D_IN)
    s2 = 1.0 / np.sqrt(D_HID)
    W1 = jax.random.normal(ks[2], (D_IN, D_HID), dtype=jnp.float32) * s1
    b1 = jnp.zeros((D_HID,), dtype=jnp.float32)
    W2 = jax.random.normal(ks[3], (D_HID, D_HID), dtype=jnp.float32) * s2
    b2 = jnp.zeros((D_HID,), dtype=jnp.float32)
    Wf = jax.random.normal(ks[4], (D_HID, D_OUT), dtype=jnp.float32) * s2
    bf = jnp.zeros((D_OUT,), dtype=jnp.float32)
    return {"x": x, "edge_index": edge_index, "W1": W1, "b1": b1, "W2": W2, "b2": b2, "Wf": Wf, "bf": bf}


def _gcn_conv(x, src, dst, W, b):
    # PyG GCNConv with add_self_loops=True (self loops already appended to src/dst).
    h = x @ W
    deg = jnp.zeros((N,), dtype=x.dtype).at[dst].add(1.0)
    dis = jnp.where(deg > 0, jax.lax.rsqrt(jnp.maximum(deg, 1e-12)), 0.0)
    norm = dis[src] * dis[dst]
    msg = h[src] * norm[:, None]
    out = jax.ops.segment_sum(msg, dst, num_segments=N)
    return out + b


def reference(x, edge_index, W1, b1, W2, b2, Wf, bf):
    src0 = edge_index[0]
    dst0 = edge_index[1]
    loops = jnp.arange(N, dtype=src0.dtype)
    src = jnp.concatenate([src0, loops])
    dst = jnp.concatenate([dst0, loops])
    # eval mode: dropout is identity
    h = jax.nn.relu(_gcn_conv(x, src, dst, W1, b1))
    h = jax.nn.relu(_gcn_conv(h, src, dst, W2, b2))
    out = h @ Wf + bf
    return out

if __name__ == "__main__":
    import jax
    _d = setup_inputs()
    print(jax.jit(kernel)(*tuple(_d.values())))

</pallas_src>

<mosaic_0001>
#map = affine_map<(d0, d1) -> (0, 0)>
#map1 = affine_map<(d0, d1) -> (0, 0, 0)>
module attributes {stable_mosaic.version = 14 : i64} {
  func.func @_agg_kernel(%arg0: i32, %arg1: i32, %arg2: memref<10240x64xf32, #tpu.memory_space<hbm>>, %arg3: memref<10240x64xf32, #tpu.memory_space<hbm>>, %arg4: memref<16x158x128xi32, #tpu.memory_space<hbm>>, %arg5: memref<16x158x128xi32, #tpu.memory_space<hbm>>, %arg6: memref<2x10240x64xf32, #tpu.memory_space<hbm>>, %arg7: memref<158x128xi32, #tpu.memory_space<vmem>>, %arg8: memref<158x128xi32, #tpu.memory_space<vmem>>, %arg9: memref<2x128x64xf32, #tpu.memory_space<vmem>>, %arg10: memref<10240x64xf32, #tpu.memory_space<vmem_shared>>, %arg11: memref<!tpu.dma_semaphore, #tpu.memory_space<semaphore_mem>>, %arg12: memref<!tpu.dma_semaphore, #tpu.memory_space<semaphore_mem>>) attributes {dimension_semantics = [#tpu.dimension_semantics<core_parallel>, #tpu.dimension_semantics<subcore_parallel>], iteration_bounds = array<i64: 2, 16>, scalar_prefetch = 0 : i64, scratch_operands = 6 : i64, tpu.core_type = #tpu.core_type<sc_vector_subcore>, window_params = [{transform_indices = #map}, {transform_indices = #map}, {transform_indices = #map1}, {transform_indices = #map1}, {transform_indices = #map1}]} {
    "tpu.region"() ({
      %run_scoped3A_64 = tpu.sem_alloc : memref<!tpu.dma_semaphore, #tpu.memory_space<semaphore_mem>>
      %dma_start3A = arith.constant 0 : i32
      %dma_start3A_65 = arith.constant 0 : i32
      %dma_start3A_66 = tpu.memref_slice %arg4[%arg1, %dma_start3A, %dma_start3A_65] : memref<16x158x128xi32, #tpu.memory_space<hbm>> -> memref<1x158x128xi32, #tpu.memory_space<hbm>>
      %dma_start3A_67 = tpu.memref_squeeze %dma_start3A_66 : memref<1x158x128xi32, #tpu.memory_space<hbm>> -> memref<158x128xi32, #tpu.memory_space<hbm>>
      %dma_start3A_68 = arith.constant 0 : i32
      %dma_start3A_69 = arith.constant 0 : i32
      %dma_start3A_70 = tpu.memref_slice %arg4[%arg1, %dma_start3A_68, %dma_start3A_69] : memref<16x158x128xi32, #tpu.memory_space<hbm>> -> memref<1x158x128xi32, #tpu.memory_space<hbm>>
      %dma_start3A_71 = tpu.memref_squeeze %dma_start3A_70 : memref<1x158x128xi32, #tpu.memory_space<hbm>> -> memref<158x128xi32, #tpu.memory_space<hbm>>
      tpu.enqueue_dma source(%dma_start3A_71 : memref<158x128xi32, #tpu.memory_space<hbm>>) target(%arg7 : memref<158x128xi32, #tpu.memory_space<vmem>>) target_semaphore(%run_scoped3A_64 : memref<!tpu.dma_semaphore, #tpu.memory_space<semaphore_mem>>)
      %dma_wait3A = arith.constant 0 : i32
      %dma_wait3A_72 = arith.constant 0 : i32
      %dma_wait3A_73 = tpu.memref_slice %arg4[%arg1, %dma_wait3A, %dma_wait3A_72] : memref<16x158x128xi32, #tpu.memory_space<hbm>> -> memref<1x158x128xi32, #tpu.memory_space<hbm>>
      %dma_wait3A_74 = tpu.memref_squeeze %dma_wait3A_73 : memref<1x158x128xi32, #tpu.memory_space<hbm>> -> memref<158x128xi32, #tpu.memory_space<hbm>>
      %dma_wait3A_75 = arith.constant 0 : i32
      %dma_wait3A_76 = arith.constant 0 : i32
      %dma_wait3A_77 = tpu.memref_slice %arg4[%arg1, %dma_wait3A_75, %dma_wait3A_76] : memref<16x158x128xi32, #tpu.memory_space<hbm>> -> memref<1x158x128xi32, #tpu.memory_space<hbm>>
      %dma_wait3A_78 = tpu.memref_squeeze %dma_wait3A_77 : memref<1x158x128xi32, #tpu.memory_space<hbm>> -> memref<158x128xi32, #tpu.memory_space<hbm>>
      tpu.wait_dma2 semaphore(%run_scoped3A_64 : memref<!tpu.dma_semaphore, #tpu.memory_space<semaphore_mem>>) src(%dma_wait3A_78 : memref<158x128xi32, #tpu.memory_space<hbm>>) dst(%arg7 : memref<158x128xi32, #tpu.memory_space<vmem>>)
      tpu.yield
    }) : () -> ()
    "tpu.region"() ({
      %run_scoped3A_64 = tpu.sem_alloc : memref<!tpu.dma_semaphore, #tpu.memory_space<semaphore_mem>>
      %dma_start3A = arith.constant 0 : i32
      %dma_start3A_65 = arith.constant 0 : i32
      %dma_start3A_66 = tpu.memref_slice %arg5[%arg1, %dma_start3A, %dma_start3A_65] : memref<16x158x128xi32, #tpu.memory_space<hbm>> -> memref<1x158x128xi32, #tpu.memory_space<hbm>>
      %dma_start3A_67 = tpu.memref_squeeze %dma_start3A_66 : memref<1x158x128xi32, #tpu.memory_space<hbm>> -> memref<158x128xi32, #tpu.memory_space<hbm>>
      %dma_start3A_68 = arith.constant 0 : i32
      %dma_start3A_69 = arith.constant 0 : i32
      %dma_start3A_70 = tpu.memref_slice %arg5[%arg1, %dma_start3A_68, %dma_start3A_69] : memref<16x158x128xi32, #tpu.memory_space<hbm>> -> memref<1x158x128xi32, #tpu.memory_space<hbm>>
      %dma_start3A_71 = tpu.memref_squeeze %dma_start3A_70 : memref<1x158x128xi32, #tpu.memory_space<hbm>> -> memref<158x128xi32, #tpu.memory_space<hbm>>
      tpu.enqueue_dma source(%dma_start3A_71 : memref<158x128xi32, #tpu.memory_space<hbm>>) target(%arg8 : memref<158x128xi32, #tpu.memory_space<vmem>>) target_semaphore(%run_scoped3A_64 : memref<!tpu.dma_semaphore, #tpu.memory_space<semaphore_mem>>)
      %dma_wait3A = arith.constant 0 : i32
      %dma_wait3A_72 = arith.constant 0 : i32
      %dma_wait3A_73 = tpu.memref_slice %arg5[%arg1, %dma_wait3A, %dma_wait3A_72] : memref<16x158x128xi32, #tpu.memory_space<hbm>> -> memref<1x158x128xi32, #tpu.memory_space<hbm>>
      %dma_wait3A_74 = tpu.memref_squeeze %dma_wait3A_73 : memref<1x158x128xi32, #tpu.memory_space<hbm>> -> memref<158x128xi32, #tpu.memory_space<hbm>>
      %dma_wait3A_75 = arith.constant 0 : i32
      %dma_wait3A_76 = arith.constant 0 : i32
      %dma_wait3A_77 = tpu.memref_slice %arg5[%arg1, %dma_wait3A_75, %dma_wait3A_76] : memref<16x158x128xi32, #tpu.memory_space<hbm>> -> memref<1x158x128xi32, #tpu.memory_space<hbm>>
      %dma_wait3A_78 = tpu.memref_squeeze %dma_wait3A_77 : memref<1x158x128xi32, #tpu.memory_space<hbm>> -> memref<158x128xi32, #tpu.memory_space<hbm>>
      tpu.wait_dma2 semaphore(%run_scoped3A_64 : memref<!tpu.dma_semaphore, #tpu.memory_space<semaphore_mem>>) src(%dma_wait3A_78 : memref<158x128xi32, #tpu.memory_space<hbm>>) dst(%arg8 : memref<158x128xi32, #tpu.memory_space<vmem>>)
      tpu.yield
    }) : () -> ()
    %scan3A = arith.constant 0 : i32
    %scan3A_0 = arith.constant 128 : i32
    %scan3A_1 = arith.addi %scan3A, %scan3A_0 : i32
    %scan3A_2 = arith.constant 1 : i32
    scf.for %scan3A_64 = %scan3A to %scan3A_1 step %scan3A_2  : i32 {
      %mul3A_65 = arith.constant 1 : i32
      %mul3A_66 = arith.muli %scan3A_64, %mul3A_65 : i32
      %add3A_67 = arith.constant 0 : i32
      %add3A_68 = arith.addi %add3A_67, %mul3A_66 : i32
      %broadcast_in_dim3A = arith.constant 0.000000e+00 : f32
      %broadcast_in_dim3A_69 = vector.broadcast %broadcast_in_dim3A : f32 to vector<16xf32>
      %swap3A = arith.constant 0 : i32
      %swap3A_70 = arith.index_cast %swap3A : i32 to index
      %swap3A_71 = arith.index_cast %add3A_68 : i32 to index
      %swap3A_72 = arith.constant 0 : index
      %swap3A_73 = tpu.vector_load %arg9[%swap3A_70, %swap3A_71, %swap3A_72] {strides = array<i32>} : memref<2x128x64xf32, #tpu.memory_space<vmem>>, vector<1x1x16xf32>,
      %swap3A_74 = vector.shape_cast %swap3A_73 : vector<1x1x16xf32> to vector<16xf32>
      %swap3A_75 = vector.shape_cast %broadcast_in_dim3A_69 : vector<16xf32> to vector<1x1x16xf32>
      tpu.vector_store %arg9[%swap3A_70, %swap3A_71, %swap3A_72], %swap3A_75 {strides = array<i32>} : memref<2x128x64xf32, #tpu.memory_space<vmem>>, vector<1x1x16xf32>,
      %broadcast_in_dim3A_76 = arith.constant 0.000000e+00 : f32
      %broadcast_in_dim3A_77 = vector.broadcast %broadcast_in_dim3A_76 : f32 to vector<16xf32>
      %swap3A_78 = arith.constant 0 : i32
      %swap3A_79 = arith.index_cast %swap3A_78 : i32 to index
      %swap3A_80 = arith.index_cast %add3A_68 : i32 to index
      %swap3A_81 = arith.constant 16 : index
      %swap3A_82 = tpu.vector_load %arg9[%swap3A_79, %swap3A_80, %swap3A_81] {strides = array<i32>} : memref<2x128x64xf32, #tpu.memory_space<vmem>>, vector<1x1x16xf32>,
      %swap3A_83 = vector.shape_cast %swap3A_82 : vector<1x1x16xf32> to vector<16xf32>
      %swap3A_84 = vector.shape_cast %broadcast_in_dim3A_77 : vector<16xf32> to vector<1x1x16xf32>
      tpu.vector_store %arg9[%swap3A_79, %swap3A_80, %swap3A_81], %swap3A_84 {strides = array<i32>} : memref<2x128x64xf32, #tpu.memory_space<vmem>>, vector<1x1x16xf32>,
      %broadcast_in_dim3A_85 = arith.constant 0.000000e+00 : f32
      %broadcast_in_dim3A_86 = vector.broadcast %broadcast_in_dim3A_85 : f32 to vector<16xf32>
      %swap3A_87 = arith.constant 0 : i32
      %swap3A_88 = arith.index_cast %swap3A_87 : i32 to index
      %swap3A_89 = arith.index_cast %add3A_68 : i32 to index
      %swap3A_90 = arith.constant 32 : index
      %swap3A_91 = tpu.vector_load %arg9[%swap3A_88, %swap3A_89, %swap3A_90] {strides = array<i32>} : memref<2x128x64xf32, #tpu.memory_space<vmem>>, vector<1x1x16xf32>,
      %swap3A_92 = vector.shape_cast %swap3A_91 : vector<1x1x16xf32> to vector<16xf32>
      %swap3A_93 = vector.shape_cast %broadcast_in_dim3A_86 : vector<16xf32> to vector<1x1x16xf32>
      tpu.vector_store %arg9[%swap3A_88, %swap3A_89, %swap3A_90], %swap3A_93 {strides = array<i32>} : memref<2x128x64xf32, #tpu.memory_space<vmem>>, vector<1x1x16xf32>,
      %broadcast_in_dim3A_94 = arith.constant 0.000000e+00 : f32
      %broadcast_in_dim3A_95 = vector.broadcast %broadcast_in_dim3A_94 : f32 to vector<16xf32>
      %swap3A_96 = arith.constant 0 : i32
      %swap3A_97 = arith.index_cast %swap3A_96 : i32 to index
      %swap3A_98 = arith.index_cast %add3A_68 : i32 to index
      %swap3A_99 = arith.constant 48 : index
      %swap3A_100 = tpu.vector_load %arg9[%swap3A_97, %swap3A_98, %swap3A_99] {strides = array<i32>} : memref<2x128x64xf32, #tpu.memory_space<vmem>>, vector<1x1x16xf32>,
      %swap3A_101 = vector.shape_cast %swap3A_100 : vector<1x1x16xf32> to vector<16xf32>
      %swap3A_102 = vector.shape_cast %broadcast_in_dim3A_95 : vector<16xf32> to vector<1x1x16xf32>
      tpu.vector_store %arg9[%swap3A_97, %swap3A_98, %swap3A_99], %swap3A_102 {strides = array<i32>} : memref<2x128x64xf32, #tpu.memory_space<vmem>>, vector<1x1x16xf32>,
    }
    %scan3A_3 = arith.constant 128 : i32
    %mul3A = arith.constant 640 : i32
    %mul3A_4 = arith.muli %arg1, %mul3A : i32
    %add3A = arith.constant 0 : i32
    %add3A_5 = arith.addi %mul3A_4, %add3A : i32
    %run_scoped3A = arith.constant 0 : i32
    "tpu.region"() ({
      %run_scoped3A_64 = tpu.sem_alloc : memref<!tpu.dma_semaphore, #tpu.memory_space<semaphore_mem>>
      %dma_start3A = arith.constant 0 : i32
      %dma_start3A_65 = arith.constant 0 : i32
      %dma_start3A_66 = tpu.memref_slice %arg9[%run_scoped3A, %dma_start3A, %dma_start3A_65] : memref<2x128x64xf32, #tpu.memory_space<vmem>> -> memref<1x128x64xf32, #tpu.memory_space<vmem>>
      %dma_start3A_67 = tpu.memref_squeeze %dma_start3A_66 : memref<1x128x64xf32, #tpu.memory_space<vmem>> -> memref<128x64xf32, #tpu.memory_space<vmem>>
      %dma_start3A_68 = arith.constant 0 : i32
      %dma_start3A_69 = tpu.memref_slice %arg10[%add3A_5, %dma_start3A_68] : memref<10240x64xf32, #tpu.memory_space<vmem_shared>> -> memref<128x64xf32, #tpu.memory_space<vmem_shared>>
      %dma_start3A_70 = arith.constant 0 : i32
      %dma_start3A_71 = tpu.memref_slice %arg10[%add3A_5, %dma_start3A_70] : memref<10240x64xf32, #tpu.memory_space<vmem_shared>> -> memref<128x64xf32, #tpu.memory_space<vmem_shared>>
      %dma_start3A_72 = arith.constant 0 : i32
      %dma_start3A_73 = arith.constant 0 : i32
      %dma_start3A_74 = tpu.memref_slice %arg9[%run_scoped3A, %dma_start3A_72, %dma_start3A_73] : memref<2x128x64xf32, #tpu.memory_space<vmem>> -> memref<1x128x64xf32, #tpu.memory_space<vmem>>
      %dma_start3A_75 = tpu.memref_squeeze %dma_start3A_74 : memref<1x128x64xf32, #tpu.memory_space<vmem>> -> memref<128x64xf32, #tpu.memory_space<vmem>>
      tpu.enqueue_dma source(%dma_start3A_75 : memref<128x64xf32, #tpu.memory_space<vmem>>) target(%dma_start3A_71 : memref<128x64xf32, #tpu.memory_space<vmem_shared>>) target_semaphore(%run_scoped3A_64 : memref<!tpu.dma_semaphore, #tpu.memory_space<semaphore_mem>>)
      %dma_wait3A = arith.constant 0 : i32
      %dma_wait3A_76 = arith.constant 0 : i32
      %dma_wait3A_77 = tpu.memref_slice %arg9[%run_scoped3A, %dma_wait3A, %dma_wait3A_76] : memref<2x128x64xf32, #tpu.memory_space<vmem>> -> memref<1x128x64xf32, #tpu.memory_space<vmem>>
      %dma_wait3A_78 = tpu.memref_squeeze %dma_wait3A_77 : memref<1x128x64xf32, #tpu.memory_space<vmem>> -> memref<128x64xf32, #tpu.memory_space<vmem>>
      %dma_wait3A_79 = arith.constant 0 : i32
      %dma_wait3A_80 = tpu.memref_slice %arg10[%add3A_5, %dma_wait3A_79] : memref<10240x64xf32, #tpu.memory_space<vmem_shared>> -> memref<128x64xf32, #tpu.memory_space<vmem_shared>>
      %dma_wait3A_81 = arith.constant 0 : i32
      %dma_wait3A_82 = tpu.memref_slice %arg10[%add3A_5, %dma_wait3A_81] : memref<10240x64xf32, #tpu.memory_space<vmem_shared>> -> memref<128x64xf32, #tpu.memory_space<vmem_shared>>
      %dma_wait3A_83 = arith.constant 0 : i32
      %dma_wait3A_84 = arith.constant 0 : i32
      %dma_wait3A_85 = tpu.memref_slice %arg9[%run_scoped3A, %dma_wait3A_83, %dma_wait3A_84] : memref<2x128x64xf32, #tpu.memory_space<vmem>> -> memref<1x128x64xf32, #tpu.memory_space<vmem>>
      %dma_wait3A_86 = tpu.memref_squeeze %dma_wait3A_85 : memref<1x128x64xf32, #tpu.memory_space<vmem>> -> memref<128x64xf32, #tpu.memory_space<vmem>>
      tpu.wait_dma2 semaphore(%run_scoped3A_64 : memref<!tpu.dma_semaphore, #tpu.memory_space<semaphore_mem>>) src(%dma_wait3A_86 : memref<128x64xf32, #tpu.memory_space<vmem>>) dst(%dma_wait3A_82 : memref<128x64xf32, #tpu.memory_space<vmem_shared>>)
      tpu.yield
    }) : () -> ()
    %mul3A_6 = arith.constant 640 : i32
    %mul3A_7 = arith.muli %arg1, %mul3A_6 : i32
    %add3A_8 = arith.constant 128 : i32
    %add3A_9 = arith.addi %mul3A_7, %add3A_8 : i32
    %run_scoped3A_10 = arith.constant 0 : i32
    "tpu.region"() ({
      %run_scoped3A_64 = tpu.sem_alloc : memref<!tpu.dma_semaphore, #tpu.memory_space<semaphore_mem>>
      %dma_start3A = arith.constant 0 : i32
      %dma_start3A_65 = arith.constant 0 : i32
      %dma_start3A_66 = tpu.memref_slice %arg9[%run_scoped3A_10, %dma_start3A, %dma_start3A_65] : memref<2x128x64xf32, #tpu.memory_space<vmem>> -> memref<1x128x64xf32, #tpu.memory_space<vmem>>
      %dma_start3A_67 = tpu.memref_squeeze %dma_start3A_66 : memref<1x128x64xf32, #tpu.memory_space<vmem>> -> memref<128x64xf32, #tpu.memory_space<vmem>>
      %dma_start3A_68 = arith.constant 0 : i32
      %dma_start3A_69 = tpu.memref_slice %arg10[%add3A_9, %dma_start3A_68] : memref<10240x64xf32, #tpu.memory_space<vmem_shared>> -> memref<128x64xf32, #tpu.memory_space<vmem_shared>>
      %dma_start3A_70 = arith.constant 0 : i32
      %dma_start3A_71 = tpu.memref_slice %arg10[%add3A_9, %dma_start3A_70] : memref<10240x64xf32, #tpu.memory_space<vmem_shared>> -> memref<128x64xf32, #tpu.memory_space<vmem_shared>>
      %dma_start3A_72 = arith.constant 0 : i32
      %dma_start3A_73 = arith.constant 0 : i32
      %dma_start3A_74 = tpu.memref_slice %arg9[%run_scoped3A_10, %dma_start3A_72, %dma_start3A_73] : memref<2x128x64xf32, #tpu.memory_space<vmem>> -> memref<1x128x64xf32, #tpu.memory_space<vmem>>
      %dma_start3A_75 = tpu.memref_squeeze %dma_start3A_74 : memref<1x128x64xf32, #tpu.memory_space<vmem>> -> memref<128x64xf32, #tpu.memory_space<vmem>>
      tpu.enqueue_dma source(%dma_start3A_75 : memref<128x64xf32, #tpu.memory_space<vmem>>) target(%dma_start3A_71 : memref<128x64xf32, #tpu.memory_space<vmem_shared>>) target_semaphore(%run_scoped3A_64 : memref<!tpu.dma_semaphore, #tpu.memory_space<semaphore_mem>>)
      %dma_wait3A = arith.constant 0 : i32
      %dma_wait3A_76 = arith.constant 0 : i32
      %dma_wait3A_77 = tpu.memref_slice %arg9[%run_scoped3A_10, %dma_wait3A, %dma_wait3A_76] : memref<2x128x64xf32, #tpu.memory_space<vmem>> -> memref<1x128x64xf32, #tpu.memory_space<vmem>>
      %dma_wait3A_78 = tpu.memref_squeeze %dma_wait3A_77 : memref<1x128x64xf32, #tpu.memory_space<vmem>> -> memref<128x64xf32, #tpu.memory_space<vmem>>
      %dma_wait3A_79 = arith.constant 0 : i32
      %dma_wait3A_80 = tpu.memref_slice %arg10[%add3A_9, %dma_wait3A_79] : memref<10240x64xf32, #tpu.memory_space<vmem_shared>> -> memref<128x64xf32, #tpu.memory_space<vmem_shared>>
      %dma_wait3A_81 = arith.constant 0 : i32
      %dma_wait3A_82 = tpu.memref_slice %arg10[%add3A_9, %dma_wait3A_81] : memref<10240x64xf32, #tpu.memory_space<vmem_shared>> -> memref<128x64xf32, #tpu.memory_space<vmem_shared>>
      %dma_wait3A_83 = arith.constant 0 : i32
      %dma_wait3A_84 = arith.constant 0 : i32
      %dma_wait3A_85 = tpu.memref_slice %arg9[%run_scoped3A_10, %dma_wait3A_83, %dma_wait3A_84] : memref<2x128x64xf32, #tpu.memory_space<vmem>> -> memref<1x128x64xf32, #tpu.memory_space<vmem>>
      %dma_wait3A_86 = tpu.memref_squeeze %dma_wait3A_85 : memref<1x128x64xf32, #tpu.memory_space<vmem>> -> memref<128x64xf32, #tpu.memory_space<vmem>>
      tpu.wait_dma2 semaphore(%run_scoped3A_64 : memref<!tpu.dma_semaphore, #tpu.memory_space<semaphore_mem>>) src(%dma_wait3A_86 : memref<128x64xf32, #tpu.memory_space<vmem>>) dst(%dma_wait3A_82 : memref<128x64xf32, #tpu.memory_space<vmem_shared>>)
      tpu.yield
    }) : () -> ()
    %mul3A_11 = arith.constant 640 : i32
    %mul3A_12 = arith.muli %arg1, %mul3A_11 : i32
    %add3A_13 = arith.constant 256 : i32
    %add3A_14 = arith.addi %mul3A_12, %add3A_13 : i32
    %run_scoped3A_15 = arith.constant 0 : i32
    "tpu.region"() ({
      %run_scoped3A_64 = tpu.sem_alloc : memref<!tpu.dma_semaphore, #tpu.memory_space<semaphore_mem>>
      %dma_start3A = arith.constant 0 : i32
      %dma_start3A_65 = arith.constant 0 : i32
      %dma_start3A_66 = tpu.memref_slice %arg9[%run_scoped3A_15, %dma_start3A, %dma_start3A_65] : memref<2x128x64xf32, #tpu.memory_space<vmem>> -> memref<1x128x64xf32, #tpu.memory_space<vmem>>
      %dma_start3A_67 = tpu.memref_squeeze %dma_start3A_66 : memref<1x128x64xf32, #tpu.memory_space<vmem>> -> memref<128x64xf32, #tpu.memory_space<vmem>>
      %dma_start3A_68 = arith.constant 0 : i32
      %dma_start3A_69 = tpu.memref_slice %arg10[%add3A_14, %dma_start3A_68] : memref<10240x64xf32, #tpu.memory_space<vmem_shared>> -> memref<128x64xf32, #tpu.memory_space<vmem_shared>>
      %dma_start3A_70 = arith.constant 0 : i32
      %dma_start3A_71 = tpu.memref_slice %arg10[%add3A_14, %dma_start3A_70] : memref<10240x64xf32, #tpu.memory_space<vmem_shared>> -> memref<128x64xf32, #tpu.memory_space<vmem_shared>>
      %dma_start3A_72 = arith.constant 0 : i32
      %dma_start3A_73 = arith.constant 0 : i32
      %dma_start3A_74 = tpu.memref_slice %arg9[%run_scoped3A_15, %dma_start3A_72, %dma_start3A_73] : memref<2x128x64xf32, #tpu.memory_space<vmem>> -> memref<1x128x64xf32, #tpu.memory_space<vmem>>
      %dma_start3A_75 = tpu.memref_squeeze %dma_start3A_74 : memref<1x128x64xf32, #tpu.memory_space<vmem>> -> memref<128x64xf32, #tpu.memory_space<vmem>>
      tpu.enqueue_dma source(%dma_start3A_75 : memref<128x64xf32, #tpu.memory_space<vmem>>) target(%dma_start3A_71 : memref<128x64xf32, #tpu.memory_space<vmem_shared>>) target_semaphore(%run_scoped3A_64 : memref<!tpu.dma_semaphore, #tpu.memory_space<semaphore_mem>>)
      %dma_wait3A = arith.constant 0 : i32
      %dma_wait3A_76 = arith.constant 0 : i32
      %dma_wait3A_77 = tpu.memref_slice %arg9[%run_scoped3A_15, %dma_wait3A, %dma_wait3A_76] : memref<2x128x64xf32, #tpu.memory_space<vmem>> -> memref<1x128x64xf32, #tpu.memory_space<vmem>>
      %dma_wait3A_78 = tpu.memref_squeeze %dma_wait3A_77 : memref<1x128x64xf32, #tpu.memory_space<vmem>> -> memref<128x64xf32, #tpu.memory_space<vmem>>
      %dma_wait3A_79 = arith.constant 0 : i32
      %dma_wait3A_80 = tpu.memref_slice %arg10[%add3A_14, %dma_wait3A_79] : memref<10240x64xf32, #tpu.memory_space<vmem_shared>> -> memref<128x64xf32, #tpu.memory_space<vmem_shared>>
      %dma_wait3A_81 = arith.constant 0 : i32
      %dma_wait3A_82 = tpu.memref_slice %arg10[%add3A_14, %dma_wait3A_81] : memref<10240x64xf32, #tpu.memory_space<vmem_shared>> -> memref<128x64xf32, #tpu.memory_space<vmem_shared>>
      %dma_wait3A_83 = arith.constant 0 : i32
      %dma_wait3A_84 = arith.constant 0 : i32
      %dma_wait3A_85 = tpu.memref_slice %arg9[%run_scoped3A_15, %dma_wait3A_83, %dma_wait3A_84] : memref<2x128x64xf32, #tpu.memory_space<vmem>> -> memref<1x128x64xf32, #tpu.memory_space<vmem>>
      %dma_wait3A_86 = tpu.memref_squeeze %dma_wait3A_85 : memref<1x128x64xf32, #tpu.memory_space<vmem>> -> memref<128x64xf32, #tpu.memory_space<vmem>>
      tpu.wait_dma2 semaphore(%run_scoped3A_64 : memref<!tpu.dma_semaphore, #tpu.memory_space<semaphore_mem>>) src(%dma_wait3A_86 : memref<128x64xf32, #tpu.memory_space<vmem>>) dst(%dma_wait3A_82 : memref<128x64xf32, #tpu.memory_space<vmem_shared>>)
      tpu.yield
    }) : () -> ()
    %mul3A_16 = arith.constant 640 : i32
    %mul3A_17 = arith.muli %arg1, %mul3A_16 : i32
    %add3A_18 = arith.constant 384 : i32
    %add3A_19 = arith.addi %mul3A_17, %add3A_18 : i32
    %run_scoped3A_20 = arith.constant 0 : i32
    "tpu.region"() ({
      %run_scoped3A_64 = tpu.sem_alloc : memref<!tpu.dma_semaphore, #tpu.memory_space<semaphore_mem>>
      %dma_start3A = arith.constant 0 : i32
      %dma_start3A_65 = arith.constant 0 : i32
      %dma_start3A_66 = tpu.memref_slice %arg9[%run_scoped3A_20, %dma_start3A, %dma_start3A_65] : memref<2x128x64xf32, #tpu.memory_space<vmem>> -> memref<1x128x64xf32, #tpu.memory_space<vmem>>
      %dma_start3A_67 = tpu.memref_squeeze %dma_start3A_66 : memref<1x128x64xf32, #tpu.memory_space<vmem>> -> memref<128x64xf32, #tpu.memory_space<vmem>>
      %dma_start3A_68 = arith.constant 0 : i32
      %dma_start3A_69 = tpu.memref_slice %arg10[%add3A_19, %dma_start3A_68] : memref<10240x64xf32, #tpu.memory_space<vmem_shared>> -> memref<128x64xf32, #tpu.memory_space<vmem_shared>>
      %dma_start3A_70 = arith.constant 0 : i32
      %dma_start3A_71 = tpu.memref_slice %arg10[%add3A_19, %dma_start3A_70] : memref<10240x64xf32, #tpu.memory_space<vmem_shared>> -> memref<128x64xf32, #tpu.memory_space<vmem_shared>>
      %dma_start3A_72 = arith.constant 0 : i32
      %dma_start3A_73 = arith.constant 0 : i32
      %dma_start3A_74 = tpu.memref_slice %arg9[%run_scoped3A_20, %dma_start3A_72, %dma_start3A_73] : memref<2x128x64xf32, #tpu.memory_space<vmem>> -> memref<1x128x64xf32, #tpu.memory_space<vmem>>
      %dma_start3A_75 = tpu.memref_squeeze %dma_start3A_74 : memref<1x128x64xf32, #tpu.memory_space<vmem>> -> memref<128x64xf32, #tpu.memory_space<vmem>>
      tpu.enqueue_dma source(%dma_start3A_75 : memref<128x64xf32, #tpu.memory_space<vmem>>) target(%dma_start3A_71 : memref<128x64xf32, #tpu.memory_space<vmem_shared>>) target_semaphore(%run_scoped3A_64 : memref<!tpu.dma_semaphore, #tpu.memory_space<semaphore_mem>>)
      %dma_wait3A = arith.constant 0 : i32
      %dma_wait3A_76 = arith.constant 0 : i32
      %dma_wait3A_77 = tpu.memref_slice %arg9[%run_scoped3A_20, %dma_wait3A, %dma_wait3A_76] : memref<2x128x64xf32, #tpu.memory_space<vmem>> -> memref<1x128x64xf32, #tpu.memory_space<vmem>>
      %dma_wait3A_78 = tpu.memref_squeeze %dma_wait3A_77 : memref<1x128x64xf32, #tpu.memory_space<vmem>> -> memref<128x64xf32, #tpu.memory_space<vmem>>
      %dma_wait3A_79 = arith.constant 0 : i32
      %dma_wait3A_80 = tpu.memref_slice %arg10[%add3A_19, %dma_wait3A_79] : memref<10240x64xf32, #tpu.memory_space<vmem_shared>> -> memref<128x64xf32, #tpu.memory_space<vmem_shared>>
      %dma_wait3A_81 = arith.constant 0 : i32
      %dma_wait3A_82 = tpu.memref_slice %arg10[%add3A_19, %dma_wait3A_81] : memref<10240x64xf32, #tpu.memory_space<vmem_shared>> -> memref<128x64xf32, #tpu.memory_space<vmem_shared>>
      %dma_wait3A_83 = arith.constant 0 : i32
      %dma_wait3A_84 = arith.constant 0 : i32
      %dma_wait3A_85 = tpu.memref_slice %arg9[%run_scoped3A_20, %dma_wait3A_83, %dma_wait3A_84] : memref<2x128x64xf32, #tpu.memory_space<vmem>> -> memref<1x128x64xf32, #tpu.memory_space<vmem>>
      %dma_wait3A_86 = tpu.memref_squeeze %dma_wait3A_85 : memref<1x128x64xf32, #tpu.memory_space<vmem>> -> memref<128x64xf32, #tpu.memory_space<vmem>>
      tpu.wait_dma2 semaphore(%run_scoped3A_64 : memref<!tpu.dma_semaphore, #tpu.memory_space<semaphore_mem>>) src(%dma_wait3A_86 : memref<128x64xf32, #tpu.memory_space<vmem>>) dst(%dma_wait3A_82 : memref<128x64xf32, #tpu.memory_space<vmem_shared>>)
      tpu.yield
    }) : () -> ()
    %mul3A_21 = arith.constant 640 : i32
    %mul3A_22 = arith.muli %arg1, %mul3A_21 : i32
    %add3A_23 = arith.constant 512 : i32
    %add3A_24 = arith.addi %mul3A_22, %add3A_23 : i32
    %run_scoped3A_25 = arith.constant 0 : i32
    "tpu.region"() ({
      %run_scoped3A_64 = tpu.sem_alloc : memref<!tpu.dma_semaphore, #tpu.memory_space<semaphore_mem>>
      %dma_start3A = arith.constant 0 : i32
      %dma_start3A_65 = arith.constant 0 : i32
      %dma_start3A_66 = tpu.memref_slice %arg9[%run_scoped3A_25, %dma_start3A, %dma_start3A_65] : memref<2x128x64xf32, #tpu.memory_space<vmem>> -> memref<1x128x64xf32, #tpu.memory_space<vmem>>
      %dma_start3A_67 = tpu.memref_squeeze %dma_start3A_66 : memref<1x128x64xf32, #tpu.memory_space<vmem>> -> memref<128x64xf32, #tpu.memory_space<vmem>>
      %dma_start3A_68 = arith.constant 0 : i32
      %dma_start3A_69 = tpu.memref_slice %arg10[%add3A_24, %dma_start3A_68] : memref<10240x64xf32, #tpu.memory_space<vmem_shared>> -> memref<128x64xf32, #tpu.memory_space<vmem_shared>>
      %dma_start3A_70 = arith.constant 0 : i32
      %dma_start3A_71 = tpu.memref_slice %arg10[%add3A_24, %dma_start3A_70] : memref<10240x64xf32, #tpu.memory_space<vmem_shared>> -> memref<128x64xf32, #tpu.memory_space<vmem_shared>>
      %dma_start3A_72 = arith.constant 0 : i32
      %dma_start3A_73 = arith.constant 0 : i32
      %dma_start3A_74 = tpu.memref_slice %arg9[%run_scoped3A_25, %dma_start3A_72, %dma_start3A_73] : memref<2x128x64xf32, #tpu.memory_space<vmem>> -> memref<1x128x64xf32, #tpu.memory_space<vmem>>
      %dma_start3A_75 = tpu.memref_squeeze %dma_start3A_74 : memref<1x128x64xf32, #tpu.memory_space<vmem>> -> memref<128x64xf32, #tpu.memory_space<vmem>>
      tpu.enqueue_dma source(%dma_start3A_75 : memref<128x64xf32, #tpu.memory_space<vmem>>) target(%dma_start3A_71 : memref<128x64xf32, #tpu.memory_space<vmem_shared>>) target_semaphore(%run_scoped3A_64 : memref<!tpu.dma_semaphore, #tpu.memory_space<semaphore_mem>>)
      %dma_wait3A = arith.constant 0 : i32
      %dma_wait3A_76 = arith.constant 0 : i32
      %dma_wait3A_77 = tpu.memref_slice %arg9[%run_scoped3A_25, %dma_wait3A, %dma_wait3A_76] : memref<2x128x64xf32, #tpu.memory_space<vmem>> -> memref<1x128x64xf32, #tpu.memory_space<vmem>>
      %dma_wait3A_78 = tpu.memref_squeeze %dma_wait3A_77 : memref<1x128x64xf32, #tpu.memory_space<vmem>> -> memref<128x64xf32, #tpu.memory_space<vmem>>
      %dma_wait3A_79 = arith.constant 0 : i32
      %dma_wait3A_80 = tpu.memref_slice %arg10[%add3A_24, %dma_wait3A_79] : memref<10240x64xf32, #tpu.memory_space<vmem_shared>> -> memref<128x64xf32, #tpu.memory_space<vmem_shared>>
      %dma_wait3A_81 = arith.constant 0 : i32
      %dma_wait3A_82 = tpu.memref_slice %arg10[%add3A_24, %dma_wait3A_81] : memref<10240x64xf32, #tpu.memory_space<vmem_shared>> -> memref<128x64xf32, #tpu.memory_space<vmem_shared>>
      %dma_wait3A_83 = arith.constant 0 : i32
      %dma_wait3A_84 = arith.constant 0 : i32
      %dma_wait3A_85 = tpu.memref_slice %arg9[%run_scoped3A_25, %dma_wait3A_83, %dma_wait3A_84] : memref<2x128x64xf32, #tpu.memory_space<vmem>> -> memref<1x128x64xf32, #tpu.memory_space<vmem>>
      %dma_wait3A_86 = tpu.memref_squeeze %dma_wait3A_85 : memref<1x128x64xf32, #tpu.memory_space<vmem>> -> memref<128x64xf32, #tpu.memory_space<vmem>>
      tpu.wait_dma2 semaphore(%run_scoped3A_64 : memref<!tpu.dma_semaphore, #tpu.memory_space<semaphore_mem>>) src(%dma_wait3A_86 : memref<128x64xf32, #tpu.memory_space<vmem>>) dst(%dma_wait3A_82 : memref<128x64xf32, #tpu.memory_space<vmem_shared>>)
      tpu.yield
    }) : () -> ()
    %barrier3A = arith.constant 0 : index
    tpu.barrier barrier_id(%barrier3A)
    %eq3A = arith.constant 0 : i32
    %eq3A_26 = arith.cmpi eq, %arg0, %eq3A : i32
    %convert_element_type3A = arith.extui %eq3A_26 : i1 to i32
    %cond3A = arith.constant 0 : i32
    %cond3A_27 = arith.cmpi ne, %convert_element_type3A, %cond3A : i32
    scf.if %cond3A_27 {
      %dma_start3A = arith.constant 0 : i32
      %dma_start3A_64 = arith.constant 0 : i32
      %dma_start3A_65 = arith.constant 0 : i32
      %dma_start3A_66 = arith.constant 0 : i32
      %dma_start3A_67 = tpu.memref_slice %arg9[%dma_start3A_64, %dma_start3A_65, %dma_start3A_66] : memref<2x128x64xf32, #tpu.memory_space<vmem>> -> memref<1x128x64xf32, #tpu.memory_space<vmem>>
      %dma_start3A_68 = tpu.memref_squeeze %dma_start3A_67 : memref<1x128x64xf32, #tpu.memory_space<vmem>> -> memref<128x64xf32, #tpu.memory_space<vmem>>
      %dma_start3A_69 = arith.constant 0 : i32
      %dma_start3A_70 = tpu.memref_slice %arg7[%dma_start3A, %dma_start3A_69] : memref<158x128xi32, #tpu.memory_space<vmem>> -> memref<1x128xi32, #tpu.memory_space<vmem>>
      %dma_start3A_71 = tpu.memref_squeeze %dma_start3A_70 : memref<1x128xi32, #tpu.memory_space<vmem>> -> memref<128xi32, #tpu.memory_space<vmem>>
      %dma_start3A_72 = arith.constant 0 : i32
      %dma_start3A_73 = arith.constant 0 : i32
      %dma_start3A_74 = tpu.memref_slice %arg2[%dma_start3A_72, %dma_start3A_73] : memref<10240x64xf32, #tpu.memory_space<hbm>> -> memref<10240x64xf32, #tpu.memory_space<hbm>>
      tpu.enqueue_indirect_dma source(%dma_start3A_74 : memref<10240x64xf32, #tpu.memory_space<hbm>>) target(%dma_start3A_68 : memref<128x64xf32, #tpu.memory_space<vmem>>) offsets(%dma_start3A_71 : memref<128xi32, #tpu.memory_space<vmem>>) semaphore(%arg11 : memref<!tpu.dma_semaphore, #tpu.memory_space<semaphore_mem>>)
      %dma_wait3A = arith.constant 0 : i32
      %dma_wait3A_75 = arith.constant 0 : i32
      %dma_wait3A_76 = arith.constant 0 : i32
      %dma_wait3A_77 = arith.constant 0 : i32
      %dma_wait3A_78 = tpu.memref_slice %arg9[%dma_wait3A_75, %dma_wait3A_76, %dma_wait3A_77] : memref<2x128x64xf32, #tpu.memory_space<vmem>> -> memref<1x128x64xf32, #tpu.memory_space<vmem>>
      %dma_wait3A_79 = tpu.memref_squeeze %dma_wait3A_78 : memref<1x128x64xf32, #tpu.memory_space<vmem>> -> memref<128x64xf32, #tpu.memory_space<vmem>>
      %dma_wait3A_80 = arith.constant 0 : i32
      %dma_wait3A_81 = tpu.memref_slice %arg7[%dma_wait3A, %dma_wait3A_80] : memref<158x128xi32, #tpu.memory_space<vmem>> -> memref<1x128xi32, #tpu.memory_space<vmem>>
      %dma_wait3A_82 = tpu.memref_squeeze %dma_wait3A_81 : memref<1x128xi32, #tpu.memory_space<vmem>> -> memref<128xi32, #tpu.memory_space<vmem>>
      %dma_wait3A_83 = arith.constant 0 : i32
      %dma_wait3A_84 = arith.constant 0 : i32
      %dma_wait3A_85 = tpu.memref_slice %arg2[%dma_wait3A_83, %dma_wait3A_84] : memref<10240x64xf32, #tpu.memory_space<hbm>> -> memref<10240x64xf32, #tpu.memory_space<hbm>>
      tpu.wait_indirect_dma semaphore(%arg11 : memref<!tpu.dma_semaphore, #tpu.memory_space<semaphore_mem>>) src(%dma_wait3A_85 : memref<10240x64xf32, #tpu.memory_space<hbm>>) dst(%dma_wait3A_79 : memref<128x64xf32, #tpu.memory_space<vmem>>)
      %scan3A_86 = arith.constant 0 : i32
      %scan3A_87 = arith.constant 157 : i32
      %scan3A_88 = arith.addi %scan3A_86, %scan3A_87 : i32
      %scan3A_89 = arith.constant 1 : i32
      scf.for %scan3A_93 = %scan3A_86 to %scan3A_88 step %scan3A_89  : i32 {
        %mul3A_94 = arith.constant 1 : i32
        %mul3A_95 = arith.muli %scan3A_93, %mul3A_94 : i32
        %add3A_96 = arith.constant 0 : i32
        %add3A_97 = arith.addi %add3A_96, %mul3A_95 : i32
        %add3A_98 = arith.constant 1 : i32
        %add3A_99 = arith.addi %add3A_97, %add3A_98 : i32
        %add3A_100 = arith.constant 1 : i32
        %add3A_101 = arith.addi %add3A_97, %add3A_100 : i32
        %jit3A = arith.constant 2 : i32
        %eq3A_102 = arith.constant 0 : i32
        %eq3A_103 = arith.cmpi eq, %jit3A, %eq3A_102 : i32
        %jit3A_104 = arith.constant 1 : i32
        %select_n3A = arith.select %eq3A_103, %jit3A_104, %jit3A : i32
        %rem3A = arith.remsi %add3A_101, %select_n3A : i32
        %ne3A = arith.constant 0 : i32
        %ne3A_105 = arith.cmpi ne, %rem3A, %ne3A : i32
        %lt3A = arith.constant 0 : i32
        %lt3A_106 = arith.cmpi slt, %rem3A, %lt3A : i32
        %lt3A_107 = arith.constant 0 : i32
        %lt3A_108 = arith.cmpi slt, %select_n3A, %lt3A_107 : i32
        %ne3A_109 = arith.xori %lt3A_106, %lt3A_108 : i1
        %and3A = arith.andi %ne3A_109, %ne3A_105 : i1
        %add3A_110 = arith.addi %rem3A, %select_n3A : i32
        %select_n3A_111 = arith.select %and3A, %add3A_110, %rem3A : i32
        %dma_start3A_112 = arith.constant 0 : i32
        %dma_start3A_113 = arith.constant 0 : i32
        %dma_start3A_114 = tpu.memref_slice %arg9[%select_n3A_111, %dma_start3A_112, %dma_start3A_113] : memref<2x128x64xf32, #tpu.memory_space<vmem>> -> memref<1x128x64xf32, #tpu.memory_space<vmem>>
        %dma_start3A_115 = tpu.memref_squeeze %dma_start3A_114 : memref<1x128x64xf32, #tpu.memory_space<vmem>> -> memref<128x64xf32, #tpu.memory_space<vmem>>
        %dma_start3A_116 = arith.constant 0 : i32
        %dma_start3A_117 = tpu.memref_slice %arg7[%add3A_99, %dma_start3A_116] : memref<158x128xi32, #tpu.memory_space<vmem>> -> memref<1x128xi32, #tpu.memory_space<vmem>>
        %dma_start3A_118 = tpu.memref_squeeze %dma_start3A_117 : memref<1x128xi32, #tpu.memory_space<vmem>> -> memref<128xi32, #tpu.memory_space<vmem>>
        %dma_start3A_119 = arith.constant 0 : i32
        %dma_start3A_120 = arith.constant 0 : i32
        %dma_start3A_121 = tpu.memref_slice %arg2[%dma_start3A_119, %dma_start3A_120] : memref<10240x64xf32, #tpu.memory_space<hbm>> -> memref<10240x64xf32, #tpu.memory_space<hbm>>
        tpu.enqueue_indirect_dma source(%dma_start3A_121 : memref<10240x64xf32, #tpu.memory_space<hbm>>) target(%dma_start3A_115 : memref<128x64xf32, #tpu.memory_space<vmem>>) offsets(%dma_start3A_118 : memref<128xi32, #tpu.memory_space<vmem>>) semaphore(%arg12 : memref<!tpu.dma_semaphore, #tpu.memory_space<semaphore_mem>>)
        %jit3A_122 = arith.constant 2 : i32
        %eq3A_123 = arith.constant 0 : i32
        %eq3A_124 = arith.cmpi eq, %jit3A_122, %eq3A_123 : i32
        %jit3A_125 = arith.constant 1 : i32
        %select_n3A_126 = arith.select %eq3A_124, %jit3A_125, %jit3A_122 : i32
        %rem3A_127 = arith.remsi %add3A_97, %select_n3A_126 : i32
        %ne3A_128 = arith.constant 0 : i32
        %ne3A_129 = arith.cmpi ne, %rem3A_127, %ne3A_128 : i32
        %lt3A_130 = arith.constant 0 : i32
        %lt3A_131 = arith.cmpi slt, %rem3A_127, %lt3A_130 : i32
        %lt3A_132 = arith.constant 0 : i32
        %lt3A_133 = arith.cmpi slt, %select_n3A_126, %lt3A_132 : i32
        %ne3A_134 = arith.xori %lt3A_131, %lt3A_133 : i1
        %and3A_135 = arith.andi %ne3A_134, %ne3A_129 : i1
        %add3A_136 = arith.addi %rem3A_127, %select_n3A_126 : i32
        %select_n3A_137 = arith.select %and3A_135, %add3A_136, %rem3A_127 : i32
        "tpu.region"() ({
          %run_scoped3A_148 = tpu.sem_alloc : memref<!tpu.dma_semaphore, #tpu.memory_space<semaphore_mem>>
          %dma_start3A_149 = arith.constant 0 : i32
          %dma_start3A_150 = arith.constant 0 : i32
          %dma_start3A_151 = tpu.memref_slice %arg9[%select_n3A_137, %dma_start3A_149, %dma_start3A_150] : memref<2x128x64xf32, #tpu.memory_space<vmem>> -> memref<1x128x64xf32, #tpu.memory_space<vmem>>
          %dma_start3A_152 = tpu.memref_squeeze %dma_start3A_151 : memref<1x128x64xf32, #tpu.memory_space<vmem>> -> memref<128x64xf32, #tpu.memory_space<vmem>>
          %dma_start3A_153 = arith.constant 0 : i32
          %dma_start3A_154 = tpu.memref_slice %arg8[%add3A_97, %dma_start3A_153] : memref<158x128xi32, #tpu.memory_space<vmem>> -> memref<1x128xi32, #tpu.memory_space<vmem>>
          %dma_start3A_155 = tpu.memref_squeeze %dma_start3A_154 : memref<1x128xi32, #tpu.memory_space<vmem>> -> memref<128xi32, #tpu.memory_space<vmem>>
          %dma_start3A_156 = arith.constant 0 : i32
          %dma_start3A_157 = arith.constant 0 : i32
          %dma_start3A_158 = tpu.memref_slice %arg10[%dma_start3A_156, %dma_start3A_157] : memref<10240x64xf32, #tpu.memory_space<vmem_shared>> -> memref<10240x64xf32, #tpu.memory_space<vmem_shared>>
          tpu.enqueue_indirect_dma source(%dma_start3A_152 : memref<128x64xf32, #tpu.memory_space<vmem>>) target(%dma_start3A_158 : memref<10240x64xf32, #tpu.memory_space<vmem_shared>>) offsets(%dma_start3A_155 : memref<128xi32, #tpu.memory_space<vmem>>) semaphore(%run_scoped3A_148 : memref<!tpu.dma_semaphore, #tpu.memory_space<semaphore_mem>>) {add = true}
          %dma_wait3A_159 = arith.constant 0 : i32
          %dma_wait3A_160 = arith.constant 0 : i32
          %dma_wait3A_161 = tpu.memref_slice %arg9[%select_n3A_137, %dma_wait3A_159, %dma_wait3A_160] : memref<2x128x64xf32, #tpu.memory_space<vmem>> -> memref<1x128x64xf32, #tpu.memory_space<vmem>>
          %dma_wait3A_162 = tpu.memref_squeeze %dma_wait3A_161 : memref<1x128x64xf32, #tpu.memory_space<vmem>> -> memref<128x64xf32, #tpu.memory_space<vmem>>
          %dma_wait3A_163 = arith.constant 0 : i32
          %dma_wait3A_164 = tpu.memref_slice %arg8[%add3A_97, %dma_wait3A_163] : memref<158x128xi32, #tpu.memory_space<vmem>> -> memref<1x128xi32, #tpu.memory_space<vmem>>
          %dma_wait3A_165 = tpu.memref_squeeze %dma_wait3A_164 : memref<1x128xi32, #tpu.memory_space<vmem>> -> memref<128xi32, #tpu.memory_space<vmem>>
          %dma_wait3A_166 = arith.constant 0 : i32
          %dma_wait3A_167 = arith.constant 0 : i32
          %dma_wait3A_168 = tpu.memref_slice %arg10[%dma_wait3A_166, %dma_wait3A_167] : memref<10240x64xf32, #tpu.memory_space<vmem_shared>> -> memref<10240x64xf32, #tpu.memory_space<vmem_shared>>
          tpu.wait_indirect_dma semaphore(%run_scoped3A_148 : memref<!tpu.dma_semaphore, #tpu.memory_space<semaphore_mem>>) src(%dma_wait3A_162 : memref<128x64xf32, #tpu.memory_space<vmem>>) dst(%dma_wait3A_168 : memref<10240x64xf32, #tpu.memory_space<vmem_shared>>)
          tpu.yield
        }) : () -> ()
        %dma_wait3A_138 = arith.constant 0 : i32
        %dma_wait3A_139 = arith.constant 0 : i32
        %dma_wait3A_140 = tpu.memref_slice %arg9[%select_n3A_111, %dma_wait3A_138, %dma_wait3A_139] : memref<2x128x64xf32, #tpu.memory_space<vmem>> -> memref<1x128x64xf32, #tpu.memory_space<vmem>>
        %dma_wait3A_141 = tpu.memref_squeeze %dma_wait3A_140 : memref<1x128x64xf32, #tpu.memory_space<vmem>> -> memref<128x64xf32, #tpu.memory_space<vmem>>
        %dma_wait3A_142 = arith.constant 0 : i32
        %dma_wait3A_143 = tpu.memref_slice %arg7[%add3A_99, %dma_wait3A_142] : memref<158x128xi32, #tpu.memory_space<vmem>> -> memref<1x128xi32, #tpu.memory_space<vmem>>
        %dma_wait3A_144 = tpu.memref_squeeze %dma_wait3A_143 : memref<1x128xi32, #tpu.memory_space<vmem>> -> memref<128xi32, #tpu.memory_space<vmem>>
        %dma_wait3A_145 = arith.constant 0 : i32
        %dma_wait3A_146 = arith.constant 0 : i32
        %dma_wait3A_147 = tpu.memref_slice %arg2[%dma_wait3A_145, %dma_wait3A_146] : memref<10240x64xf32, #tpu.memory_space<hbm>> -> memref<10240x64xf32, #tpu.memory_space<hbm>>
        tpu.wait_indirect_dma semaphore(%arg12 : memref<!tpu.dma_semaphore, #tpu.memory_space<semaphore_mem>>) src(%dma_wait3A_147 : memref<10240x64xf32, #tpu.memory_space<hbm>>) dst(%dma_wait3A_141 : memref<128x64xf32, #tpu.memory_space<vmem>>)
      }
      %scan3A_90 = arith.constant 157 : i32
      %run_scoped3A_91 = arith.constant 1 : i32
      %run_scoped3A_92 = arith.constant 157 : i32
      "tpu.region"() ({
        %run_scoped3A_93 = tpu.sem_alloc : memref<!tpu.dma_semaphore, #tpu.memory_space<semaphore_mem>>
        %dma_start3A_94 = arith.constant 0 : i32
        %dma_start3A_95 = arith.constant 0 : i32
        %dma_start3A_96 = tpu.memref_slice %arg9[%run_scoped3A_91, %dma_start3A_94, %dma_start3A_95] : memref<2x128x64xf32, #tpu.memory_space<vmem>> -> memref<1x128x64xf32, #tpu.memory_space<vmem>>
        %dma_start3A_97 = tpu.memref_squeeze %dma_start3A_96 : memref<1x128x64xf32, #tpu.memory_space<vmem>> -> memref<128x64xf32, #tpu.memory_space<vmem>>
        %dma_start3A_98 = arith.constant 0 : i32
        %dma_start3A_99 = tpu.memref_slice %arg8[%run_scoped3A_92, %dma_start3A_98] : memref<158x128xi32, #tpu.memory_space<vmem>> -> memref<1x128xi32, #tpu.memory_space<vmem>>
        %dma_start3A_100 = tpu.memref_squeeze %dma_start3A_99 : memref<1x128xi32, #tpu.memory_space<vmem>> -> memref<128xi32, #tpu.memory_space<vmem>>
        %dma_start3A_101 = arith.constant 0 : i32
        %dma_start3A_102 = arith.constant 0 : i32
        %dma_start3A_103 = tpu.memref_slice %arg10[%dma_start3A_101, %dma_start3A_102] : memref<10240x64xf32, #tpu.memory_space<vmem_shared>> -> memref<10240x64xf32, #tpu.memory_space<vmem_shared>>
        tpu.enqueue_indirect_dma source(%dma_start3A_97 : memref<128x64xf32, #tpu.memory_space<vmem>>) target(%dma_start3A_103 : memref<10240x64xf32, #tpu.memory_space<vmem_shared>>) offsets(%dma_start3A_100 : memref<128xi32, #tpu.memory_space<vmem>>) semaphore(%run_scoped3A_93 : memref<!tpu.dma_semaphore, #tpu.memory_space<semaphore_mem>>) {add = true}
        %dma_wait3A_104 = arith.constant 0 : i32
        %dma_wait3A_105 = arith.constant 0 : i32
        %dma_wait3A_106 = tpu.memref_slice %arg9[%run_scoped3A_91, %dma_wait3A_104, %dma_wait3A_105] : memref<2x128x64xf32, #tpu.memory_space<vmem>> -> memref<1x128x64xf32, #tpu.memory_space<vmem>>
        %dma_wait3A_107 = tpu.memref_squeeze %dma_wait3A_106 : memref<1x128x64xf32, #tpu.memory_space<vmem>> -> memref<128x64xf32, #tpu.memory_space<vmem>>
        %dma_wait3A_108 = arith.constant 0 : i32
        %dma_wait3A_109 = tpu.memref_slice %arg8[%run_scoped3A_92, %dma_wait3A_108] : memref<158x128xi32, #tpu.memory_space<vmem>> -> memref<1x128xi32, #tpu.memory_space<vmem>>
        %dma_wait3A_110 = tpu.memref_squeeze %dma_wait3A_109 : memref<1x128xi32, #tpu.memory_space<vmem>> -> memref<128xi32, #tpu.memory_space<vmem>>
        %dma_wait3A_111 = arith.constant 0 : i32
        %dma_wait3A_112 = arith.constant 0 : i32
        %dma_wait3A_113 = tpu.memref_slice %arg10[%dma_wait3A_111, %dma_wait3A_112] : memref<10240x64xf32, #tpu.memory_space<vmem_shared>> -> memref<10240x64xf32, #tpu.memory_space<vmem_shared>>
        tpu.wait_indirect_dma semaphore(%run_scoped3A_93 : memref<!tpu.dma_semaphore, #tpu.memory_space<semaphore_mem>>) src(%dma_wait3A_107 : memref<128x64xf32, #tpu.memory_space<vmem>>) dst(%dma_wait3A_113 : memref<10240x64xf32, #tpu.memory_space<vmem_shared>>)
        tpu.yield
      }) : () -> ()
    } else {
    }
    %eq3A_28 = arith.constant 1 : i32
    %eq3A_29 = arith.cmpi eq, %arg0, %eq3A_28 : i32
    %convert_element_type3A_30 = arith.extui %eq3A_29 : i1 to i32
    %cond3A_31 = arith.constant 0 : i32
    %cond3A_32 = arith.cmpi ne, %convert_element_type3A_30, %cond3A_31 : i32
    scf.if %cond3A_32 {
      %dma_start3A = arith.constant 0 : i32
      %dma_start3A_64 = arith.constant 0 : i32
      %dma_start3A_65 = arith.constant 0 : i32
      %dma_start3A_66 = arith.constant 0 : i32
      %dma_start3A_67 = tpu.memref_slice %arg9[%dma_start3A_64, %dma_start3A_65, %dma_start3A_66] : memref<2x128x64xf32, #tpu.memory_space<vmem>> -> memref<1x128x64xf32, #tpu.memory_space<vmem>>
      %dma_start3A_68 = tpu.memref_squeeze %dma_start3A_67 : memref<1x128x64xf32, #tpu.memory_space<vmem>> -> memref<128x64xf32, #tpu.memory_space<vmem>>
      %dma_start3A_69 = arith.constant 0 : i32
      %dma_start3A_70 = tpu.memref_slice %arg7[%dma_start3A, %dma_start3A_69] : memref<158x128xi32, #tpu.memory_space<vmem>> -> memref<1x128xi32, #tpu.memory_space<vmem>>
      %dma_start3A_71 = tpu.memref_squeeze %dma_start3A_70 : memref<1x128xi32, #tpu.memory_space<vmem>> -> memref<128xi32, #tpu.memory_space<vmem>>
      %dma_start3A_72 = arith.constant 0 : i32
      %dma_start3A_73 = arith.constant 0 : i32
      %dma_start3A_74 = tpu.memref_slice %arg3[%dma_start3A_72, %dma_start3A_73] : memref<10240x64xf32, #tpu.memory_space<hbm>> -> memref<10240x64xf32, #tpu.memory_space<hbm>>
      tpu.enqueue_indirect_dma source(%dma_start3A_74 : memref<10240x64xf32, #tpu.memory_space<hbm>>) target(%dma_start3A_68 : memref<128x64xf32, #tpu.memory_space<vmem>>) offsets(%dma_start3A_71 : memref<128xi32, #tpu.memory_space<vmem>>) semaphore(%arg11 : memref<!tpu.dma_semaphore, #tpu.memory_space<semaphore_mem>>)
      %dma_wait3A = arith.constant 0 : i32
      %dma_wait3A_75 = arith.constant 0 : i32
      %dma_wait3A_76 = arith.constant 0 : i32
      %dma_wait3A_77 = arith.constant 0 : i32
      %dma_wait3A_78 = tpu.memref_slice %arg9[%dma_wait3A_75, %dma_wait3A_76, %dma_wait3A_77] : memref<2x128x64xf32, #tpu.memory_space<vmem>> -> memref<1x128x64xf32, #tpu.memory_space<vmem>>
      %dma_wait3A_79 = tpu.memref_squeeze %dma_wait3A_78 : memref<1x128x64xf32, #tpu.memory_space<vmem>> -> memref<128x64xf32, #tpu.memory_space<vmem>>
      %dma_wait3A_80 = arith.constant 0 : i32
      %dma_wait3A_81 = tpu.memref_slice %arg7[%dma_wait3A, %dma_wait3A_80] : memref<158x128xi32, #tpu.memory_space<vmem>> -> memref<1x128xi32, #tpu.memory_space<vmem>>
      %dma_wait3A_82 = tpu.memref_squeeze %dma_wait3A_81 : memref<1x128xi32, #tpu.memory_space<vmem>> -> memref<128xi32, #tpu.memory_space<vmem>>
      %dma_wait3A_83 = arith.constant 0 : i32
      %dma_wait3A_84 = arith.constant 0 : i32
      %dma_wait3A_85 = tpu.memref_slice %arg3[%dma_wait3A_83, %dma_wait3A_84] : memref<10240x64xf32, #tpu.memory_space<hbm>> -> memref<10240x64xf32, #tpu.memory_space<hbm>>
      tpu.wait_indirect_dma semaphore(%arg11 : memref<!tpu.dma_semaphore, #tpu.memory_space<semaphore_mem>>) src(%dma_wait3A_85 : memref<10240x64xf32, #tpu.memory_space<hbm>>) dst(%dma_wait3A_79 : memref<128x64xf32, #tpu.memory_space<vmem>>)
      %scan3A_86 = arith.constant 0 : i32
      %scan3A_87 = arith.constant 157 : i32
      %scan3A_88 = arith.addi %scan3A_86, %scan3A_87 : i32
      %scan3A_89 = arith.constant 1 : i32
      scf.for %scan3A_93 = %scan3A_86 to %scan3A_88 step %scan3A_89  : i32 {
        %mul3A_94 = arith.constant 1 : i32
        %mul3A_95 = arith.muli %scan3A_93, %mul3A_94 : i32
        %add3A_96 = arith.constant 0 : i32
        %add3A_97 = arith.addi %add3A_96, %mul3A_95 : i32
        %add3A_98 = arith.constant 1 : i32
        %add3A_99 = arith.addi %add3A_97, %add3A_98 : i32
        %add3A_100 = arith.constant 1 : i32
        %add3A_101 = arith.addi %add3A_97, %add3A_100 : i32
        %jit3A = arith.constant 2 : i32
        %eq3A_102 = arith.constant 0 : i32
        %eq3A_103 = arith.cmpi eq, %jit3A, %eq3A_102 : i32
        %jit3A_104 = arith.constant 1 : i32
        %select_n3A = arith.select %eq3A_103, %jit3A_104, %jit3A : i32
        %rem3A = arith.remsi %add3A_101, %select_n3A : i32
        %ne3A = arith.constant 0 : i32
        %ne3A_105 = arith.cmpi ne, %rem3A, %ne3A : i32
        %lt3A = arith.constant 0 : i32
        %lt3A_106 = arith.cmpi slt, %rem3A, %lt3A : i32
        %lt3A_107 = arith.constant 0 : i32
        %lt3A_108 = arith.cmpi slt, %select_n3A, %lt3A_107 : i32
        %ne3A_109 = arith.xori %lt3A_106, %lt3A_108 : i1
        %and3A = arith.andi %ne3A_109, %ne3A_105 : i1
        %add3A_110 = arith.addi %rem3A, %select_n3A : i32
        %select_n3A_111 = arith.select %and3A, %add3A_110, %rem3A : i32
        %dma_start3A_112 = arith.constant 0 : i32
        %dma_start3A_113 = arith.constant 0 : i32
        %dma_start3A_114 = tpu.memref_slice %arg9[%select_n3A_111, %dma_start3A_112, %dma_start3A_113] : memref<2x128x64xf32, #tpu.memory_space<vmem>> -> memref<1x128x64xf32, #tpu.memory_space<vmem>>
        %dma_start3A_115 = tpu.memref_squeeze %dma_start3A_114 : memref<1x128x64xf32, #tpu.memory_space<vmem>> -> memref<128x64xf32, #tpu.memory_space<vmem>>
        %dma_start3A_116 = arith.constant 0 : i32
        %dma_start3A_117 = tpu.memref_slice %arg7[%add3A_99, %dma_start3A_116] : memref<158x128xi32, #tpu.memory_space<vmem>> -> memref<1x128xi32, #tpu.memory_space<vmem>>
        %dma_start3A_118 = tpu.memref_squeeze %dma_start3A_117 : memref<1x128xi32, #tpu.memory_space<vmem>> -> memref<128xi32, #tpu.memory_space<vmem>>
        %dma_start3A_119 = arith.constant 0 : i32
        %dma_start3A_120 = arith.constant 0 : i32
        %dma_start3A_121 = tpu.memref_slice %arg3[%dma_start3A_119, %dma_start3A_120] : memref<10240x64xf32, #tpu.memory_space<hbm>> -> memref<10240x64xf32, #tpu.memory_space<hbm>>
        tpu.enqueue_indirect_dma source(%dma_start3A_121 : memref<10240x64xf32, #tpu.memory_space<hbm>>) target(%dma_start3A_115 : memref<128x64xf32, #tpu.memory_space<vmem>>) offsets(%dma_start3A_118 : memref<128xi32, #tpu.memory_space<vmem>>) semaphore(%arg12 : memref<!tpu.dma_semaphore, #tpu.memory_space<semaphore_mem>>)
        %jit3A_122 = arith.constant 2 : i32
        %eq3A_123 = arith.constant 0 : i32
        %eq3A_124 = arith.cmpi eq, %jit3A_122, %eq3A_123 : i32
        %jit3A_125 = arith.constant 1 : i32
        %select_n3A_126 = arith.select %eq3A_124, %jit3A_125, %jit3A_122 : i32
        %rem3A_127 = arith.remsi %add3A_97, %select_n3A_126 : i32
        %ne3A_128 = arith.constant 0 : i32
        %ne3A_129 = arith.cmpi ne, %rem3A_127, %ne3A_128 : i32
        %lt3A_130 = arith.constant 0 : i32
        %lt3A_131 = arith.cmpi slt, %rem3A_127, %lt3A_130 : i32
        %lt3A_132 = arith.constant 0 : i32
        %lt3A_133 = arith.cmpi slt, %select_n3A_126, %lt3A_132 : i32
        %ne3A_134 = arith.xori %lt3A_131, %lt3A_133 : i1
        %and3A_135 = arith.andi %ne3A_134, %ne3A_129 : i1
        %add3A_136 = arith.addi %rem3A_127, %select_n3A_126 : i32
        %select_n3A_137 = arith.select %and3A_135, %add3A_136, %rem3A_127 : i32
        "tpu.region"() ({
          %run_scoped3A_148 = tpu.sem_alloc : memref<!tpu.dma_semaphore, #tpu.memory_space<semaphore_mem>>
          %dma_start3A_149 = arith.constant 0 : i32
          %dma_start3A_150 = arith.constant 0 : i32
          %dma_start3A_151 = tpu.memref_slice %arg9[%select_n3A_137, %dma_start3A_149, %dma_start3A_150] : memref<2x128x64xf32, #tpu.memory_space<vmem>> -> memref<1x128x64xf32, #tpu.memory_space<vmem>>
          %dma_start3A_152 = tpu.memref_squeeze %dma_start3A_151 : memref<1x128x64xf32, #tpu.memory_space<vmem>> -> memref<128x64xf32, #tpu.memory_space<vmem>>
          %dma_start3A_153 = arith.constant 0 : i32
          %dma_start3A_154 = tpu.memref_slice %arg8[%add3A_97, %dma_start3A_153] : memref<158x128xi32, #tpu.memory_space<vmem>> -> memref<1x128xi32, #tpu.memory_space<vmem>>
          %dma_start3A_155 = tpu.memref_squeeze %dma_start3A_154 : memref<1x128xi32, #tpu.memory_space<vmem>> -> memref<128xi32, #tpu.memory_space<vmem>>
          %dma_start3A_156 = arith.constant 0 : i32
          %dma_start3A_157 = arith.constant 0 : i32
          %dma_start3A_158 = tpu.memref_slice %arg10[%dma_start3A_156, %dma_start3A_157] : memref<10240x64xf32, #tpu.memory_space<vmem_shared>> -> memref<10240x64xf32, #tpu.memory_space<vmem_shared>>
          tpu.enqueue_indirect_dma source(%dma_start3A_152 : memref<128x64xf32, #tpu.memory_space<vmem>>) target(%dma_start3A_158 : memref<10240x64xf32, #tpu.memory_space<vmem_shared>>) offsets(%dma_start3A_155 : memref<128xi32, #tpu.memory_space<vmem>>) semaphore(%run_scoped3A_148 : memref<!tpu.dma_semaphore, #tpu.memory_space<semaphore_mem>>) {add = true}
          %dma_wait3A_159 = arith.constant 0 : i32
          %dma_wait3A_160 = arith.constant 0 : i32
          %dma_wait3A_161 = tpu.memref_slice %arg9[%select_n3A_137, %dma_wait3A_159, %dma_wait3A_160] : memref<2x128x64xf32, #tpu.memory_space<vmem>> -> memref<1x128x64xf32, #tpu.memory_space<vmem>>
          %dma_wait3A_162 = tpu.memref_squeeze %dma_wait3A_161 : memref<1x128x64xf32, #tpu.memory_space<vmem>> -> memref<128x64xf32, #tpu.memory_space<vmem>>
          %dma_wait3A_163 = arith.constant 0 : i32
          %dma_wait3A_164 = tpu.memref_slice %arg8[%add3A_97, %dma_wait3A_163] : memref<158x128xi32, #tpu.memory_space<vmem>> -> memref<1x128xi32, #tpu.memory_space<vmem>>
          %dma_wait3A_165 = tpu.memref_squeeze %dma_wait3A_164 : memref<1x128xi32, #tpu.memory_space<vmem>> -> memref<128xi32, #tpu.memory_space<vmem>>
          %dma_wait3A_166 = arith.constant 0 : i32
          %dma_wait3A_167 = arith.constant 0 : i32
          %dma_wait3A_168 = tpu.memref_slice %arg10[%dma_wait3A_166, %dma_wait3A_167] : memref<10240x64xf32, #tpu.memory_space<vmem_shared>> -> memref<10240x64xf32, #tpu.memory_space<vmem_shared>>
          tpu.wait_indirect_dma semaphore(%run_scoped3A_148 : memref<!tpu.dma_semaphore, #tpu.memory_space<semaphore_mem>>) src(%dma_wait3A_162 : memref<128x64xf32, #tpu.memory_space<vmem>>) dst(%dma_wait3A_168 : memref<10240x64xf32, #tpu.memory_space<vmem_shared>>)
          tpu.yield
        }) : () -> ()
        %dma_wait3A_138 = arith.constant 0 : i32
        %dma_wait3A_139 = arith.constant 0 : i32
        %dma_wait3A_140 = tpu.memref_slice %arg9[%select_n3A_111, %dma_wait3A_138, %dma_wait3A_139] : memref<2x128x64xf32, #tpu.memory_space<vmem>> -> memref<1x128x64xf32, #tpu.memory_space<vmem>>
        %dma_wait3A_141 = tpu.memref_squeeze %dma_wait3A_140 : memref<1x128x64xf32, #tpu.memory_space<vmem>> -> memref<128x64xf32, #tpu.memory_space<vmem>>
        %dma_wait3A_142 = arith.constant 0 : i32
        %dma_wait3A_143 = tpu.memref_slice %arg7[%add3A_99, %dma_wait3A_142] : memref<158x128xi32, #tpu.memory_space<vmem>> -> memref<1x128xi32, #tpu.memory_space<vmem>>
        %dma_wait3A_144 = tpu.memref_squeeze %dma_wait3A_143 : memref<1x128xi32, #tpu.memory_space<vmem>> -> memref<128xi32, #tpu.memory_space<vmem>>
        %dma_wait3A_145 = arith.constant 0 : i32
        %dma_wait3A_146 = arith.constant 0 : i32
        %dma_wait3A_147 = tpu.memref_slice %arg3[%dma_wait3A_145, %dma_wait3A_146] : memref<10240x64xf32, #tpu.memory_space<hbm>> -> memref<10240x64xf32, #tpu.memory_space<hbm>>
        tpu.wait_indirect_dma semaphore(%arg12 : memref<!tpu.dma_semaphore, #tpu.memory_space<semaphore_mem>>) src(%dma_wait3A_147 : memref<10240x64xf32, #tpu.memory_space<hbm>>) dst(%dma_wait3A_141 : memref<128x64xf32, #tpu.memory_space<vmem>>)
      }
      %scan3A_90 = arith.constant 157 : i32
      %run_scoped3A_91 = arith.constant 1 : i32
      %run_scoped3A_92 = arith.constant 157 : i32
      "tpu.region"() ({
        %run_scoped3A_93 = tpu.sem_alloc : memref<!tpu.dma_semaphore, #tpu.memory_space<semaphore_mem>>
        %dma_start3A_94 = arith.constant 0 : i32
        %dma_start3A_95 = arith.constant 0 : i32
        %dma_start3A_96 = tpu.memref_slice %arg9[%run_scoped3A_91, %dma_start3A_94, %dma_start3A_95] : memref<2x128x64xf32, #tpu.memory_space<vmem>> -> memref<1x128x64xf32, #tpu.memory_space<vmem>>
        %dma_start3A_97 = tpu.memref_squeeze %dma_start3A_96 : memref<1x128x64xf32, #tpu.memory_space<vmem>> -> memref<128x64xf32, #tpu.memory_space<vmem>>
        %dma_start3A_98 = arith.constant 0 : i32
        %dma_start3A_99 = tpu.memref_slice %arg8[%run_scoped3A_92, %dma_start3A_98] : memref<158x128xi32, #tpu.memory_space<vmem>> -> memref<1x128xi32, #tpu.memory_space<vmem>>
        %dma_start3A_100 = tpu.memref_squeeze %dma_start3A_99 : memref<1x128xi32, #tpu.memory_space<vmem>> -> memref<128xi32, #tpu.memory_space<vmem>>
        %dma_start3A_101 = arith.constant 0 : i32
        %dma_start3A_102 = arith.constant 0 : i32
        %dma_start3A_103 = tpu.memref_slice %arg10[%dma_start3A_101, %dma_start3A_102] : memref<10240x64xf32, #tpu.memory_space<vmem_shared>> -> memref<10240x64xf32, #tpu.memory_space<vmem_shared>>
        tpu.enqueue_indirect_dma source(%dma_start3A_97 : memref<128x64xf32, #tpu.memory_space<vmem>>) target(%dma_start3A_103 : memref<10240x64xf32, #tpu.memory_space<vmem_shared>>) offsets(%dma_start3A_100 : memref<128xi32, #tpu.memory_space<vmem>>) semaphore(%run_scoped3A_93 : memref<!tpu.dma_semaphore, #tpu.memory_space<semaphore_mem>>) {add = true}
        %dma_wait3A_104 = arith.constant 0 : i32
        %dma_wait3A_105 = arith.constant 0 : i32
        %dma_wait3A_106 = tpu.memref_slice %arg9[%run_scoped3A_91, %dma_wait3A_104, %dma_wait3A_105] : memref<2x128x64xf32, #tpu.memory_space<vmem>> -> memref<1x128x64xf32, #tpu.memory_space<vmem>>
        %dma_wait3A_107 = tpu.memref_squeeze %dma_wait3A_106 : memref<1x128x64xf32, #tpu.memory_space<vmem>> -> memref<128x64xf32, #tpu.memory_space<vmem>>
        %dma_wait3A_108 = arith.constant 0 : i32
        %dma_wait3A_109 = tpu.memref_slice %arg8[%run_scoped3A_92, %dma_wait3A_108] : memref<158x128xi32, #tpu.memory_space<vmem>> -> memref<1x128xi32, #tpu.memory_space<vmem>>
        %dma_wait3A_110 = tpu.memref_squeeze %dma_wait3A_109 : memref<1x128xi32, #tpu.memory_space<vmem>> -> memref<128xi32, #tpu.memory_space<vmem>>
        %dma_wait3A_111 = arith.constant 0 : i32
        %dma_wait3A_112 = arith.constant 0 : i32
        %dma_wait3A_113 = tpu.memref_slice %arg10[%dma_wait3A_111, %dma_wait3A_112] : memref<10240x64xf32, #tpu.memory_space<vmem_shared>> -> memref<10240x64xf32, #tpu.memory_space<vmem_shared>>
        tpu.wait_indirect_dma semaphore(%run_scoped3A_93 : memref<!tpu.dma_semaphore, #tpu.memory_space<semaphore_mem>>) src(%dma_wait3A_107 : memref<128x64xf32, #tpu.memory_space<vmem>>) dst(%dma_wait3A_113 : memref<10240x64xf32, #tpu.memory_space<vmem_shared>>)
        tpu.yield
      }) : () -> ()
    } else {
    }
    %barrier3A_33 = arith.constant 0 : index
    tpu.barrier barrier_id(%barrier3A_33)
    %mul3A_34 = arith.constant 640 : i32
    %mul3A_35 = arith.muli %arg1, %mul3A_34 : i32
    %add3A_36 = arith.constant 0 : i32
    %add3A_37 = arith.addi %mul3A_35, %add3A_36 : i32
    %run_scoped3A_38 = arith.constant 0 : i32
    "tpu.region"() ({
      %run_scoped3A_64 = tpu.sem_alloc : memref<!tpu.dma_semaphore, #tpu.memory_space<semaphore_mem>>
      %dma_start3A = arith.constant 0 : i32
      %dma_start3A_65 = arith.constant 0 : i32
      %dma_start3A_66 = tpu.memref_slice %arg9[%run_scoped3A_38, %dma_start3A, %dma_start3A_65] : memref<2x128x64xf32, #tpu.memory_space<vmem>> -> memref<1x128x64xf32, #tpu.memory_space<vmem>>
      %dma_start3A_67 = tpu.memref_squeeze %dma_start3A_66 : memref<1x128x64xf32, #tpu.memory_space<vmem>> -> memref<128x64xf32, #tpu.memory_space<vmem>>
      %dma_start3A_68 = arith.constant 0 : i32
      %dma_start3A_69 = tpu.memref_slice %arg10[%add3A_37, %dma_start3A_68] : memref<10240x64xf32, #tpu.memory_space<vmem_shared>> -> memref<128x64xf32, #tpu.memory_space<vmem_shared>>
      %dma_start3A_70 = arith.constant 0 : i32
      %dma_start3A_71 = arith.constant 0 : i32
      %dma_start3A_72 = tpu.memref_slice %arg9[%run_scoped3A_38, %dma_start3A_70, %dma_start3A_71] : memref<2x128x64xf32, #tpu.memory_space<vmem>> -> memref<1x128x64xf32, #tpu.memory_space<vmem>>
      %dma_start3A_73 = tpu.memref_squeeze %dma_start3A_72 : memref<1x128x64xf32, #tpu.memory_space<vmem>> -> memref<128x64xf32, #tpu.memory_space<vmem>>
      %dma_start3A_74 = arith.constant 0 : i32
      %dma_start3A_75 = tpu.memref_slice %arg10[%add3A_37, %dma_start3A_74] : memref<10240x64xf32, #tpu.memory_space<vmem_shared>> -> memref<128x64xf32, #tpu.memory_space<vmem_shared>>
      tpu.enqueue_dma source(%dma_start3A_75 : memref<128x64xf32, #tpu.memory_space<vmem_shared>>) target(%dma_start3A_73 : memref<128x64xf32, #tpu.memory_space<vmem>>) target_semaphore(%run_scoped3A_64 : memref<!tpu.dma_semaphore, #tpu.memory_space<semaphore_mem>>)
      %dma_wait3A = arith.constant 0 : i32
      %dma_wait3A_76 = arith.constant 0 : i32
      %dma_wait3A_77 = tpu.memref_slice %arg9[%run_scoped3A_38, %dma_wait3A, %dma_wait3A_76] : memref<2x128x64xf32, #tpu.memory_space<vmem>> -> memref<1x128x64xf32, #tpu.memory_space<vmem>>
      %dma_wait3A_78 = tpu.memref_squeeze %dma_wait3A_77 : memref<1x128x64xf32, #tpu.memory_space<vmem>> -> memref<128x64xf32, #tpu.memory_space<vmem>>
      %dma_wait3A_79 = arith.constant 0 : i32
      %dma_wait3A_80 = tpu.memref_slice %arg10[%add3A_37, %dma_wait3A_79] : memref<10240x64xf32, #tpu.memory_space<vmem_shared>> -> memref<128x64xf32, #tpu.memory_space<vmem_shared>>
      %dma_wait3A_81 = arith.constant 0 : i32
      %dma_wait3A_82 = arith.constant 0 : i32
      %dma_wait3A_83 = tpu.memref_slice %arg9[%run_scoped3A_38, %dma_wait3A_81, %dma_wait3A_82] : memref<2x128x64xf32, #tpu.memory_space<vmem>> -> memref<1x128x64xf32, #tpu.memory_space<vmem>>
      %dma_wait3A_84 = tpu.memref_squeeze %dma_wait3A_83 : memref<1x128x64xf32, #tpu.memory_space<vmem>> -> memref<128x64xf32, #tpu.memory_space<vmem>>
      %dma_wait3A_85 = arith.constant 0 : i32
      %dma_wait3A_86 = tpu.memref_slice %arg10[%add3A_37, %dma_wait3A_85] : memref<10240x64xf32, #tpu.memory_space<vmem_shared>> -> memref<128x64xf32, #tpu.memory_space<vmem_shared>>
      tpu.wait_dma2 semaphore(%run_scoped3A_64 : memref<!tpu.dma_semaphore, #tpu.memory_space<semaphore_mem>>) src(%dma_wait3A_86 : memref<128x64xf32, #tpu.memory_space<vmem_shared>>) dst(%dma_wait3A_84 : memref<128x64xf32, #tpu.memory_space<vmem>>)
      tpu.yield
    }) : () -> ()
    %run_scoped3A_39 = arith.constant 0 : i32
    "tpu.region"() ({
      %run_scoped3A_64 = tpu.sem_alloc : memref<!tpu.dma_semaphore, #tpu.memory_space<semaphore_mem>>
      %dma_start3A = arith.constant 0 : i32
      %dma_start3A_65 = arith.constant 0 : i32
      %dma_start3A_66 = tpu.memref_slice %arg9[%run_scoped3A_39, %dma_start3A, %dma_start3A_65] : memref<2x128x64xf32, #tpu.memory_space<vmem>> -> memref<1x128x64xf32, #tpu.memory_space<vmem>>
      %dma_start3A_67 = tpu.memref_squeeze %dma_start3A_66 : memref<1x128x64xf32, #tpu.memory_space<vmem>> -> memref<128x64xf32, #tpu.memory_space<vmem>>
      %dma_start3A_68 = arith.constant 0 : i32
      %dma_start3A_69 = tpu.memref_slice %arg6[%arg0, %add3A_37, %dma_start3A_68] : memref<2x10240x64xf32, #tpu.memory_space<hbm>> -> memref<1x128x64xf32, #tpu.memory_space<hbm>>
      %dma_start3A_70 = tpu.memref_squeeze %dma_start3A_69 : memref<1x128x64xf32, #tpu.memory_space<hbm>> -> memref<128x64xf32, #tpu.memory_space<hbm>>
      %dma_start3A_71 = arith.constant 0 : i32
      %dma_start3A_72 = tpu.memref_slice %arg6[%arg0, %add3A_37, %dma_start3A_71] : memref<2x10240x64xf32, #tpu.memory_space<hbm>> -> memref<1x128x64xf32, #tpu.memory_space<hbm>>
      %dma_start3A_73 = tpu.memref_squeeze %dma_start3A_72 : memref<1x128x64xf32, #tpu.memory_space<hbm>> -> memref<128x64xf32, #tpu.memory_space<hbm>>
      %dma_start3A_74 = arith.constant 0 : i32
      %dma_start3A_75 = arith.constant 0 : i32
      %dma_start3A_76 = tpu.memref_slice %arg9[%run_scoped3A_39, %dma_start3A_74, %dma_start3A_75] : memref<2x128x64xf32, #tpu.memory_space<vmem>> -> memref<1x128x64xf32, #tpu.memory_space<vmem>>
      %dma_start3A_77 = tpu.memref_squeeze %dma_start3A_76 : memref<1x128x64xf32, #tpu.memory_space<vmem>> -> memref<128x64xf32, #tpu.memory_space<vmem>>
      tpu.enqueue_dma source(%dma_start3A_77 : memref<128x64xf32, #tpu.memory_space<vmem>>) target(%dma_start3A_73 : memref<128x64xf32, #tpu.memory_space<hbm>>) target_semaphore(%run_scoped3A_64 : memref<!tpu.dma_semaphore, #tpu.memory_space<semaphore_mem>>)
      %dma_wait3A = arith.constant 0 : i32
      %dma_wait3A_78 = arith.constant 0 : i32
      %dma_wait3A_79 = tpu.memref_slice %arg9[%run_scoped3A_39, %dma_wait3A, %dma_wait3A_78] : memref<2x128x64xf32, #tpu.memory_space<vmem>> -> memref<1x128x64xf32, #tpu.memory_space<vmem>>
      %dma_wait3A_80 = tpu.memref_squeeze %dma_wait3A_79 : memref<1x128x64xf32, #tpu.memory_space<vmem>> -> memref<128x64xf32, #tpu.memory_space<vmem>>
      %dma_wait3A_81 = arith.constant 0 : i32
      %dma_wait3A_82 = tpu.memref_slice %arg6[%arg0, %add3A_37, %dma_wait3A_81] : memref<2x10240x64xf32, #tpu.memory_space<hbm>> -> memref<1x128x64xf32, #tpu.memory_space<hbm>>
      %dma_wait3A_83 = tpu.memref_squeeze %dma_wait3A_82 : memref<1x128x64xf32, #tpu.memory_space<hbm>> -> memref<128x64xf32, #tpu.memory_space<hbm>>
      %dma_wait3A_84 = arith.constant 0 : i32
      %dma_wait3A_85 = tpu.memref_slice %arg6[%arg0, %add3A_37, %dma_wait3A_84] : memref<2x10240x64xf32, #tpu.memory_space<hbm>> -> memref<1x128x64xf32, #tpu.memory_space<hbm>>
      %dma_wait3A_86 = tpu.memref_squeeze %dma_wait3A_85 : memref<1x128x64xf32, #tpu.memory_space<hbm>> -> memref<128x64xf32, #tpu.memory_space<hbm>>
      %dma_wait3A_87 = arith.constant 0 : i32
      %dma_wait3A_88 = arith.constant 0 : i32
      %dma_wait3A_89 = tpu.memref_slice %arg9[%run_scoped3A_39, %dma_wait3A_87, %dma_wait3A_88] : memref<2x128x64xf32, #tpu.memory_space<vmem>> -> memref<1x128x64xf32, #tpu.memory_space<vmem>>
      %dma_wait3A_90 = tpu.memref_squeeze %dma_wait3A_89 : memref<1x128x64xf32, #tpu.memory_space<vmem>> -> memref<128x64xf32, #tpu.memory_space<vmem>>
      tpu.wait_dma2 semaphore(%run_scoped3A_64 : memref<!tpu.dma_semaphore, #tpu.memory_space<semaphore_mem>>) src(%dma_wait3A_90 : memref<128x64xf32, #tpu.memory_space<vmem>>) dst(%dma_wait3A_86 : memref<128x64xf32, #tpu.memory_space<hbm>>)
      tpu.yield
    }) : () -> ()
    %mul3A_40 = arith.constant 640 : i32
    %mul3A_41 = arith.muli %arg1, %mul3A_40 : i32
    %add3A_42 = arith.constant 128 : i32
    %add3A_43 = arith.addi %mul3A_41, %add3A_42 : i32
    %run_scoped3A_44 = arith.constant 0 : i32
    "tpu.region"() ({
      %run_scoped3A_64 = tpu.sem_alloc : memref<!tpu.dma_semaphore, #tpu.memory_space<semaphore_mem>>
      %dma_start3A = arith.constant 0 : i32
      %dma_start3A_65 = arith.constant 0 : i32
      %dma_start3A_66 = tpu.memref_slice %arg9[%run_scoped3A_44, %dma_start3A, %dma_start3A_65] : memref<2x128x64xf32, #tpu.memory_space<vmem>> -> memref<1x128x64xf32, #tpu.memory_space<vmem>>
      %dma_start3A_67 = tpu.memref_squeeze %dma_start3A_66 : memref<1x128x64xf32, #tpu.memory_space<vmem>> -> memref<128x64xf32, #tpu.memory_space<vmem>>
      %dma_start3A_68 = arith.constant 0 : i32
      %dma_start3A_69 = tpu.memref_slice %arg10[%add3A_43, %dma_start3A_68] : memref<10240x64xf32, #tpu.memory_space<vmem_shared>> -> memref<128x64xf32, #tpu.memory_space<vmem_shared>>
      %dma_start3A_70 = arith.constant 0 : i32
      %dma_start3A_71 = arith.constant 0 : i32
      %dma_start3A_72 = tpu.memref_slice %arg9[%run_scoped3A_44, %dma_start3A_70, %dma_start3A_71] : memref<2x128x64xf32, #tpu.memory_space<vmem>> -> memref<1x128x64xf32, #tpu.memory_space<vmem>>
      %dma_start3A_73 = tpu.memref_squeeze %dma_start3A_72 : memref<1x128x64xf32, #tpu.memory_space<vmem>> -> memref<128x64xf32, #tpu.memory_space<vmem>>
      %dma_start3A_74 = arith.constant 0 : i32
      %dma_start3A_75 = tpu.memref_slice %arg10[%add3A_43, %dma_start3A_74] : memref<10240x64xf32, #tpu.memory_space<vmem_shared>> -> memref<128x64xf32, #tpu.memory_space<vmem_shared>>
      tpu.enqueue_dma source(%dma_start3A_75 : memref<128x64xf32, #tpu.memory_space<vmem_shared>>) target(%dma_start3A_73 : memref<128x64xf32, #tpu.memory_space<vmem>>) target_semaphore(%run_scoped3A_64 : memref<!tpu.dma_semaphore, #tpu.memory_space<semaphore_mem>>)
      %dma_wait3A = arith.constant 0 : i32
      %dma_wait3A_76 = arith.constant 0 : i32
      %dma_wait3A_77 = tpu.memref_slice %arg9[%run_scoped3A_44, %dma_wait3A, %dma_wait3A_76] : memref<2x128x64xf32, #tpu.memory_space<vmem>> -> memref<1x128x64xf32, #tpu.memory_space<vmem>>
      %dma_wait3A_78 = tpu.memref_squeeze %dma_wait3A_77 : memref<1x128x64xf32, #tpu.memory_space<vmem>> -> memref<128x64xf32, #tpu.memory_space<vmem>>
      %dma_wait3A_79 = arith.constant 0 : i32
      %dma_wait3A_80 = tpu.memref_slice %arg10[%add3A_43, %dma_wait3A_79] : memref<10240x64xf32, #tpu.memory_space<vmem_shared>> -> memref<128x64xf32, #tpu.memory_space<vmem_shared>>
      %dma_wait3A_81 = arith.constant 0 : i32
      %dma_wait3A_82 = arith.constant 0 : i32
      %dma_wait3A_83 = tpu.memref_slice %arg9[%run_scoped3A_44, %dma_wait3A_81, %dma_wait3A_82] : memref<2x128x64xf32, #tpu.memory_space<vmem>> -> memref<1x128x64xf32, #tpu.memory_space<vmem>>
      %dma_wait3A_84 = tpu.memref_squeeze %dma_wait3A_83 : memref<1x128x64xf32, #tpu.memory_space<vmem>> -> memref<128x64xf32, #tpu.memory_space<vmem>>
      %dma_wait3A_85 = arith.constant 0 : i32
      %dma_wait3A_86 = tpu.memref_slice %arg10[%add3A_43, %dma_wait3A_85] : memref<10240x64xf32, #tpu.memory_space<vmem_shared>> -> memref<128x64xf32, #tpu.memory_space<vmem_shared>>
      tpu.wait_dma2 semaphore(%run_scoped3A_64 : memref<!tpu.dma_semaphore, #tpu.memory_space<semaphore_mem>>) src(%dma_wait3A_86 : memref<128x64xf32, #tpu.memory_space<vmem_shared>>) dst(%dma_wait3A_84 : memref<128x64xf32, #tpu.memory_space<vmem>>)
      tpu.yield
    }) : () -> ()
    %run_scoped3A_45 = arith.constant 0 : i32
    "tpu.region"() ({
      %run_scoped3A_64 = tpu.sem_alloc : memref<!tpu.dma_semaphore, #tpu.memory_space<semaphore_mem>>
      %dma_start3A = arith.constant 0 : i32
      %dma_start3A_65 = arith.constant 0 : i32
      %dma_start3A_66 = tpu.memref_slice %arg9[%run_scoped3A_45, %dma_start3A, %dma_start3A_65] : memref<2x128x64xf32, #tpu.memory_space<vmem>> -> memref<1x128x64xf32, #tpu.memory_space<vmem>>
      %dma_start3A_67 = tpu.memref_squeeze %dma_start3A_66 : memref<1x128x64xf32, #tpu.memory_space<vmem>> -> memref<128x64xf32, #tpu.memory_space<vmem>>
      %dma_start3A_68 = arith.constant 0 : i32
      %dma_start3A_69 = tpu.memref_slice %arg6[%arg0, %add3A_43, %dma_start3A_68] : memref<2x10240x64xf32, #tpu.memory_space<hbm>> -> memref<1x128x64xf32, #tpu.memory_space<hbm>>
      %dma_start3A_70 = tpu.memref_squeeze %dma_start3A_69 : memref<1x128x64xf32, #tpu.memory_space<hbm>> -> memref<128x64xf32, #tpu.memory_space<hbm>>
      %dma_start3A_71 = arith.constant 0 : i32
      %dma_start3A_72 = tpu.memref_slice %arg6[%arg0, %add3A_43, %dma_start3A_71] : memref<2x10240x64xf32, #tpu.memory_space<hbm>> -> memref<1x128x64xf32, #tpu.memory_space<hbm>>
      %dma_start3A_73 = tpu.memref_squeeze %dma_start3A_72 : memref<1x128x64xf32, #tpu.memory_space<hbm>> -> memref<128x64xf32, #tpu.memory_space<hbm>>
      %dma_start3A_74 = arith.constant 0 : i32
      %dma_start3A_75 = arith.constant 0 : i32
      %dma_start3A_76 = tpu.memref_slice %arg9[%run_scoped3A_45, %dma_start3A_74, %dma_start3A_75] : memref<2x128x64xf32, #tpu.memory_space<vmem>> -> memref<1x128x64xf32, #tpu.memory_space<vmem>>
      %dma_start3A_77 = tpu.memref_squeeze %dma_start3A_76 : memref<1x128x64xf32, #tpu.memory_space<vmem>> -> memref<128x64xf32, #tpu.memory_space<vmem>>
      tpu.enqueue_dma source(%dma_start3A_77 : memref<128x64xf32, #tpu.memory_space<vmem>>) target(%dma_start3A_73 : memref<128x64xf32, #tpu.memory_space<hbm>>) target_semaphore(%run_scoped3A_64 : memref<!tpu.dma_semaphore, #tpu.memory_space<semaphore_mem>>)
      %dma_wait3A = arith.constant 0 : i32
      %dma_wait3A_78 = arith.constant 0 : i32
      %dma_wait3A_79 = tpu.memref_slice %arg9[%run_scoped3A_45, %dma_wait3A, %dma_wait3A_78] : memref<2x128x64xf32, #tpu.memory_space<vmem>> -> memref<1x128x64xf32, #tpu.memory_space<vmem>>
      %dma_wait3A_80 = tpu.memref_squeeze %dma_wait3A_79 : memref<1x128x64xf32, #tpu.memory_space<vmem>> -> memref<128x64xf32, #tpu.memory_space<vmem>>
      %dma_wait3A_81 = arith.constant 0 : i32
      %dma_wait3A_82 = tpu.memref_slice %arg6[%arg0, %add3A_43, %dma_wait3A_81] : memref<2x10240x64xf32, #tpu.memory_space<hbm>> -> memref<1x128x64xf32, #tpu.memory_space<hbm>>
      %dma_wait3A_83 = tpu.memref_squeeze %dma_wait3A_82 : memref<1x128x64xf32, #tpu.memory_space<hbm>> -> memref<128x64xf32, #tpu.memory_space<hbm>>
      %dma_wait3A_84 = arith.constant 0 : i32
      %dma_wait3A_85 = tpu.memref_slice %arg6[%arg0, %add3A_43, %dma_wait3A_84] : memref<2x10240x64xf32, #tpu.memory_space<hbm>> -> memref<1x128x64xf32, #tpu.memory_space<hbm>>
      %dma_wait3A_86 = tpu.memref_squeeze %dma_wait3A_85 : memref<1x128x64xf32, #tpu.memory_space<hbm>> -> memref<128x64xf32, #tpu.memory_space<hbm>>
      %dma_wait3A_87 = arith.constant 0 : i32
      %dma_wait3A_88 = arith.constant 0 : i32
      %dma_wait3A_89 = tpu.memref_slice %arg9[%run_scoped3A_45, %dma_wait3A_87, %dma_wait3A_88] : memref<2x128x64xf32, #tpu.memory_space<vmem>> -> memref<1x128x64xf32, #tpu.memory_space<vmem>>
      %dma_wait3A_90 = tpu.memref_squeeze %dma_wait3A_89 : memref<1x128x64xf32, #tpu.memory_space<vmem>> -> memref<128x64xf32, #tpu.memory_space<vmem>>
      tpu.wait_dma2 semaphore(%run_scoped3A_64 : memref<!tpu.dma_semaphore, #tpu.memory_space<semaphore_mem>>) src(%dma_wait3A_90 : memref<128x64xf32, #tpu.memory_space<vmem>>) dst(%dma_wait3A_86 : memref<128x64xf32, #tpu.memory_space<hbm>>)
      tpu.yield
    }) : () -> ()
    %mul3A_46 = arith.constant 640 : i32
    %mul3A_47 = arith.muli %arg1, %mul3A_46 : i32
    %add3A_48 = arith.constant 256 : i32
    %add3A_49 = arith.addi %mul3A_47, %add3A_48 : i32
    %run_scoped3A_50 = arith.constant 0 : i32
    "tpu.region"() ({
      %run_scoped3A_64 = tpu.sem_alloc : memref<!tpu.dma_semaphore, #tpu.memory_space<semaphore_mem>>
      %dma_start3A = arith.constant 0 : i32
      %dma_start3A_65 = arith.constant 0 : i32
      %dma_start3A_66 = tpu.memref_slice %arg9[%run_scoped3A_50, %dma_start3A, %dma_start3A_65] : memref<2x128x64xf32, #tpu.memory_space<vmem>> -> memref<1x128x64xf32, #tpu.memory_space<vmem>>
      %dma_start3A_67 = tpu.memref_squeeze %dma_start3A_66 : memref<1x128x64xf32, #tpu.memory_space<vmem>> -> memref<128x64xf32, #tpu.memory_space<vmem>>
      %dma_start3A_68 = arith.constant 0 : i32
      %dma_start3A_69 = tpu.memref_slice %arg10[%add3A_49, %dma_start3A_68] : memref<10240x64xf32, #tpu.memory_space<vmem_shared>> -> memref<128x64xf32, #tpu.memory_space<vmem_shared>>
      %dma_start3A_70 = arith.constant 0 : i32
      %dma_start3A_71 = arith.constant 0 : i32
      %dma_start3A_72 = tpu.memref_slice %arg9[%run_scoped3A_50, %dma_start3A_70, %dma_start3A_71] : memref<2x128x64xf32, #tpu.memory_space<vmem>> -> memref<1x128x64xf32, #tpu.memory_space<vmem>>
      %dma_start3A_73 = tpu.memref_squeeze %dma_start3A_72 : memref<1x128x64xf32, #tpu.memory_space<vmem>> -> memref<128x64xf32, #tpu.memory_space<vmem>>
      %dma_start3A_74 = arith.constant 0 : i32
      %dma_start3A_75 = tpu.memref_slice %arg10[%add3A_49, %dma_start3A_74] : memref<10240x64xf32, #tpu.memory_space<vmem_shared>> -> memref<128x64xf32, #tpu.memory_space<vmem_shared>>
      tpu.enqueue_dma source(%dma_start3A_75 : memref<128x64xf32, #tpu.memory_space<vmem_shared>>) target(%dma_start3A_73 : memref<128x64xf32, #tpu.memory_space<vmem>>) target_semaphore(%run_scoped3A_64 : memref<!tpu.dma_semaphore, #tpu.memory_space<semaphore_mem>>)
      %dma_wait3A = arith.constant 0 : i32
      %dma_wait3A_76 = arith.constant 0 : i32
      %dma_wait3A_77 = tpu.memref_slice %arg9[%run_scoped3A_50, %dma_wait3A, %dma_wait3A_76] : memref<2x128x64xf32, #tpu.memory_space<vmem>> -> memref<1x128x64xf32, #tpu.memory_space<vmem>>
      %dma_wait3A_78 = tpu.memref_squeeze %dma_wait3A_77 : memref<1x128x64xf32, #tpu.memory_space<vmem>> -> memref<128x64xf32, #tpu.memory_space<vmem>>
      %dma_wait3A_79 = arith.constant 0 : i32
      %dma_wait3A_80 = tpu.memref_slice %arg10[%add3A_49, %dma_wait3A_79] : memref<10240x64xf32, #tpu.memory_space<vmem_shared>> -> memref<128x64xf32, #tpu.memory_space<vmem_shared>>
      %dma_wait3A_81 = arith.constant 0 : i32
      %dma_wait3A_82 = arith.constant 0 : i32
      %dma_wait3A_83 = tpu.memref_slice %arg9[%run_scoped3A_50, %dma_wait3A_81, %dma_wait3A_82] : memref<2x128x64xf32, #tpu.memory_space<vmem>> -> memref<1x128x64xf32, #tpu.memory_space<vmem>>
      %dma_wait3A_84 = tpu.memref_squeeze %dma_wait3A_83 : memref<1x128x64xf32, #tpu.memory_space<vmem>> -> memref<128x64xf32, #tpu.memory_space<vmem>>
      %dma_wait3A_85 = arith.constant 0 : i32
      %dma_wait3A_86 = tpu.memref_slice %arg10[%add3A_49, %dma_wait3A_85] : memref<10240x64xf32, #tpu.memory_space<vmem_shared>> -> memref<128x64xf32, #tpu.memory_space<vmem_shared>>
      tpu.wait_dma2 semaphore(%run_scoped3A_64 : memref<!tpu.dma_semaphore, #tpu.memory_space<semaphore_mem>>) src(%dma_wait3A_86 : memref<128x64xf32, #tpu.memory_space<vmem_shared>>) dst(%dma_wait3A_84 : memref<128x64xf32, #tpu.memory_space<vmem>>)
      tpu.yield
    }) : () -> ()
    %run_scoped3A_51 = arith.constant 0 : i32
    "tpu.region"() ({
      %run_scoped3A_64 = tpu.sem_alloc : memref<!tpu.dma_semaphore, #tpu.memory_space<semaphore_mem>>
      %dma_start3A = arith.constant 0 : i32
      %dma_start3A_65 = arith.constant 0 : i32
      %dma_start3A_66 = tpu.memref_slice %arg9[%run_scoped3A_51, %dma_start3A, %dma_start3A_65] : memref<2x128x64xf32, #tpu.memory_space<vmem>> -> memref<1x128x64xf32, #tpu.memory_space<vmem>>
      %dma_start3A_67 = tpu.memref_squeeze %dma_start3A_66 : memref<1x128x64xf32, #tpu.memory_space<vmem>> -> memref<128x64xf32, #tpu.memory_space<vmem>>
      %dma_start3A_68 = arith.constant 0 : i32
      %dma_start3A_69 = tpu.memref_slice %arg6[%arg0, %add3A_49, %dma_start3A_68] : memref<2x10240x64xf32, #tpu.memory_space<hbm>> -> memref<1x128x64xf32, #tpu.memory_space<hbm>>
      %dma_start3A_70 = tpu.memref_squeeze %dma_start3A_69 : memref<1x128x64xf32, #tpu.memory_space<hbm>> -> memref<128x64xf32, #tpu.memory_space<hbm>>
      %dma_start3A_71 = arith.constant 0 : i32
      %dma_start3A_72 = tpu.memref_slice %arg6[%arg0, %add3A_49, %dma_start3A_71] : memref<2x10240x64xf32, #tpu.memory_space<hbm>> -> memref<1x128x64xf32, #tpu.memory_space<hbm>>
      %dma_start3A_73 = tpu.memref_squeeze %dma_start3A_72 : memref<1x128x64xf32, #tpu.memory_space<hbm>> -> memref<128x64xf32, #tpu.memory_space<hbm>>
      %dma_start3A_74 = arith.constant 0 : i32
      %dma_start3A_75 = arith.constant 0 : i32
      %dma_start3A_76 = tpu.memref_slice %arg9[%run_scoped3A_51, %dma_start3A_74, %dma_start3A_75] : memref<2x128x64xf32, #tpu.memory_space<vmem>> -> memref<1x128x64xf32, #tpu.memory_space<vmem>>
      %dma_start3A_77 = tpu.memref_squeeze %dma_start3A_76 : memref<1x128x64xf32, #tpu.memory_space<vmem>> -> memref<128x64xf32, #tpu.memory_space<vmem>>
      tpu.enqueue_dma source(%dma_start3A_77 : memref<128x64xf32, #tpu.memory_space<vmem>>) target(%dma_start3A_73 : memref<128x64xf32, #tpu.memory_space<hbm>>) target_semaphore(%run_scoped3A_64 : memref<!tpu.dma_semaphore, #tpu.memory_space<semaphore_mem>>)
      %dma_wait3A = arith.constant 0 : i32
      %dma_wait3A_78 = arith.constant 0 : i32
      %dma_wait3A_79 = tpu.memref_slice %arg9[%run_scoped3A_51, %dma_wait3A, %dma_wait3A_78] : memref<2x128x64xf32, #tpu.memory_space<vmem>> -> memref<1x128x64xf32, #tpu.memory_space<vmem>>
      %dma_wait3A_80 = tpu.memref_squeeze %dma_wait3A_79 : memref<1x128x64xf32, #tpu.memory_space<vmem>> -> memref<128x64xf32, #tpu.memory_space<vmem>>
      %dma_wait3A_81 = arith.constant 0 : i32
      %dma_wait3A_82 = tpu.memref_slice %arg6[%arg0, %add3A_49, %dma_wait3A_81] : memref<2x10240x64xf32, #tpu.memory_space<hbm>> -> memref<1x128x64xf32, #tpu.memory_space<hbm>>
      %dma_wait3A_83 = tpu.memref_squeeze %dma_wait3A_82 : memref<1x128x64xf32, #tpu.memory_space<hbm>> -> memref<128x64xf32, #tpu.memory_space<hbm>>
      %dma_wait3A_84 = arith.constant 0 : i32
      %dma_wait3A_85 = tpu.memref_slice %arg6[%arg0, %add3A_49, %dma_wait3A_84] : memref<2x10240x64xf32, #tpu.memory_space<hbm>> -> memref<1x128x64xf32, #tpu.memory_space<hbm>>
      %dma_wait3A_86 = tpu.memref_squeeze %dma_wait3A_85 : memref<1x128x64xf32, #tpu.memory_space<hbm>> -> memref<128x64xf32, #tpu.memory_space<hbm>>
      %dma_wait3A_87 = arith.constant 0 : i32
      %dma_wait3A_88 = arith.constant 0 : i32
      %dma_wait3A_89 = tpu.memref_slice %arg9[%run_scoped3A_51, %dma_wait3A_87, %dma_wait3A_88] : memref<2x128x64xf32, #tpu.memory_space<vmem>> -> memref<1x128x64xf32, #tpu.memory_space<vmem>>
      %dma_wait3A_90 = tpu.memref_squeeze %dma_wait3A_89 : memref<1x128x64xf32, #tpu.memory_space<vmem>> -> memref<128x64xf32, #tpu.memory_space<vmem>>
      tpu.wait_dma2 semaphore(%run_scoped3A_64 : memref<!tpu.dma_semaphore, #tpu.memory_space<semaphore_mem>>) src(%dma_wait3A_90 : memref<128x64xf32, #tpu.memory_space<vmem>>) dst(%dma_wait3A_86 : memref<128x64xf32, #tpu.memory_space<hbm>>)
      tpu.yield
    }) : () -> ()
    %mul3A_52 = arith.constant 640 : i32
    %mul3A_53 = arith.muli %arg1, %mul3A_52 : i32
    %add3A_54 = arith.constant 384 : i32
    %add3A_55 = arith.addi %mul3A_53, %add3A_54 : i32
    %run_scoped3A_56 = arith.constant 0 : i32
    "tpu.region"() ({
      %run_scoped3A_64 = tpu.sem_alloc : memref<!tpu.dma_semaphore, #tpu.memory_space<semaphore_mem>>
      %dma_start3A = arith.constant 0 : i32
      %dma_start3A_65 = arith.constant 0 : i32
      %dma_start3A_66 = tpu.memref_slice %arg9[%run_scoped3A_56, %dma_start3A, %dma_start3A_65] : memref<2x128x64xf32, #tpu.memory_space<vmem>> -> memref<1x128x64xf32, #tpu.memory_space<vmem>>
      %dma_start3A_67 = tpu.memref_squeeze %dma_start3A_66 : memref<1x128x64xf32, #tpu.memory_space<vmem>> -> memref<128x64xf32, #tpu.memory_space<vmem>>
      %dma_start3A_68 = arith.constant 0 : i32
      %dma_start3A_69 = tpu.memref_slice %arg10[%add3A_55, %dma_start3A_68] : memref<10240x64xf32, #tpu.memory_space<vmem_shared>> -> memref<128x64xf32, #tpu.memory_space<vmem_shared>>
      %dma_start3A_70 = arith.constant 0 : i32
      %dma_start3A_71 = arith.constant 0 : i32
      %dma_start3A_72 = tpu.memref_slice %arg9[%run_scoped3A_56, %dma_start3A_70, %dma_start3A_71] : memref<2x128x64xf32, #tpu.memory_space<vmem>> -> memref<1x128x64xf32, #tpu.memory_space<vmem>>
      %dma_start3A_73 = tpu.memref_squeeze %dma_start3A_72 : memref<1x128x64xf32, #tpu.memory_space<vmem>> -> memref<128x64xf32, #tpu.memory_space<vmem>>
      %dma_start3A_74 = arith.constant 0 : i32
      %dma_start3A_75 = tpu.memref_slice %arg10[%add3A_55, %dma_start3A_74] : memref<10240x64xf32, #tpu.memory_space<vmem_shared>> -> memref<128x64xf32, #tpu.memory_space<vmem_shared>>
      tpu.enqueue_dma source(%dma_start3A_75 : memref<128x64xf32, #tpu.memory_space<vmem_shared>>) target(%dma_start3A_73 : memref<128x64xf32, #tpu.memory_space<vmem>>) target_semaphore(%run_scoped3A_64 : memref<!tpu.dma_semaphore, #tpu.memory_space<semaphore_mem>>)
      %dma_wait3A = arith.constant 0 : i32
      %dma_wait3A_76 = arith.constant 0 : i32
      %dma_wait3A_77 = tpu.memref_slice %arg9[%run_scoped3A_56, %dma_wait3A, %dma_wait3A_76] : memref<2x128x64xf32, #tpu.memory_space<vmem>> -> memref<1x128x64xf32, #tpu.memory_space<vmem>>
      %dma_wait3A_78 = tpu.memref_squeeze %dma_wait3A_77 : memref<1x128x64xf32, #tpu.memory_space<vmem>> -> memref<128x64xf32, #tpu.memory_space<vmem>>
      %dma_wait3A_79 = arith.constant 0 : i32
      %dma_wait3A_80 = tpu.memref_slice %arg10[%add3A_55, %dma_wait3A_79] : memref<10240x64xf32, #tpu.memory_space<vmem_shared>> -> memref<128x64xf32, #tpu.memory_space<vmem_shared>>
      %dma_wait3A_81 = arith.constant 0 : i32
      %dma_wait3A_82 = arith.constant 0 : i32
      %dma_wait3A_83 = tpu.memref_slice %arg9[%run_scoped3A_56, %dma_wait3A_81, %dma_wait3A_82] : memref<2x128x64xf32, #tpu.memory_space<vmem>> -> memref<1x128x64xf32, #tpu.memory_space<vmem>>
      %dma_wait3A_84 = tpu.memref_squeeze %dma_wait3A_83 : memref<1x128x64xf32, #tpu.memory_space<vmem>> -> memref<128x64xf32, #tpu.memory_space<vmem>>
      %dma_wait3A_85 = arith.constant 0 : i32
      %dma_wait3A_86 = tpu.memref_slice %arg10[%add3A_55, %dma_wait3A_85] : memref<10240x64xf32, #tpu.memory_space<vmem_shared>> -> memref<128x64xf32, #tpu.memory_space<vmem_shared>>
      tpu.wait_dma2 semaphore(%run_scoped3A_64 : memref<!tpu.dma_semaphore, #tpu.memory_space<semaphore_mem>>) src(%dma_wait3A_86 : memref<128x64xf32, #tpu.memory_space<vmem_shared>>) dst(%dma_wait3A_84 : memref<128x64xf32, #tpu.memory_space<vmem>>)
      tpu.yield
    }) : () -> ()
    %run_scoped3A_57 = arith.constant 0 : i32
    "tpu.region"() ({
      %run_scoped3A_64 = tpu.sem_alloc : memref<!tpu.dma_semaphore, #tpu.memory_space<semaphore_mem>>
      %dma_start3A = arith.constant 0 : i32
      %dma_start3A_65 = arith.constant 0 : i32
      %dma_start3A_66 = tpu.memref_slice %arg9[%run_scoped3A_57, %dma_start3A, %dma_start3A_65] : memref<2x128x64xf32, #tpu.memory_space<vmem>> -> memref<1x128x64xf32, #tpu.memory_space<vmem>>
      %dma_start3A_67 = tpu.memref_squeeze %dma_start3A_66 : memref<1x128x64xf32, #tpu.memory_space<vmem>> -> memref<128x64xf32, #tpu.memory_space<vmem>>
      %dma_start3A_68 = arith.constant 0 : i32
      %dma_start3A_69 = tpu.memref_slice %arg6[%arg0, %add3A_55, %dma_start3A_68] : memref<2x10240x64xf32, #tpu.memory_space<hbm>> -> memref<1x128x64xf32, #tpu.memory_space<hbm>>
      %dma_start3A_70 = tpu.memref_squeeze %dma_start3A_69 : memref<1x128x64xf32, #tpu.memory_space<hbm>> -> memref<128x64xf32, #tpu.memory_space<hbm>>
      %dma_start3A_71 = arith.constant 0 : i32
      %dma_start3A_72 = tpu.memref_slice %arg6[%arg0, %add3A_55, %dma_start3A_71] : memref<2x10240x64xf32, #tpu.memory_space<hbm>> -> memref<1x128x64xf32, #tpu.memory_space<hbm>>
      %dma_start3A_73 = tpu.memref_squeeze %dma_start3A_72 : memref<1x128x64xf32, #tpu.memory_space<hbm>> -> memref<128x64xf32, #tpu.memory_space<hbm>>
      %dma_start3A_74 = arith.constant 0 : i32
      %dma_start3A_75 = arith.constant 0 : i32
      %dma_start3A_76 = tpu.memref_slice %arg9[%run_scoped3A_57, %dma_start3A_74, %dma_start3A_75] : memref<2x128x64xf32, #tpu.memory_space<vmem>> -> memref<1x128x64xf32, #tpu.memory_space<vmem>>
      %dma_start3A_77 = tpu.memref_squeeze %dma_start3A_76 : memref<1x128x64xf32, #tpu.memory_space<vmem>> -> memref<128x64xf32, #tpu.memory_space<vmem>>
      tpu.enqueue_dma source(%dma_start3A_77 : memref<128x64xf32, #tpu.memory_space<vmem>>) target(%dma_start3A_73 : memref<128x64xf32, #tpu.memory_space<hbm>>) target_semaphore(%run_scoped3A_64 : memref<!tpu.dma_semaphore, #tpu.memory_space<semaphore_mem>>)
      %dma_wait3A = arith.constant 0 : i32
      %dma_wait3A_78 = arith.constant 0 : i32
      %dma_wait3A_79 = tpu.memref_slice %arg9[%run_scoped3A_57, %dma_wait3A, %dma_wait3A_78] : memref<2x128x64xf32, #tpu.memory_space<vmem>> -> memref<1x128x64xf32, #tpu.memory_space<vmem>>
      %dma_wait3A_80 = tpu.memref_squeeze %dma_wait3A_79 : memref<1x128x64xf32, #tpu.memory_space<vmem>> -> memref<128x64xf32, #tpu.memory_space<vmem>>
      %dma_wait3A_81 = arith.constant 0 : i32
      %dma_wait3A_82 = tpu.memref_slice %arg6[%arg0, %add3A_55, %dma_wait3A_81] : memref<2x10240x64xf32, #tpu.memory_space<hbm>> -> memref<1x128x64xf32, #tpu.memory_space<hbm>>
      %dma_wait3A_83 = tpu.memref_squeeze %dma_wait3A_82 : memref<1x128x64xf32, #tpu.memory_space<hbm>> -> memref<128x64xf32, #tpu.memory_space<hbm>>
      %dma_wait3A_84 = arith.constant 0 : i32
      %dma_wait3A_85 = tpu.memref_slice %arg6[%arg0, %add3A_55, %dma_wait3A_84] : memref<2x10240x64xf32, #tpu.memory_space<hbm>> -> memref<1x128x64xf32, #tpu.memory_space<hbm>>
      %dma_wait3A_86 = tpu.memref_squeeze %dma_wait3A_85 : memref<1x128x64xf32, #tpu.memory_space<hbm>> -> memref<128x64xf32, #tpu.memory_space<hbm>>
      %dma_wait3A_87 = arith.constant 0 : i32
      %dma_wait3A_88 = arith.constant 0 : i32
      %dma_wait3A_89 = tpu.memref_slice %arg9[%run_scoped3A_57, %dma_wait3A_87, %dma_wait3A_88] : memref<2x128x64xf32, #tpu.memory_space<vmem>> -> memref<1x128x64xf32, #tpu.memory_space<vmem>>
      %dma_wait3A_90 = tpu.memref_squeeze %dma_wait3A_89 : memref<1x128x64xf32, #tpu.memory_space<vmem>> -> memref<128x64xf32, #tpu.memory_space<vmem>>
      tpu.wait_dma2 semaphore(%run_scoped3A_64 : memref<!tpu.dma_semaphore, #tpu.memory_space<semaphore_mem>>) src(%dma_wait3A_90 : memref<128x64xf32, #tpu.memory_space<vmem>>) dst(%dma_wait3A_86 : memref<128x64xf32, #tpu.memory_space<hbm>>)
      tpu.yield
    }) : () -> ()
    %mul3A_58 = arith.constant 640 : i32
    %mul3A_59 = arith.muli %arg1, %mul3A_58 : i32
    %add3A_60 = arith.constant 512 : i32
    %add3A_61 = arith.addi %mul3A_59, %add3A_60 : i32
    %run_scoped3A_62 = arith.constant 0 : i32
    "tpu.region"() ({
      %run_scoped3A_64 = tpu.sem_alloc : memref<!tpu.dma_semaphore, #tpu.memory_space<semaphore_mem>>
      %dma_start3A = arith.constant 0 : i32
      %dma_start3A_65 = arith.constant 0 : i32
      %dma_start3A_66 = tpu.memref_slice %arg9[%run_scoped3A_62, %dma_start3A, %dma_start3A_65] : memref<2x128x64xf32, #tpu.memory_space<vmem>> -> memref<1x128x64xf32, #tpu.memory_space<vmem>>
      %dma_start3A_67 = tpu.memref_squeeze %dma_start3A_66 : memref<1x128x64xf32, #tpu.memory_space<vmem>> -> memref<128x64xf32, #tpu.memory_space<vmem>>
      %dma_start3A_68 = arith.constant 0 : i32
      %dma_start3A_69 = tpu.memref_slice %arg10[%add3A_61, %dma_start3A_68] : memref<10240x64xf32, #tpu.memory_space<vmem_shared>> -> memref<128x64xf32, #tpu.memory_space<vmem_shared>>
      %dma_start3A_70 = arith.constant 0 : i32
      %dma_start3A_71 = arith.constant 0 : i32
      %dma_start3A_72 = tpu.memref_slice %arg9[%run_scoped3A_62, %dma_start3A_70, %dma_start3A_71] : memref<2x128x64xf32, #tpu.memory_space<vmem>> -> memref<1x128x64xf32, #tpu.memory_space<vmem>>
      %dma_start3A_73 = tpu.memref_squeeze %dma_start3A_72 : memref<1x128x64xf32, #tpu.memory_space<vmem>> -> memref<128x64xf32, #tpu.memory_space<vmem>>
      %dma_start3A_74 = arith.constant 0 : i32
      %dma_start3A_75 = tpu.memref_slice %arg10[%add3A_61, %dma_start3A_74] : memref<10240x64xf32, #tpu.memory_space<vmem_shared>> -> memref<128x64xf32, #tpu.memory_space<vmem_shared>>
      tpu.enqueue_dma source(%dma_start3A_75 : memref<128x64xf32, #tpu.memory_space<vmem_shared>>) target(%dma_start3A_73 : memref<128x64xf32, #tpu.memory_space<vmem>>) target_semaphore(%run_scoped3A_64 : memref<!tpu.dma_semaphore, #tpu.memory_space<semaphore_mem>>)
      %dma_wait3A = arith.constant 0 : i32
      %dma_wait3A_76 = arith.constant 0 : i32
      %dma_wait3A_77 = tpu.memref_slice %arg9[%run_scoped3A_62, %dma_wait3A, %dma_wait3A_76] : memref<2x128x64xf32, #tpu.memory_space<vmem>> -> memref<1x128x64xf32, #tpu.memory_space<vmem>>
      %dma_wait3A_78 = tpu.memref_squeeze %dma_wait3A_77 : memref<1x128x64xf32, #tpu.memory_space<vmem>> -> memref<128x64xf32, #tpu.memory_space<vmem>>
      %dma_wait3A_79 = arith.constant 0 : i32
      %dma_wait3A_80 = tpu.memref_slice %arg10[%add3A_61, %dma_wait3A_79] : memref<10240x64xf32, #tpu.memory_space<vmem_shared>> -> memref<128x64xf32, #tpu.memory_space<vmem_shared>>
      %dma_wait3A_81 = arith.constant 0 : i32
      %dma_wait3A_82 = arith.constant 0 : i32
      %dma_wait3A_83 = tpu.memref_slice %arg9[%run_scoped3A_62, %dma_wait3A_81, %dma_wait3A_82] : memref<2x128x64xf32, #tpu.memory_space<vmem>> -> memref<1x128x64xf32, #tpu.memory_space<vmem>>
      %dma_wait3A_84 = tpu.memref_squeeze %dma_wait3A_83 : memref<1x128x64xf32, #tpu.memory_space<vmem>> -> memref<128x64xf32, #tpu.memory_space<vmem>>
      %dma_wait3A_85 = arith.constant 0 : i32
      %dma_wait3A_86 = tpu.memref_slice %arg10[%add3A_61, %dma_wait3A_85] : memref<10240x64xf32, #tpu.memory_space<vmem_shared>> -> memref<128x64xf32, #tpu.memory_space<vmem_shared>>
      tpu.wait_dma2 semaphore(%run_scoped3A_64 : memref<!tpu.dma_semaphore, #tpu.memory_space<semaphore_mem>>) src(%dma_wait3A_86 : memref<128x64xf32, #tpu.memory_space<vmem_shared>>) dst(%dma_wait3A_84 : memref<128x64xf32, #tpu.memory_space<vmem>>)
      tpu.yield
    }) : () -> ()
    %run_scoped3A_63 = arith.constant 0 : i32
    "tpu.region"() ({
      %run_scoped3A_64 = tpu.sem_alloc : memref<!tpu.dma_semaphore, #tpu.memory_space<semaphore_mem>>
      %dma_start3A = arith.constant 0 : i32
      %dma_start3A_65 = arith.constant 0 : i32
      %dma_start3A_66 = tpu.memref_slice %arg9[%run_scoped3A_63, %dma_start3A, %dma_start3A_65] : memref<2x128x64xf32, #tpu.memory_space<vmem>> -> memref<1x128x64xf32, #tpu.memory_space<vmem>>
      %dma_start3A_67 = tpu.memref_squeeze %dma_start3A_66 : memref<1x128x64xf32, #tpu.memory_space<vmem>> -> memref<128x64xf32, #tpu.memory_space<vmem>>
      %dma_start3A_68 = arith.constant 0 : i32
      %dma_start3A_69 = tpu.memref_slice %arg6[%arg0, %add3A_61, %dma_start3A_68] : memref<2x10240x64xf32, #tpu.memory_space<hbm>> -> memref<1x128x64xf32, #tpu.memory_space<hbm>>
      %dma_start3A_70 = tpu.memref_squeeze %dma_start3A_69 : memref<1x128x64xf32, #tpu.memory_space<hbm>> -> memref<128x64xf32, #tpu.memory_space<hbm>>
      %dma_start3A_71 = arith.constant 0 : i32
      %dma_start3A_72 = tpu.memref_slice %arg6[%arg0, %add3A_61, %dma_start3A_71] : memref<2x10240x64xf32, #tpu.memory_space<hbm>> -> memref<1x128x64xf32, #tpu.memory_space<hbm>>
      %dma_start3A_73 = tpu.memref_squeeze %dma_start3A_72 : memref<1x128x64xf32, #tpu.memory_space<hbm>> -> memref<128x64xf32, #tpu.memory_space<hbm>>
      %dma_start3A_74 = arith.constant 0 : i32
      %dma_start3A_75 = arith.constant 0 : i32
      %dma_start3A_76 = tpu.memref_slice %arg9[%run_scoped3A_63, %dma_start3A_74, %dma_start3A_75] : memref<2x128x64xf32, #tpu.memory_space<vmem>> -> memref<1x128x64xf32, #tpu.memory_space<vmem>>
      %dma_start3A_77 = tpu.memref_squeeze %dma_start3A_76 : memref<1x128x64xf32, #tpu.memory_space<vmem>> -> memref<128x64xf32, #tpu.memory_space<vmem>>
      tpu.enqueue_dma source(%dma_start3A_77 : memref<128x64xf32, #tpu.memory_space<vmem>>) target(%dma_start3A_73 : memref<128x64xf32, #tpu.memory_space<hbm>>) target_semaphore(%run_scoped3A_64 : memref<!tpu.dma_semaphore, #tpu.memory_space<semaphore_mem>>)
      %dma_wait3A = arith.constant 0 : i32
      %dma_wait3A_78 = arith.constant 0 : i32
      %dma_wait3A_79 = tpu.memref_slice %arg9[%run_scoped3A_63, %dma_wait3A, %dma_wait3A_78] : memref<2x128x64xf32, #tpu.memory_space<vmem>> -> memref<1x128x64xf32, #tpu.memory_space<vmem>>
      %dma_wait3A_80 = tpu.memref_squeeze %dma_wait3A_79 : memref<1x128x64xf32, #tpu.memory_space<vmem>> -> memref<128x64xf32, #tpu.memory_space<vmem>>
      %dma_wait3A_81 = arith.constant 0 : i32
      %dma_wait3A_82 = tpu.memref_slice %arg6[%arg0, %add3A_61, %dma_wait3A_81] : memref<2x10240x64xf32, #tpu.memory_space<hbm>> -> memref<1x128x64xf32, #tpu.memory_space<hbm>>
      %dma_wait3A_83 = tpu.memref_squeeze %dma_wait3A_82 : memref<1x128x64xf32, #tpu.memory_space<hbm>> -> memref<128x64xf32, #tpu.memory_space<hbm>>
      %dma_wait3A_84 = arith.constant 0 : i32
      %dma_wait3A_85 = tpu.memref_slice %arg6[%arg0, %add3A_61, %dma_wait3A_84] : memref<2x10240x64xf32, #tpu.memory_space<hbm>> -> memref<1x128x64xf32, #tpu.memory_space<hbm>>
      %dma_wait3A_86 = tpu.memref_squeeze %dma_wait3A_85 : memref<1x128x64xf32, #tpu.memory_space<hbm>> -> memref<128x64xf32, #tpu.memory_space<hbm>>
      %dma_wait3A_87 = arith.constant 0 : i32
      %dma_wait3A_88 = arith.constant 0 : i32
      %dma_wait3A_89 = tpu.memref_slice %arg9[%run_scoped3A_63, %dma_wait3A_87, %dma_wait3A_88] : memref<2x128x64xf32, #tpu.memory_space<vmem>> -> memref<1x128x64xf32, #tpu.memory_space<vmem>>
      %dma_wait3A_90 = tpu.memref_squeeze %dma_wait3A_89 : memref<1x128x64xf32, #tpu.memory_space<vmem>> -> memref<128x64xf32, #tpu.memory_space<vmem>>
      tpu.wait_dma2 semaphore(%run_scoped3A_64 : memref<!tpu.dma_semaphore, #tpu.memory_space<semaphore_mem>>) src(%dma_wait3A_90 : memref<128x64xf32, #tpu.memory_space<vmem>>) dst(%dma_wait3A_86 : memref<128x64xf32, #tpu.memory_space<hbm>>)
      tpu.yield
    }) : () -> ()
    return
  }
}

#map = affine_map<(d0, d1) -> (0, 0, 0, 0)>
#map1 = affine_map<(d0, d1) -> (0, 0)>
module attributes {stable_mosaic.version = 14 : i64} {
  func.func @_deg_kernel(%arg0: i32, %arg1: i32, %arg2: memref<2x16x79x128xi32, #tpu.memory_space<hbm>>, %arg3: memref<2x10240xf32, #tpu.memory_space<hbm>>, %arg4: memref<79x128xi32, #tpu.memory_space<vmem>>, %arg5: memref<128xf32, #tpu.memory_space<vmem>>, %arg6: memref<640xf32, #tpu.memory_space<vmem>>, %arg7: memref<10240xf32, #tpu.memory_space<vmem_shared>>) attributes {dimension_semantics = [#tpu.dimension_semantics<core_parallel>, #tpu.dimension_semantics<subcore_parallel>], iteration_bounds = array<i64: 2, 16>, scalar_prefetch = 0 : i64, scratch_operands = 4 : i64, tpu.core_type = #tpu.core_type<sc_vector_subcore>, window_params = [{transform_indices = #map}, {transform_indices = #map1}]} {
    "tpu.region"() ({
      %run_scoped3A = tpu.sem_alloc : memref<!tpu.dma_semaphore, #tpu.memory_space<semaphore_mem>>
      %dma_start3A = arith.constant 0 : i32
      %dma_start3A_61 = arith.constant 0 : i32
      %dma_start3A_62 = tpu.memref_slice %arg2[%arg0, %arg1, %dma_start3A, %dma_start3A_61] : memref<2x16x79x128xi32, #tpu.memory_space<hbm>> -> memref<1x1x79x128xi32, #tpu.memory_space<hbm>>
      %dma_start3A_63 = tpu.memref_squeeze %dma_start3A_62 : memref<1x1x79x128xi32, #tpu.memory_space<hbm>> -> memref<79x128xi32, #tpu.memory_space<hbm>>
      %dma_start3A_64 = arith.constant 0 : i32
      %dma_start3A_65 = arith.constant 0 : i32
      %dma_start3A_66 = tpu.memref_slice %arg2[%arg0, %arg1, %dma_start3A_64, %dma_start3A_65] : memref<2x16x79x128xi32, #tpu.memory_space<hbm>> -> memref<1x1x79x128xi32, #tpu.memory_space<hbm>>
      %dma_start3A_67 = tpu.memref_squeeze %dma_start3A_66 : memref<1x1x79x128xi32, #tpu.memory_space<hbm>> -> memref<79x128xi32, #tpu.memory_space<hbm>>
      tpu.enqueue_dma source(%dma_start3A_67 : memref<79x128xi32, #tpu.memory_space<hbm>>) target(%arg4 : memref<79x128xi32, #tpu.memory_space<vmem>>) target_semaphore(%run_scoped3A : memref<!tpu.dma_semaphore, #tpu.memory_space<semaphore_mem>>)
      %dma_wait3A = arith.constant 0 : i32
      %dma_wait3A_68 = arith.constant 0 : i32
      %dma_wait3A_69 = tpu.memref_slice %arg2[%arg0, %arg1, %dma_wait3A, %dma_wait3A_68] : memref<2x16x79x128xi32, #tpu.memory_space<hbm>> -> memref<1x1x79x128xi32, #tpu.memory_space<hbm>>
      %dma_wait3A_70 = tpu.memref_squeeze %dma_wait3A_69 : memref<1x1x79x128xi32, #tpu.memory_space<hbm>> -> memref<79x128xi32, #tpu.memory_space<hbm>>
      %dma_wait3A_71 = arith.constant 0 : i32
      %dma_wait3A_72 = arith.constant 0 : i32
      %dma_wait3A_73 = tpu.memref_slice %arg2[%arg0, %arg1, %dma_wait3A_71, %dma_wait3A_72] : memref<2x16x79x128xi32, #tpu.memory_space<hbm>> -> memref<1x1x79x128xi32, #tpu.memory_space<hbm>>
      %dma_wait3A_74 = tpu.memref_squeeze %dma_wait3A_73 : memref<1x1x79x128xi32, #tpu.memory_space<hbm>> -> memref<79x128xi32, #tpu.memory_space<hbm>>
      tpu.wait_dma2 semaphore(%run_scoped3A : memref<!tpu.dma_semaphore, #tpu.memory_space<semaphore_mem>>) src(%dma_wait3A_74 : memref<79x128xi32, #tpu.memory_space<hbm>>) dst(%arg4 : memref<79x128xi32, #tpu.memory_space<vmem>>)
      tpu.yield
    }) : () -> ()
    %scan3A = arith.constant 0 : i32
    %scan3A_0 = arith.constant 40 : i32
    %scan3A_1 = arith.addi %scan3A, %scan3A_0 : i32
    %scan3A_2 = arith.constant 1 : i32
    scf.for %scan3A_61 = %scan3A to %scan3A_1 step %scan3A_2  : i32 {
      %mul3A_62 = arith.constant 1 : i32
      %mul3A_63 = arith.muli %scan3A_61, %mul3A_62 : i32
      %add3A = arith.constant 0 : i32
      %add3A_64 = arith.addi %add3A, %mul3A_63 : i32
      %broadcast_in_dim3A_65 = arith.constant 0.000000e+00 : f32
      %broadcast_in_dim3A_66 = vector.broadcast %broadcast_in_dim3A_65 : f32 to vector<16xf32>
      %mul3A_67 = arith.constant 16 : i32
      %mul3A_68 = arith.muli %add3A_64, %mul3A_67 : i32
      %swap3A_69 = arith.index_cast %mul3A_68 : i32 to index
      %swap3A_70 = tpu.vector_load %arg6[%swap3A_69] {strides = array<i32>} : memref<640xf32, #tpu.memory_space<vmem>>, vector<16xf32>,
      %swap3A_71 = vector.shape_cast %swap3A_70 : vector<16xf32> to vector<16xf32>
      %swap3A_72 = vector.shape_cast %broadcast_in_dim3A_66 : vector<16xf32> to vector<16xf32>
      tpu.vector_store %arg6[%swap3A_69], %swap3A_72 {strides = array<i32>} : memref<640xf32, #tpu.memory_space<vmem>>, vector<16xf32>,
    }
    %scan3A_3 = arith.constant 40 : i32
    %broadcast_in_dim3A = arith.constant 1.000000e+00 : f32
    %broadcast_in_dim3A_4 = vector.broadcast %broadcast_in_dim3A : f32 to vector<16xf32>
    %swap3A = arith.constant 0 : index
    %swap3A_5 = tpu.vector_load %arg5[%swap3A] {strides = array<i32>} : memref<128xf32, #tpu.memory_space<vmem>>, vector<16xf32>,
    %swap3A_6 = vector.shape_cast %swap3A_5 : vector<16xf32> to vector<16xf32>
    %swap3A_7 = vector.shape_cast %broadcast_in_dim3A_4 : vector<16xf32> to vector<16xf32>
    tpu.vector_store %arg5[%swap3A], %swap3A_7 {strides = array<i32>} : memref<128xf32, #tpu.memory_space<vmem>>, vector<16xf32>,
    %broadcast_in_dim3A_8 = arith.constant 1.000000e+00 : f32
    %broadcast_in_dim3A_9 = vector.broadcast %broadcast_in_dim3A_8 : f32 to vector<16xf32>
    %swap3A_10 = arith.constant 16 : index
    %swap3A_11 = tpu.vector_load %arg5[%swap3A_10] {strides = array<i32>} : memref<128xf32, #tpu.memory_space<vmem>>, vector<16xf32>,
    %swap3A_12 = vector.shape_cast %swap3A_11 : vector<16xf32> to vector<16xf32>
    %swap3A_13 = vector.shape_cast %broadcast_in_dim3A_9 : vector<16xf32> to vector<16xf32>
    tpu.vector_store %arg5[%swap3A_10], %swap3A_13 {strides = array<i32>} : memref<128xf32, #tpu.memory_space<vmem>>, vector<16xf32>,
    %broadcast_in_dim3A_14 = arith.constant 1.000000e+00 : f32
    %broadcast_in_dim3A_15 = vector.broadcast %broadcast_in_dim3A_14 : f32 to vector<16xf32>
    %swap3A_16 = arith.constant 32 : index
    %swap3A_17 = tpu.vector_load %arg5[%swap3A_16] {strides = array<i32>} : memref<128xf32, #tpu.memory_space<vmem>>, vector<16xf32>,
    %swap3A_18 = vector.shape_cast %swap3A_17 : vector<16xf32> to vector<16xf32>
    %swap3A_19 = vector.shape_cast %broadcast_in_dim3A_15 : vector<16xf32> to vector<16xf32>
    tpu.vector_store %arg5[%swap3A_16], %swap3A_19 {strides = array<i32>} : memref<128xf32, #tpu.memory_space<vmem>>, vector<16xf32>,
    %broadcast_in_dim3A_20 = arith.constant 1.000000e+00 : f32
    %broadcast_in_dim3A_21 = vector.broadcast %broadcast_in_dim3A_20 : f32 to vector<16xf32>
    %swap3A_22 = arith.constant 48 : index
    %swap3A_23 = tpu.vector_load %arg5[%swap3A_22] {strides = array<i32>} : memref<128xf32, #tpu.memory_space<vmem>>, vector<16xf32>,
    %swap3A_24 = vector.shape_cast %swap3A_23 : vector<16xf32> to vector<16xf32>
    %swap3A_25 = vector.shape_cast %broadcast_in_dim3A_21 : vector<16xf32> to vector<16xf32>
    tpu.vector_store %arg5[%swap3A_22], %swap3A_25 {strides = array<i32>} : memref<128xf32, #tpu.memory_space<vmem>>, vector<16xf32>,
    %broadcast_in_dim3A_26 = arith.constant 1.000000e+00 : f32
    %broadcast_in_dim3A_27 = vector.broadcast %broadcast_in_dim3A_26 : f32 to vector<16xf32>
    %swap3A_28 = arith.constant 64 : index
    %swap3A_29 = tpu.vector_load %arg5[%swap3A_28] {strides = array<i32>} : memref<128xf32, #tpu.memory_space<vmem>>, vector<16xf32>,
    %swap3A_30 = vector.shape_cast %swap3A_29 : vector<16xf32> to vector<16xf32>
    %swap3A_31 = vector.shape_cast %broadcast_in_dim3A_27 : vector<16xf32> to vector<16xf32>
    tpu.vector_store %arg5[%swap3A_28], %swap3A_31 {strides = array<i32>} : memref<128xf32, #tpu.memory_space<vmem>>, vector<16xf32>,
    %broadcast_in_dim3A_32 = arith.constant 1.000000e+00 : f32
    %broadcast_in_dim3A_33 = vector.broadcast %broadcast_in_dim3A_32 : f32 to vector<16xf32>
    %swap3A_34 = arith.constant 80 : index
    %swap3A_35 = tpu.vector_load %arg5[%swap3A_34] {strides = array<i32>} : memref<128xf32, #tpu.memory_space<vmem>>, vector<16xf32>,
    %swap3A_36 = vector.shape_cast %swap3A_35 : vector<16xf32> to vector<16xf32>
    %swap3A_37 = vector.shape_cast %broadcast_in_dim3A_33 : vector<16xf32> to vector<16xf32>
    tpu.vector_store %arg5[%swap3A_34], %swap3A_37 {strides = array<i32>} : memref<128xf32, #tpu.memory_space<vmem>>, vector<16xf32>,
    %broadcast_in_dim3A_38 = arith.constant 1.000000e+00 : f32
    %broadcast_in_dim3A_39 = vector.broadcast %broadcast_in_dim3A_38 : f32 to vector<16xf32>
    %swap3A_40 = arith.constant 96 : index
    %swap3A_41 = tpu.vector_load %arg5[%swap3A_40] {strides = array<i32>} : memref<128xf32, #tpu.memory_space<vmem>>, vector<16xf32>,
    %swap3A_42 = vector.shape_cast %swap3A_41 : vector<16xf32> to vector<16xf32>
    %swap3A_43 = vector.shape_cast %broadcast_in_dim3A_39 : vector<16xf32> to vector<16xf32>
    tpu.vector_store %arg5[%swap3A_40], %swap3A_43 {strides = array<i32>} : memref<128xf32, #tpu.memory_space<vmem>>, vector<16xf32>,
    %broadcast_in_dim3A_44 = arith.constant 1.000000e+00 : f32
    %broadcast_in_dim3A_45 = vector.broadcast %broadcast_in_dim3A_44 : f32 to vector<16xf32>
    %swap3A_46 = arith.constant 112 : index
    %swap3A_47 = tpu.vector_load %arg5[%swap3A_46] {strides = array<i32>} : memref<128xf32, #tpu.memory_space<vmem>>, vector<16xf32>,
    %swap3A_48 = vector.shape_cast %swap3A_47 : vector<16xf32> to vector<16xf32>
    %swap3A_49 = vector.shape_cast %broadcast_in_dim3A_45 : vector<16xf32> to vector<16xf32>
    tpu.vector_store %arg5[%swap3A_46], %swap3A_49 {strides = array<i32>} : memref<128xf32, #tpu.memory_space<vmem>>, vector<16xf32>,
    %mul3A = arith.constant 640 : i32
    %mul3A_50 = arith.muli %arg1, %mul3A : i32
    "tpu.region"() ({
      %run_scoped3A = tpu.sem_alloc : memref<!tpu.dma_semaphore, #tpu.memory_space<semaphore_mem>>
      %dma_start3A = tpu.memref_slice %arg7[%mul3A_50] : memref<10240xf32, #tpu.memory_space<vmem_shared>> -> memref<640xf32, #tpu.memory_space<vmem_shared>>
      %dma_start3A_61 = tpu.memref_slice %arg7[%mul3A_50] : memref<10240xf32, #tpu.memory_space<vmem_shared>> -> memref<640xf32, #tpu.memory_space<vmem_shared>>
      tpu.enqueue_dma source(%arg6 : memref<640xf32, #tpu.memory_space<vmem>>) target(%dma_start3A_61 : memref<640xf32, #tpu.memory_space<vmem_shared>>) target_semaphore(%run_scoped3A : memref<!tpu.dma_semaphore, #tpu.memory_space<semaphore_mem>>)
      %dma_wait3A = tpu.memref_slice %arg7[%mul3A_50] : memref<10240xf32, #tpu.memory_space<vmem_shared>> -> memref<640xf32, #tpu.memory_space<vmem_shared>>
      %dma_wait3A_62 = tpu.memref_slice %arg7[%mul3A_50] : memref<10240xf32, #tpu.memory_space<vmem_shared>> -> memref<640xf32, #tpu.memory_space<vmem_shared>>
      tpu.wait_dma2 semaphore(%run_scoped3A : memref<!tpu.dma_semaphore, #tpu.memory_space<semaphore_mem>>) src(%arg6 : memref<640xf32, #tpu.memory_space<vmem>>) dst(%dma_wait3A_62 : memref<640xf32, #tpu.memory_space<vmem_shared>>)
      tpu.yield
    }) : () -> ()
    %barrier3A = arith.constant 0 : index
    tpu.barrier barrier_id(%barrier3A)
    %scan3A_51 = arith.constant 0 : i32
    %scan3A_52 = arith.constant 79 : i32
    %scan3A_53 = arith.addi %scan3A_51, %scan3A_52 : i32
    %scan3A_54 = arith.constant 1 : i32
    scf.for %scan3A_61 = %scan3A_51 to %scan3A_53 step %scan3A_54  : i32 {
      %mul3A_62 = arith.constant 1 : i32
      %mul3A_63 = arith.muli %scan3A_61, %mul3A_62 : i32
      %add3A = arith.constant 0 : i32
      %add3A_64 = arith.addi %add3A, %mul3A_63 : i32
      "tpu.region"() ({
        %run_scoped3A = tpu.sem_alloc : memref<!tpu.dma_semaphore, #tpu.memory_space<semaphore_mem>>
        %dma_start3A = arith.constant 0 : i32
        %dma_start3A_65 = tpu.memref_slice %arg4[%add3A_64, %dma_start3A] : memref<79x128xi32, #tpu.memory_space<vmem>> -> memref<1x128xi32, #tpu.memory_space<vmem>>
        %dma_start3A_66 = tpu.memref_squeeze %dma_start3A_65 : memref<1x128xi32, #tpu.memory_space<vmem>> -> memref<128xi32, #tpu.memory_space<vmem>>
        %dma_start3A_67 = arith.constant 0 : i32
        %dma_start3A_68 = tpu.memref_slice %arg7[%dma_start3A_67] : memref<10240xf32, #tpu.memory_space<vmem_shared>> -> memref<10240xf32, #tpu.memory_space<vmem_shared>>
        tpu.enqueue_indirect_dma source(%arg5 : memref<128xf32, #tpu.memory_space<vmem>>) target(%dma_start3A_68 : memref<10240xf32, #tpu.memory_space<vmem_shared>>) offsets(%dma_start3A_66 : memref<128xi32, #tpu.memory_space<vmem>>) semaphore(%run_scoped3A : memref<!tpu.dma_semaphore, #tpu.memory_space<semaphore_mem>>) {add = true}
        %dma_wait3A = arith.constant 0 : i32
        %dma_wait3A_69 = tpu.memref_slice %arg4[%add3A_64, %dma_wait3A] : memref<79x128xi32, #tpu.memory_space<vmem>> -> memref<1x128xi32, #tpu.memory_space<vmem>>
        %dma_wait3A_70 = tpu.memref_squeeze %dma_wait3A_69 : memref<1x128xi32, #tpu.memory_space<vmem>> -> memref<128xi32, #tpu.memory_space<vmem>>
        %dma_wait3A_71 = arith.constant 0 : i32
        %dma_wait3A_72 = tpu.memref_slice %arg7[%dma_wait3A_71] : memref<10240xf32, #tpu.memory_space<vmem_shared>> -> memref<10240xf32, #tpu.memory_space<vmem_shared>>
        tpu.wait_indirect_dma semaphore(%run_scoped3A : memref<!tpu.dma_semaphore, #tpu.memory_space<semaphore_mem>>) src(%arg5 : memref<128xf32, #tpu.memory_space<vmem>>) dst(%dma_wait3A_72 : memref<10240xf32, #tpu.memory_space<vmem_shared>>)
        tpu.yield
      }) : () -> ()
    }
    %scan3A_55 = arith.constant 79 : i32
    %barrier3A_56 = arith.constant 0 : index
    tpu.barrier barrier_id(%barrier3A_56)
    %mul3A_57 = arith.constant 640 : i32
    %mul3A_58 = arith.muli %arg1, %mul3A_57 : i32
    "tpu.region"() ({
      %run_scoped3A = tpu.sem_alloc : memref<!tpu.dma_semaphore, #tpu.memory_space<semaphore_mem>>
      %dma_start3A = tpu.memref_slice %arg7[%mul3A_58] : memref<10240xf32, #tpu.memory_space<vmem_shared>> -> memref<640xf32, #tpu.memory_space<vmem_shared>>
      %dma_start3A_61 = tpu.memref_slice %arg7[%mul3A_58] : memref<10240xf32, #tpu.memory_space<vmem_shared>> -> memref<640xf32, #tpu.memory_space<vmem_shared>>
      tpu.enqueue_dma source(%dma_start3A_61 : memref<640xf32, #tpu.memory_space<vmem_shared>>) target(%arg6 : memref<640xf32, #tpu.memory_space<vmem>>) target_semaphore(%run_scoped3A : memref<!tpu.dma_semaphore, #tpu.memory_space<semaphore_mem>>)
      %dma_wait3A = tpu.memref_slice %arg7[%mul3A_58] : memref<10240xf32, #tpu.memory_space<vmem_shared>> -> memref<640xf32, #tpu.memory_space<vmem_shared>>
      %dma_wait3A_62 = tpu.memref_slice %arg7[%mul3A_58] : memref<10240xf32, #tpu.memory_space<vmem_shared>> -> memref<640xf32, #tpu.memory_space<vmem_shared>>
      tpu.wait_dma2 semaphore(%run_scoped3A : memref<!tpu.dma_semaphore, #tpu.memory_space<semaphore_mem>>) src(%dma_wait3A_62 : memref<640xf32, #tpu.memory_space<vmem_shared>>) dst(%arg6 : memref<640xf32, #tpu.memory_space<vmem>>)
      tpu.yield
    }) : () -> ()
    %mul3A_59 = arith.constant 640 : i32
    %mul3A_60 = arith.muli %arg1, %mul3A_59 : i32
    "tpu.region"() ({
      %run_scoped3A = tpu.sem_alloc : memref<!tpu.dma_semaphore, #tpu.memory_space<semaphore_mem>>
      %dma_start3A = tpu.memref_slice %arg3[%arg0, %mul3A_60] : memref<2x10240xf32, #tpu.memory_space<hbm>> -> memref<1x640xf32, #tpu.memory_space<hbm>>
      %dma_start3A_61 = tpu.memref_squeeze %dma_start3A : memref<1x640xf32, #tpu.memory_space<hbm>> -> memref<640xf32, #tpu.memory_space<hbm>>
      %dma_start3A_62 = tpu.memref_slice %arg3[%arg0, %mul3A_60] : memref<2x10240xf32, #tpu.memory_space<hbm>> -> memref<1x640xf32, #tpu.memory_space<hbm>>
      %dma_start3A_63 = tpu.memref_squeeze %dma_start3A_62 : memref<1x640xf32, #tpu.memory_space<hbm>> -> memref<640xf32, #tpu.memory_space<hbm>>
      tpu.enqueue_dma source(%arg6 : memref<640xf32, #tpu.memory_space<vmem>>) target(%dma_start3A_63 : memref<640xf32, #tpu.memory_space<hbm>>) target_semaphore(%run_scoped3A : memref<!tpu.dma_semaphore, #tpu.memory_space<semaphore_mem>>)
      %dma_wait3A = tpu.memref_slice %arg3[%arg0, %mul3A_60] : memref<2x10240xf32, #tpu.memory_space<hbm>> -> memref<1x640xf32, #tpu.memory_space<hbm>>
      %dma_wait3A_64 = tpu.memref_squeeze %dma_wait3A : memref<1x640xf32, #tpu.memory_space<hbm>> -> memref<640xf32, #tpu.memory_space<hbm>>
      %dma_wait3A_65 = tpu.memref_slice %arg3[%arg0, %mul3A_60] : memref<2x10240xf32, #tpu.memory_space<hbm>> -> memref<1x640xf32, #tpu.memory_space<hbm>>
      %dma_wait3A_66 = tpu.memref_squeeze %dma_wait3A_65 : memref<1x640xf32, #tpu.memory_space<hbm>> -> memref<640xf32, #tpu.memory_space<hbm>>
      tpu.wait_dma2 semaphore(%run_scoped3A : memref<!tpu.dma_semaphore, #tpu.memory_space<semaphore_mem>>) src(%arg6 : memref<640xf32, #tpu.memory_space<vmem>>) dst(%dma_wait3A_66 : memref<640xf32, #tpu.memory_space<hbm>>)
      tpu.yield
    }) : () -> ()
    return
  }
}

#map = affine_map<(d0, d1) -> (0, 0)>
#map1 = affine_map<(d0, d1) -> (0, 0, 0)>
module attributes {stable_mosaic.version = 14 : i64} {
  func.func @_agg_kernel(%arg0: i32, %arg1: i32, %arg2: memref<10240x64xf32, #tpu.memory_space<hbm>>, %arg3: memref<10240x64xf32, #tpu.memory_space<hbm>>, %arg4: memref<16x158x128xi32, #tpu.memory_space<hbm>>, %arg5: memref<16x158x128xi32, #tpu.memory_space<hbm>>, %arg6: memref<2x10240x64xf32, #tpu.memory_space<hbm>>, %arg7: memref<158x128xi32, #tpu.memory_space<vmem>>, %arg8: memref<158x128xi32, #tpu.memory_space<vmem>>, %arg9: memref<2x128x64xf32, #tpu.memory_space<vmem>>, %arg10: memref<10240x64xf32, #tpu.memory_space<vmem_shared>>, %arg11: memref<!tpu.dma_semaphore, #tpu.memory_space<semaphore_mem>>, %arg12: memref<!tpu.dma_semaphore, #tpu.memory_space<semaphore_mem>>) attributes {dimension_semantics = [#tpu.dimension_semantics<core_parallel>, #tpu.dimension_semantics<subcore_parallel>], iteration_bounds = array<i64: 2, 16>, scalar_prefetch = 0 : i64, scratch_operands = 6 : i64, tpu.core_type = #tpu.core_type<sc_vector_subcore>, window_params = [{transform_indices = #map}, {transform_indices = #map}, {transform_indices = #map1}, {transform_indices = #map1}, {transform_indices = #map1}]} {
    "tpu.region"() ({
      %run_scoped3A_64 = tpu.sem_alloc : memref<!tpu.dma_semaphore, #tpu.memory_space<semaphore_mem>>
      %dma_start3A = arith.constant 0 : i32
      %dma_start3A_65 = arith.constant 0 : i32
      %dma_start3A_66 = tpu.memref_slice %arg4[%arg1, %dma_start3A, %dma_start3A_65] : memref<16x158x128xi32, #tpu.memory_space<hbm>> -> memref<1x158x128xi32, #tpu.memory_space<hbm>>
      %dma_start3A_67 = tpu.memref_squeeze %dma_start3A_66 : memref<1x158x128xi32, #tpu.memory_space<hbm>> -> memref<158x128xi32, #tpu.memory_space<hbm>>
      %dma_start3A_68 = arith.constant 0 : i32
      %dma_start3A_69 = arith.constant 0 : i32
      %dma_start3A_70 = tpu.memref_slice %arg4[%arg1, %dma_start3A_68, %dma_start3A_69] : memref<16x158x128xi32, #tpu.memory_space<hbm>> -> memref<1x158x128xi32, #tpu.memory_space<hbm>>
      %dma_start3A_71 = tpu.memref_squeeze %dma_start3A_70 : memref<1x158x128xi32, #tpu.memory_space<hbm>> -> memref<158x128xi32, #tpu.memory_space<hbm>>
      tpu.enqueue_dma source(%dma_start3A_71 : memref<158x128xi32, #tpu.memory_space<hbm>>) target(%arg7 : memref<158x128xi32, #tpu.memory_space<vmem>>) target_semaphore(%run_scoped3A_64 : memref<!tpu.dma_semaphore, #tpu.memory_space<semaphore_mem>>)
      %dma_wait3A = arith.constant 0 : i32
      %dma_wait3A_72 = arith.constant 0 : i32
      %dma_wait3A_73 = tpu.memref_slice %arg4[%arg1, %dma_wait3A, %dma_wait3A_72] : memref<16x158x128xi32, #tpu.memory_space<hbm>> -> memref<1x158x128xi32, #tpu.memory_space<hbm>>
      %dma_wait3A_74 = tpu.memref_squeeze %dma_wait3A_73 : memref<1x158x128xi32, #tpu.memory_space<hbm>> -> memref<158x128xi32, #tpu.memory_space<hbm>>
      %dma_wait3A_75 = arith.constant 0 : i32
      %dma_wait3A_76 = arith.constant 0 : i32
      %dma_wait3A_77 = tpu.memref_slice %arg4[%arg1, %dma_wait3A_75, %dma_wait3A_76] : memref<16x158x128xi32, #tpu.memory_space<hbm>> -> memref<1x158x128xi32, #tpu.memory_space<hbm>>
      %dma_wait3A_78 = tpu.memref_squeeze %dma_wait3A_77 : memref<1x158x128xi32, #tpu.memory_space<hbm>> -> memref<158x128xi32, #tpu.memory_space<hbm>>
      tpu.wait_dma2 semaphore(%run_scoped3A_64 : memref<!tpu.dma_semaphore, #tpu.memory_space<semaphore_mem>>) src(%dma_wait3A_78 : memref<158x128xi32, #tpu.memory_space<hbm>>) dst(%arg7 : memref<158x128xi32, #tpu.memory_space<vmem>>)
      tpu.yield
    }) : () -> ()
    "tpu.region"() ({
      %run_scoped3A_64 = tpu.sem_alloc : memref<!tpu.dma_semaphore, #tpu.memory_space<semaphore_mem>>
      %dma_start3A = arith.constant 0 : i32
      %dma_start3A_65 = arith.constant 0 : i32
      %dma_start3A_66 = tpu.memref_slice %arg5[%arg1, %dma_start3A, %dma_start3A_65] : memref<16x158x128xi32, #tpu.memory_space<hbm>> -> memref<1x158x128xi32, #tpu.memory_space<hbm>>
      %dma_start3A_67 = tpu.memref_squeeze %dma_start3A_66 : memref<1x158x128xi32, #tpu.memory_space<hbm>> -> memref<158x128xi32, #tpu.memory_space<hbm>>
      %dma_start3A_68 = arith.constant 0 : i32
      %dma_start3A_69 = arith.constant 0 : i32
      %dma_start3A_70 = tpu.memref_slice %arg5[%arg1, %dma_start3A_68, %dma_start3A_69] : memref<16x158x128xi32, #tpu.memory_space<hbm>> -> memref<1x158x128xi32, #tpu.memory_space<hbm>>
      %dma_start3A_71 = tpu.memref_squeeze %dma_start3A_70 : memref<1x158x128xi32, #tpu.memory_space<hbm>> -> memref<158x128xi32, #tpu.memory_space<hbm>>
      tpu.enqueue_dma source(%dma_start3A_71 : memref<158x128xi32, #tpu.memory_space<hbm>>) target(%arg8 : memref<158x128xi32, #tpu.memory_space<vmem>>) target_semaphore(%run_scoped3A_64 : memref<!tpu.dma_semaphore, #tpu.memory_space<semaphore_mem>>)
      %dma_wait3A = arith.constant 0 : i32
      %dma_wait3A_72 = arith.constant 0 : i32
      %dma_wait3A_73 = tpu.memref_slice %arg5[%arg1, %dma_wait3A, %dma_wait3A_72] : memref<16x158x128xi32, #tpu.memory_space<hbm>> -> memref<1x158x128xi32, #tpu.memory_space<hbm>>
      %dma_wait3A_74 = tpu.memref_squeeze %dma_wait3A_73 : memref<1x158x128xi32, #tpu.memory_space<hbm>> -> memref<158x128xi32, #tpu.memory_space<hbm>>
      %dma_wait3A_75 = arith.constant 0 : i32
      %dma_wait3A_76 = arith.constant 0 : i32
      %dma_wait3A_77 = tpu.memref_slice %arg5[%arg1, %dma_wait3A_75, %dma_wait3A_76] : memref<16x158x128xi32, #tpu.memory_space<hbm>> -> memref<1x158x128xi32, #tpu.memory_space<hbm>>
      %dma_wait3A_78 = tpu.memref_squeeze %dma_wait3A_77 : memref<1x158x128xi32, #tpu.memory_space<hbm>> -> memref<158x128xi32, #tpu.memory_space<hbm>>
      tpu.wait_dma2 semaphore(%run_scoped3A_64 : memref<!tpu.dma_semaphore, #tpu.memory_space<semaphore_mem>>) src(%dma_wait3A_78 : memref<158x128xi32, #tpu.memory_space<hbm>>) dst(%arg8 : memref<158x128xi32, #tpu.memory_space<vmem>>)
      tpu.yield
    }) : () -> ()
    %scan3A = arith.constant 0 : i32
    %scan3A_0 = arith.constant 128 : i32
    %scan3A_1 = arith.addi %scan3A, %scan3A_0 : i32
    %scan3A_2 = arith.constant 1 : i32
    scf.for %scan3A_64 = %scan3A to %scan3A_1 step %scan3A_2  : i32 {
      %mul3A_65 = arith.constant 1 : i32
      %mul3A_66 = arith.muli %scan3A_64, %mul3A_65 : i32
      %add3A_67 = arith.constant 0 : i32
      %add3A_68 = arith.addi %add3A_67, %mul3A_66 : i32
      %broadcast_in_dim3A = arith.constant 0.000000e+00 : f32
      %broadcast_in_dim3A_69 = vector.broadcast %broadcast_in_dim3A : f32 to vector<16xf32>
      %swap3A = arith.constant 0 : i32
      %swap3A_70 = arith.index_cast %swap3A : i32 to index
      %swap3A_71 = arith.index_cast %add3A_68 : i32 to index
      %swap3A_72 = arith.constant 0 : index
      %swap3A_73 = tpu.vector_load %arg9[%swap3A_70, %swap3A_71, %swap3A_72] {strides = array<i32>} : memref<2x128x64xf32, #tpu.memory_space<vmem>>, vector<1x1x16xf32>,
      %swap3A_74 = vector.shape_cast %swap3A_73 : vector<1x1x16xf32> to vector<16xf32>
      %swap3A_75 = vector.shape_cast %broadcast_in_dim3A_69 : vector<16xf32> to vector<1x1x16xf32>
      tpu.vector_store %arg9[%swap3A_70, %swap3A_71, %swap3A_72], %swap3A_75 {strides = array<i32>} : memref<2x128x64xf32, #tpu.memory_space<vmem>>, vector<1x1x16xf32>,
      %broadcast_in_dim3A_76 = arith.constant 0.000000e+00 : f32
      %broadcast_in_dim3A_77 = vector.broadcast %broadcast_in_dim3A_76 : f32 to vector<16xf32>
      %swap3A_78 = arith.constant 0 : i32
      %swap3A_79 = arith.index_cast %swap3A_78 : i32 to index
      %swap3A_80 = arith.index_cast %add3A_68 : i32 to index
      %swap3A_81 = arith.constant 16 : index
      %swap3A_82 = tpu.vector_load %arg9[%swap3A_79, %swap3A_80, %swap3A_81] {strides = array<i32>} : memref<2x128x64xf32, #tpu.memory_space<vmem>>, vector<1x1x16xf32>,
      %swap3A_83 = vector.shape_cast %swap3A_82 : vector<1x1x16xf32> to vector<16xf32>
      %swap3A_84 = vector.shape_cast %broadcast_in_dim3A_77 : vector<16xf32> to vector<1x1x16xf32>
      tpu.vector_store %arg9[%swap3A_79, %swap3A_80, %swap3A_81], %swap3A_84 {strides = array<i32>} : memref<2x128x64xf32, #tpu.memory_space<vmem>>, vector<1x1x16xf32>,
      %broadcast_in_dim3A_85 = arith.constant 0.000000e+00 : f32
      %broadcast_in_dim3A_86 = vector.broadcast %broadcast_in_dim3A_85 : f32 to vector<16xf32>
      %swap3A_87 = arith.constant 0 : i32
      %swap3A_88 = arith.index_cast %swap3A_87 : i32 to index
      %swap3A_89 = arith.index_cast %add3A_68 : i32 to index
      %swap3A_90 = arith.constant 32 : index
      %swap3A_91 = tpu.vector_load %arg9[%swap3A_88, %swap3A_89, %swap3A_90] {strides = array<i32>} : memref<2x128x64xf32, #tpu.memory_space<vmem>>, vector<1x1x16xf32>,
      %swap3A_92 = vector.shape_cast %swap3A_91 : vector<1x1x16xf32> to vector<16xf32>
      %swap3A_93 = vector.shape_cast %broadcast_in_dim3A_86 : vector<16xf32> to vector<1x1x16xf32>
      tpu.vector_store %arg9[%swap3A_88, %swap3A_89, %swap3A_90], %swap3A_93 {strides = array<i32>} : memref<2x128x64xf32, #tpu.memory_space<vmem>>, vector<1x1x16xf32>,
      %broadcast_in_dim3A_94 = arith.constant 0.000000e+00 : f32
      %broadcast_in_dim3A_95 = vector.broadcast %broadcast_in_dim3A_94 : f32 to vector<16xf32>
      %swap3A_96 = arith.constant 0 : i32
      %swap3A_97 = arith.index_cast %swap3A_96 : i32 to index
      %swap3A_98 = arith.index_cast %add3A_68 : i32 to index
      %swap3A_99 = arith.constant 48 : index
      %swap3A_100 = tpu.vector_load %arg9[%swap3A_97, %swap3A_98, %swap3A_99] {strides = array<i32>} : memref<2x128x64xf32, #tpu.memory_space<vmem>>, vector<1x1x16xf32>,
      %swap3A_101 = vector.shape_cast %swap3A_100 : vector<1x1x16xf32> to vector<16xf32>
      %swap3A_102 = vector.shape_cast %broadcast_in_dim3A_95 : vector<16xf32> to vector<1x1x16xf32>
      tpu.vector_store %arg9[%swap3A_97, %swap3A_98, %swap3A_99], %swap3A_102 {strides = array<i32>} : memref<2x128x64xf32, #tpu.memory_space<vmem>>, vector<1x1x16xf32>,
    }
    %scan3A_3 = arith.constant 128 : i32
    %mul3A = arith.constant 640 : i32
    %mul3A_4 = arith.muli %arg1, %mul3A : i32
    %add3A = arith.constant 0 : i32
    %add3A_5 = arith.addi %mul3A_4, %add3A : i32
    %run_scoped3A = arith.constant 0 : i32
    "tpu.region"() ({
      %run_scoped3A_64 = tpu.sem_alloc : memref<!tpu.dma_semaphore, #tpu.memory_space<semaphore_mem>>
      %dma_start3A = arith.constant 0 : i32
      %dma_start3A_65 = arith.constant 0 : i32
      %dma_start3A_66 = tpu.memref_slice %arg9[%run_scoped3A, %dma_start3A, %dma_start3A_65] : memref<2x128x64xf32, #tpu.memory_space<vmem>> -> memref<1x128x64xf32, #tpu.memory_space<vmem>>
      %dma_start3A_67 = tpu.memref_squeeze %dma_start3A_66 : memref<1x128x64xf32, #tpu.memory_space<vmem>> -> memref<128x64xf32, #tpu.memory_space<vmem>>
      %dma_start3A_68 = arith.constant 0 : i32
      %dma_start3A_69 = tpu.memref_slice %arg10[%add3A_5, %dma_start3A_68] : memref<10240x64xf32, #tpu.memory_space<vmem_shared>> -> memref<128x64xf32, #tpu.memory_space<vmem_shared>>
      %dma_start3A_70 = arith.constant 0 : i32
      %dma_start3A_71 = tpu.memref_slice %arg10[%add3A_5, %dma_start3A_70] : memref<10240x64xf32, #tpu.memory_space<vmem_shared>> -> memref<128x64xf32, #tpu.memory_space<vmem_shared>>
      %dma_start3A_72 = arith.constant 0 : i32
      %dma_start3A_73 = arith.constant 0 : i32
      %dma_start3A_74 = tpu.memref_slice %arg9[%run_scoped3A, %dma_start3A_72, %dma_start3A_73] : memref<2x128x64xf32, #tpu.memory_space<vmem>> -> memref<1x128x64xf32, #tpu.memory_space<vmem>>
      %dma_start3A_75 = tpu.memref_squeeze %dma_start3A_74 : memref<1x128x64xf32, #tpu.memory_space<vmem>> -> memref<128x64xf32, #tpu.memory_space<vmem>>
      tpu.enqueue_dma source(%dma_start3A_75 : memref<128x64xf32, #tpu.memory_space<vmem>>) target(%dma_start3A_71 : memref<128x64xf32, #tpu.memory_space<vmem_shared>>) target_semaphore(%run_scoped3A_64 : memref<!tpu.dma_semaphore, #tpu.memory_space<semaphore_mem>>)
      %dma_wait3A = arith.constant 0 : i32
      %dma_wait3A_76 = arith.constant 0 : i32
      %dma_wait3A_77 = tpu.memref_slice %arg9[%run_scoped3A, %dma_wait3A, %dma_wait3A_76] : memref<2x128x64xf32, #tpu.memory_space<vmem>> -> memref<1x128x64xf32, #tpu.memory_space<vmem>>
      %dma_wait3A_78 = tpu.memref_squeeze %dma_wait3A_77 : memref<1x128x64xf32, #tpu.memory_space<vmem>> -> memref<128x64xf32, #tpu.memory_space<vmem>>
      %dma_wait3A_79 = arith.constant 0 : i32
      %dma_wait3A_80 = tpu.memref_slice %arg10[%add3A_5, %dma_wait3A_79] : memref<10240x64xf32, #tpu.memory_space<vmem_shared>> -> memref<128x64xf32, #tpu.memory_space<vmem_shared>>
      %dma_wait3A_81 = arith.constant 0 : i32
      %dma_wait3A_82 = tpu.memref_slice %arg10[%add3A_5, %dma_wait3A_81] : memref<10240x64xf32, #tpu.memory_space<vmem_shared>> -> memref<128x64xf32, #tpu.memory_space<vmem_shared>>
      %dma_wait3A_83 = arith.constant 0 : i32
      %dma_wait3A_84 = arith.constant 0 : i32
      %dma_wait3A_85 = tpu.memref_slice %arg9[%run_scoped3A, %dma_wait3A_83, %dma_wait3A_84] : memref<2x128x64xf32, #tpu.memory_space<vmem>> -> memref<1x128x64xf32, #tpu.memory_space<vmem>>
      %dma_wait3A_86 = tpu.memref_squeeze %dma_wait3A_85 : memref<1x128x64xf32, #tpu.memory_space<vmem>> -> memref<128x64xf32, #tpu.memory_space<vmem>>
      tpu.wait_dma2 semaphore(%run_scoped3A_64 : memref<!tpu.dma_semaphore, #tpu.memory_space<semaphore_mem>>) src(%dma_wait3A_86 : memref<128x64xf32, #tpu.memory_space<vmem>>) dst(%dma_wait3A_82 : memref<128x64xf32, #tpu.memory_space<vmem_shared>>)
      tpu.yield
    }) : () -> ()
    %mul3A_6 = arith.constant 640 : i32
    %mul3A_7 = arith.muli %arg1, %mul3A_6 : i32
    %add3A_8 = arith.constant 128 : i32
    %add3A_9 = arith.addi %mul3A_7, %add3A_8 : i32
    %run_scoped3A_10 = arith.constant 0 : i32
    "tpu.region"() ({
      %run_scoped3A_64 = tpu.sem_alloc : memref<!tpu.dma_semaphore, #tpu.memory_space<semaphore_mem>>
      %dma_start3A = arith.constant 0 : i32
      %dma_start3A_65 = arith.constant 0 : i32
      %dma_start3A_66 = tpu.memref_slice %arg9[%run_scoped3A_10, %dma_start3A, %dma_start3A_65] : memref<2x128x64xf32, #tpu.memory_space<vmem>> -> memref<1x128x64xf32, #tpu.memory_space<vmem>>
      %dma_start3A_67 = tpu.memref_squeeze %dma_start3A_66 : memref<1x128x64xf32, #tpu.memory_space<vmem>> -> memref<128x64xf32, #tpu.memory_space<vmem>>
      %dma_start3A_68 = arith.constant 0 : i32
      %dma_start3A_69 = tpu.memref_slice %arg10[%add3A_9, %dma_start3A_68] : memref<10240x64xf32, #tpu.memory_space<vmem_shared>> -> memref<128x64xf32, #tpu.memory_space<vmem_shared>>
      %dma_start3A_70 = arith.constant 0 : i32
      %dma_start3A_71 = tpu.memref_slice %arg10[%add3A_9, %dma_start3A_70] : memref<10240x64xf32, #tpu.memory_space<vmem_shared>> -> memref<128x64xf32, #tpu.memory_space<vmem_shared>>
      %dma_start3A_72 = arith.constant 0 : i32
      %dma_start3A_73 = arith.constant 0 : i32
      %dma_start3A_74 = tpu.memref_slice %arg9[%run_scoped3A_10, %dma_start3A_72, %dma_start3A_73] : memref<2x128x64xf32, #tpu.memory_space<vmem>> -> memref<1x128x64xf32, #tpu.memory_space<vmem>>
      %dma_start3A_75 = tpu.memref_squeeze %dma_start3A_74 : memref<1x128x64xf32, #tpu.memory_space<vmem>> -> memref<128x64xf32, #tpu.memory_space<vmem>>
      tpu.enqueue_dma source(%dma_start3A_75 : memref<128x64xf32, #tpu.memory_space<vmem>>) target(%dma_start3A_71 : memref<128x64xf32, #tpu.memory_space<vmem_shared>>) target_semaphore(%run_scoped3A_64 : memref<!tpu.dma_semaphore, #tpu.memory_space<semaphore_mem>>)
      %dma_wait3A = arith.constant 0 : i32
      %dma_wait3A_76 = arith.constant 0 : i32
      %dma_wait3A_77 = tpu.memref_slice %arg9[%run_scoped3A_10, %dma_wait3A, %dma_wait3A_76] : memref<2x128x64xf32, #tpu.memory_space<vmem>> -> memref<1x128x64xf32, #tpu.memory_space<vmem>>
      %dma_wait3A_78 = tpu.memref_squeeze %dma_wait3A_77 : memref<1x128x64xf32, #tpu.memory_space<vmem>> -> memref<128x64xf32, #tpu.memory_space<vmem>>
      %dma_wait3A_79 = arith.constant 0 : i32
      %dma_wait3A_80 = tpu.memref_slice %arg10[%add3A_9, %dma_wait3A_79] : memref<10240x64xf32, #tpu.memory_space<vmem_shared>> -> memref<128x64xf32, #tpu.memory_space<vmem_shared>>
      %dma_wait3A_81 = arith.constant 0 : i32
      %dma_wait3A_82 = tpu.memref_slice %arg10[%add3A_9, %dma_wait3A_81] : memref<10240x64xf32, #tpu.memory_space<vmem_shared>> -> memref<128x64xf32, #tpu.memory_space<vmem_shared>>
      %dma_wait3A_83 = arith.constant 0 : i32
      %dma_wait3A_84 = arith.constant 0 : i32
      %dma_wait3A_85 = tpu.memref_slice %arg9[%run_scoped3A_10, %dma_wait3A_83, %dma_wait3A_84] : memref<2x128x64xf32, #tpu.memory_space<vmem>> -> memref<1x128x64xf32, #tpu.memory_space<vmem>>
      %dma_wait3A_86 = tpu.memref_squeeze %dma_wait3A_85 : memref<1x128x64xf32, #tpu.memory_space<vmem>> -> memref<128x64xf32, #tpu.memory_space<vmem>>
      tpu.wait_dma2 semaphore(%run_scoped3A_64 : memref<!tpu.dma_semaphore, #tpu.memory_space<semaphore_mem>>) src(%dma_wait3A_86 : memref<128x64xf32, #tpu.memory_space<vmem>>) dst(%dma_wait3A_82 : memref<128x64xf32, #tpu.memory_space<vmem_shared>>)
      tpu.yield
    }) : () -> ()
    %mul3A_11 = arith.constant 640 : i32
    %mul3A_12 = arith.muli %arg1, %mul3A_11 : i32
    %add3A_13 = arith.constant 256 : i32
    %add3A_14 = arith.addi %mul3A_12, %add3A_13 : i32
    %run_scoped3A_15 = arith.constant 0 : i32
    "tpu.region"() ({
      %run_scoped3A_64 = tpu.sem_alloc : memref<!tpu.dma_semaphore, #tpu.memory_space<semaphore_mem>>
      %dma_start3A = arith.constant 0 : i32
      %dma_start3A_65 = arith.constant 0 : i32
      %dma_start3A_66 = tpu.memref_slice %arg9[%run_scoped3A_15, %dma_start3A, %dma_start3A_65] : memref<2x128x64xf32, #tpu.memory_space<vmem>> -> memref<1x128x64xf32, #tpu.memory_space<vmem>>
      %dma_start3A_67 = tpu.memref_squeeze %dma_start3A_66 : memref<1x128x64xf32, #tpu.memory_space<vmem>> -> memref<128x64xf32, #tpu.memory_space<vmem>>
      %dma_start3A_68 = arith.constant 0 : i32
      %dma_start3A_69 = tpu.memref_slice %arg10[%add3A_14, %dma_start3A_68] : memref<10240x64xf32, #tpu.memory_space<vmem_shared>> -> memref<128x64xf32, #tpu.memory_space<vmem_shared>>
      %dma_start3A_70 = arith.constant 0 : i32
      %dma_start3A_71 = tpu.memref_slice %arg10[%add3A_14, %dma_start3A_70] : memref<10240x64xf32, #tpu.memory_space<vmem_shared>> -> memref<128x64xf32, #tpu.memory_space<vmem_shared>>
      %dma_start3A_72 = arith.constant 0 : i32
      %dma_start3A_73 = arith.constant 0 : i32
      %dma_start3A_74 = tpu.memref_slice %arg9[%run_scoped3A_15, %dma_start3A_72, %dma_start3A_73] : memref<2x128x64xf32, #tpu.memory_space<vmem>> -> memref<1x128x64xf32, #tpu.memory_space<vmem>>
      %dma_start3A_75 = tpu.memref_squeeze %dma_start3A_74 : memref<1x128x64xf32, #tpu.memory_space<vmem>> -> memref<128x64xf32, #tpu.memory_space<vmem>>
      tpu.enqueue_dma source(%dma_start3A_75 : memref<128x64xf32, #tpu.memory_space<vmem>>) target(%dma_start3A_71 : memref<128x64xf32, #tpu.memory_space<vmem_shared>>) target_semaphore(%run_scoped3A_64 : memref<!tpu.dma_semaphore, #tpu.memory_space<semaphore_mem>>)
      %dma_wait3A = arith.constant 0 : i32
      %dma_wait3A_76 = arith.constant 0 : i32
      %dma_wait3A_77 = tpu.memref_slice %arg9[%run_scoped3A_15, %dma_wait3A, %dma_wait3A_76] : memref<2x128x64xf32, #tpu.memory_space<vmem>> -> memref<1x128x64xf32, #tpu.memory_space<vmem>>
      %dma_wait3A_78 = tpu.memref_squeeze %dma_wait3A_77 : memref<1x128x64xf32, #tpu.memory_space<vmem>> -> memref<128x64xf32, #tpu.memory_space<vmem>>
      %dma_wait3A_79 = arith.constant 0 : i32
      %dma_wait3A_80 = tpu.memref_slice %arg10[%add3A_14, %dma_wait3A_79] : memref<10240x64xf32, #tpu.memory_space<vmem_shared>> -> memref<128x64xf32, #tpu.memory_space<vmem_shared>>
      %dma_wait3A_81 = arith.constant 0 : i32
      %dma_wait3A_82 = tpu.memref_slice %arg10[%add3A_14, %dma_wait3A_81] : memref<10240x64xf32, #tpu.memory_space<vmem_shared>> -> memref<128x64xf32, #tpu.memory_space<vmem_shared>>
      %dma_wait3A_83 = arith.constant 0 : i32
      %dma_wait3A_84 = arith.constant 0 : i32
      %dma_wait3A_85 = tpu.memref_slice %arg9[%run_scoped3A_15, %dma_wait3A_83, %dma_wait3A_84] : memref<2x128x64xf32, #tpu.memory_space<vmem>> -> memref<1x128x64xf32, #tpu.memory_space<vmem>>
      %dma_wait3A_86 = tpu.memref_squeeze %dma_wait3A_85 : memref<1x128x64xf32, #tpu.memory_space<vmem>> -> memref<128x64xf32, #tpu.memory_space<vmem>>
      tpu.wait_dma2 semaphore(%run_scoped3A_64 : memref<!tpu.dma_semaphore, #tpu.memory_space<semaphore_mem>>) src(%dma_wait3A_86 : memref<128x64xf32, #tpu.memory_space<vmem>>) dst(%dma_wait3A_82 : memref<128x64xf32, #tpu.memory_space<vmem_shared>>)
      tpu.yield
    }) : () -> ()
    %mul3A_16 = arith.constant 640 : i32
    %mul3A_17 = arith.muli %arg1, %mul3A_16 : i32
    %add3A_18 = arith.constant 384 : i32
    %add3A_19 = arith.addi %mul3A_17, %add3A_18 : i32
    %run_scoped3A_20 = arith.constant 0 : i32
    "tpu.region"() ({
      %run_scoped3A_64 = tpu.sem_alloc : memref<!tpu.dma_semaphore, #tpu.memory_space<semaphore_mem>>
      %dma_start3A = arith.constant 0 : i32
      %dma_start3A_65 = arith.constant 0 : i32
      %dma_start3A_66 = tpu.memref_slice %arg9[%run_scoped3A_20, %dma_start3A, %dma_start3A_65] : memref<2x128x64xf32, #tpu.memory_space<vmem>> -> memref<1x128x64xf32, #tpu.memory_space<vmem>>
      %dma_start3A_67 = tpu.memref_squeeze %dma_start3A_66 : memref<1x128x64xf32, #tpu.memory_space<vmem>> -> memref<128x64xf32, #tpu.memory_space<vmem>>
      %dma_start3A_68 = arith.constant 0 : i32
      %dma_start3A_69 = tpu.memref_slice %arg10[%add3A_19, %dma_start3A_68] : memref<10240x64xf32, #tpu.memory_space<vmem_shared>> -> memref<128x64xf32, #tpu.memory_space<vmem_shared>>
      %dma_start3A_70 = arith.constant 0 : i32
      %dma_start3A_71 = tpu.memref_slice %arg10[%add3A_19, %dma_start3A_70] : memref<10240x64xf32, #tpu.memory_space<vmem_shared>> -> memref<128x64xf32, #tpu.memory_space<vmem_shared>>
      %dma_start3A_72 = arith.constant 0 : i32
      %dma_start3A_73 = arith.constant 0 : i32
      %dma_start3A_74 = tpu.memref_slice %arg9[%run_scoped3A_20, %dma_start3A_72, %dma_start3A_73] : memref<2x128x64xf32, #tpu.memory_space<vmem>> -> memref<1x128x64xf32, #tpu.memory_space<vmem>>
      %dma_start3A_75 = tpu.memref_squeeze %dma_start3A_74 : memref<1x128x64xf32, #tpu.memory_space<vmem>> -> memref<128x64xf32, #tpu.memory_space<vmem>>
      tpu.enqueue_dma source(%dma_start3A_75 : memref<128x64xf32, #tpu.memory_space<vmem>>) target(%dma_start3A_71 : memref<128x64xf32, #tpu.memory_space<vmem_shared>>) target_semaphore(%run_scoped3A_64 : memref<!tpu.dma_semaphore, #tpu.memory_space<semaphore_mem>>)
      %dma_wait3A = arith.constant 0 : i32
      %dma_wait3A_76 = arith.constant 0 : i32
      %dma_wait3A_77 = tpu.memref_slice %arg9[%run_scoped3A_20, %dma_wait3A, %dma_wait3A_76] : memref<2x128x64xf32, #tpu.memory_space<vmem>> -> memref<1x128x64xf32, #tpu.memory_space<vmem>>
      %dma_wait3A_78 = tpu.memref_squeeze %dma_wait3A_77 : memref<1x128x64xf32, #tpu.memory_space<vmem>> -> memref<128x64xf32, #tpu.memory_space<vmem>>
      %dma_wait3A_79 = arith.constant 0 : i32
      %dma_wait3A_80 = tpu.memref_slice %arg10[%add3A_19, %dma_wait3A_79] : memref<10240x64xf32, #tpu.memory_space<vmem_shared>> -> memref<128x64xf32, #tpu.memory_space<vmem_shared>>
      %dma_wait3A_81 = arith.constant 0 : i32
      %dma_wait3A_82 = tpu.memref_slice %arg10[%add3A_19, %dma_wait3A_81] : memref<10240x64xf32, #tpu.memory_space<vmem_shared>> -> memref<128x64xf32, #tpu.memory_space<vmem_shared>>
      %dma_wait3A_83 = arith.constant 0 : i32
      %dma_wait3A_84 = arith.constant 0 : i32
      %dma_wait3A_85 = tpu.memref_slice %arg9[%run_scoped3A_20, %dma_wait3A_83, %dma_wait3A_84] : memref<2x128x64xf32, #tpu.memory_space<vmem>> -> memref<1x128x64xf32, #tpu.memory_space<vmem>>
      %dma_wait3A_86 = tpu.memref_squeeze %dma_wait3A_85 : memref<1x128x64xf32, #tpu.memory_space<vmem>> -> memref<128x64xf32, #tpu.memory_space<vmem>>
      tpu.wait_dma2 semaphore(%run_scoped3A_64 : memref<!tpu.dma_semaphore, #tpu.memory_space<semaphore_mem>>) src(%dma_wait3A_86 : memref<128x64xf32, #tpu.memory_space<vmem>>) dst(%dma_wait3A_82 : memref<128x64xf32, #tpu.memory_space<vmem_shared>>)
      tpu.yield
    }) : () -> ()
    %mul3A_21 = arith.constant 640 : i32
    %mul3A_22 = arith.muli %arg1, %mul3A_21 : i32
    %add3A_23 = arith.constant 512 : i32
    %add3A_24 = arith.addi %mul3A_22, %add3A_23 : i32
    %run_scoped3A_25 = arith.constant 0 : i32
    "tpu.region"() ({
      %run_scoped3A_64 = tpu.sem_alloc : memref<!tpu.dma_semaphore, #tpu.memory_space<semaphore_mem>>
      %dma_start3A = arith.constant 0 : i32
      %dma_start3A_65 = arith.constant 0 : i32
      %dma_start3A_66 = tpu.memref_slice %arg9[%run_scoped3A_25, %dma_start3A, %dma_start3A_65] : memref<2x128x64xf32, #tpu.memory_space<vmem>> -> memref<1x128x64xf32, #tpu.memory_space<vmem>>
      %dma_start3A_67 = tpu.memref_squeeze %dma_start3A_66 : memref<1x128x64xf32, #tpu.memory_space<vmem>> -> memref<128x64xf32, #tpu.memory_space<vmem>>
      %dma_start3A_68 = arith.constant 0 : i32
      %dma_start3A_69 = tpu.memref_slice %arg10[%add3A_24, %dma_start3A_68] : memref<10240x64xf32, #tpu.memory_space<vmem_shared>> -> memref<128x64xf32, #tpu.memory_space<vmem_shared>>
      %dma_start3A_70 = arith.constant 0 : i32
      %dma_start3A_71 = tpu.memref_slice %arg10[%add3A_24, %dma_start3A_70] : memref<10240x64xf32, #tpu.memory_space<vmem_shared>> -> memref<128x64xf32, #tpu.memory_space<vmem_shared>>
      %dma_start3A_72 = arith.constant 0 : i32
      %dma_start3A_73 = arith.constant 0 : i32
      %dma_start3A_74 = tpu.memref_slice %arg9[%run_scoped3A_25, %dma_start3A_72, %dma_start3A_73] : memref<2x128x64xf32, #tpu.memory_space<vmem>> -> memref<1x128x64xf32, #tpu.memory_space<vmem>>
      %dma_start3A_75 = tpu.memref_squeeze %dma_start3A_74 : memref<1x128x64xf32, #tpu.memory_space<vmem>> -> memref<128x64xf32, #tpu.memory_space<vmem>>
      tpu.enqueue_dma source(%dma_start3A_75 : memref<128x64xf32, #tpu.memory_space<vmem>>) target(%dma_start3A_71 : memref<128x64xf32, #tpu.memory_space<vmem_shared>>) target_semaphore(%run_scoped3A_64 : memref<!tpu.dma_semaphore, #tpu.memory_space<semaphore_mem>>)
      %dma_wait3A = arith.constant 0 : i32
      %dma_wait3A_76 = arith.constant 0 : i32
      %dma_wait3A_77 = tpu.memref_slice %arg9[%run_scoped3A_25, %dma_wait3A, %dma_wait3A_76] : memref<2x128x64xf32, #tpu.memory_space<vmem>> -> memref<1x128x64xf32, #tpu.memory_space<vmem>>
      %dma_wait3A_78 = tpu.memref_squeeze %dma_wait3A_77 : memref<1x128x64xf32, #tpu.memory_space<vmem>> -> memref<128x64xf32, #tpu.memory_space<vmem>>
      %dma_wait3A_79 = arith.constant 0 : i32
      %dma_wait3A_80 = tpu.memref_slice %arg10[%add3A_24, %dma_wait3A_79] : memref<10240x64xf32, #tpu.memory_space<vmem_shared>> -> memref<128x64xf32, #tpu.memory_space<vmem_shared>>
      %dma_wait3A_81 = arith.constant 0 : i32
      %dma_wait3A_82 = tpu.memref_slice %arg10[%add3A_24, %dma_wait3A_81] : memref<10240x64xf32, #tpu.memory_space<vmem_shared>> -> memref<128x64xf32, #tpu.memory_space<vmem_shared>>
      %dma_wait3A_83 = arith.constant 0 : i32
      %dma_wait3A_84 = arith.constant 0 : i32
      %dma_wait3A_85 = tpu.memref_slice %arg9[%run_scoped3A_25, %dma_wait3A_83, %dma_wait3A_84] : memref<2x128x64xf32, #tpu.memory_space<vmem>> -> memref<1x128x64xf32, #tpu.memory_space<vmem>>
      %dma_wait3A_86 = tpu.memref_squeeze %dma_wait3A_85 : memref<1x128x64xf32, #tpu.memory_space<vmem>> -> memref<128x64xf32, #tpu.memory_space<vmem>>
      tpu.wait_dma2 semaphore(%run_scoped3A_64 : memref<!tpu.dma_semaphore, #tpu.memory_space<semaphore_mem>>) src(%dma_wait3A_86 : memref<128x64xf32, #tpu.memory_space<vmem>>) dst(%dma_wait3A_82 : memref<128x64xf32, #tpu.memory_space<vmem_shared>>)
      tpu.yield
    }) : () -> ()
    %barrier3A = arith.constant 0 : index
    tpu.barrier barrier_id(%barrier3A)
    %eq3A = arith.constant 0 : i32
    %eq3A_26 = arith.cmpi eq, %arg0, %eq3A : i32
    %convert_element_type3A = arith.extui %eq3A_26 : i1 to i32
    %cond3A = arith.constant 0 : i32
    %cond3A_27 = arith.cmpi ne, %convert_element_type3A, %cond3A : i32
    scf.if %cond3A_27 {
      %dma_start3A = arith.constant 0 : i32
      %dma_start3A_64 = arith.constant 0 : i32
      %dma_start3A_65 = arith.constant 0 : i32
      %dma_start3A_66 = arith.constant 0 : i32
      %dma_start3A_67 = tpu.memref_slice %arg9[%dma_start3A_64, %dma_start3A_65, %dma_start3A_66] : memref<2x128x64xf32, #tpu.memory_space<vmem>> -> memref<1x128x64xf32, #tpu.memory_space<vmem>>
      %dma_start3A_68 = tpu.memref_squeeze %dma_start3A_67 : memref<1x128x64xf32, #tpu.memory_space<vmem>> -> memref<128x64xf32, #tpu.memory_space<vmem>>
      %dma_start3A_69 = arith.constant 0 : i32
      %dma_start3A_70 = tpu.memref_slice %arg7[%dma_start3A, %dma_start3A_69] : memref<158x128xi32, #tpu.memory_space<vmem>> -> memref<1x128xi32, #tpu.memory_space<vmem>>
      %dma_start3A_71 = tpu.memref_squeeze %dma_start3A_70 : memref<1x128xi32, #tpu.memory_space<vmem>> -> memref<128xi32, #tpu.memory_space<vmem>>
      %dma_start3A_72 = arith.constant 0 : i32
      %dma_start3A_73 = arith.constant 0 : i32
      %dma_start3A_74 = tpu.memref_slice %arg2[%dma_start3A_72, %dma_start3A_73] : memref<10240x64xf32, #tpu.memory_space<hbm>> -> memref<10240x64xf32, #tpu.memory_space<hbm>>
      tpu.enqueue_indirect_dma source(%dma_start3A_74 : memref<10240x64xf32, #tpu.memory_space<hbm>>) target(%dma_start3A_68 : memref<128x64xf32, #tpu.memory_space<vmem>>) offsets(%dma_start3A_71 : memref<128xi32, #tpu.memory_space<vmem>>) semaphore(%arg11 : memref<!tpu.dma_semaphore, #tpu.memory_space<semaphore_mem>>)
      %dma_wait3A = arith.constant 0 : i32
      %dma_wait3A_75 = arith.constant 0 : i32
      %dma_wait3A_76 = arith.constant 0 : i32
      %dma_wait3A_77 = arith.constant 0 : i32
      %dma_wait3A_78 = tpu.memref_slice %arg9[%dma_wait3A_75, %dma_wait3A_76, %dma_wait3A_77] : memref<2x128x64xf32, #tpu.memory_space<vmem>> -> memref<1x128x64xf32, #tpu.memory_space<vmem>>
      %dma_wait3A_79 = tpu.memref_squeeze %dma_wait3A_78 : memref<1x128x64xf32, #tpu.memory_space<vmem>> -> memref<128x64xf32, #tpu.memory_space<vmem>>
      %dma_wait3A_80 = arith.constant 0 : i32
      %dma_wait3A_81 = tpu.memref_slice %arg7[%dma_wait3A, %dma_wait3A_80] : memref<158x128xi32, #tpu.memory_space<vmem>> -> memref<1x128xi32, #tpu.memory_space<vmem>>
      %dma_wait3A_82 = tpu.memref_squeeze %dma_wait3A_81 : memref<1x128xi32, #tpu.memory_space<vmem>> -> memref<128xi32, #tpu.memory_space<vmem>>
      %dma_wait3A_83 = arith.constant 0 : i32
      %dma_wait3A_84 = arith.constant 0 : i32
      %dma_wait3A_85 = tpu.memref_slice %arg2[%dma_wait3A_83, %dma_wait3A_84] : memref<10240x64xf32, #tpu.memory_space<hbm>> -> memref<10240x64xf32, #tpu.memory_space<hbm>>
      tpu.wait_indirect_dma semaphore(%arg11 : memref<!tpu.dma_semaphore, #tpu.memory_space<semaphore_mem>>) src(%dma_wait3A_85 : memref<10240x64xf32, #tpu.memory_space<hbm>>) dst(%dma_wait3A_79 : memref<128x64xf32, #tpu.memory_space<vmem>>)
      %scan3A_86 = arith.constant 0 : i32
      %scan3A_87 = arith.constant 157 : i32
      %scan3A_88 = arith.addi %scan3A_86, %scan3A_87 : i32
      %scan3A_89 = arith.constant 1 : i32
      scf.for %scan3A_93 = %scan3A_86 to %scan3A_88 step %scan3A_89  : i32 {
        %mul3A_94 = arith.constant 1 : i32
        %mul3A_95 = arith.muli %scan3A_93, %mul3A_94 : i32
        %add3A_96 = arith.constant 0 : i32
        %add3A_97 = arith.addi %add3A_96, %mul3A_95 : i32
        %add3A_98 = arith.constant 1 : i32
        %add3A_99 = arith.addi %add3A_97, %add3A_98 : i32
        %add3A_100 = arith.constant 1 : i32
        %add3A_101 = arith.addi %add3A_97, %add3A_100 : i32
        %jit3A = arith.constant 2 : i32
        %eq3A_102 = arith.constant 0 : i32
        %eq3A_103 = arith.cmpi eq, %jit3A, %eq3A_102 : i32
        %jit3A_104 = arith.constant 1 : i32
        %select_n3A = arith.select %eq3A_103, %jit3A_104, %jit3A : i32
        %rem3A = arith.remsi %add3A_101, %select_n3A : i32
        %ne3A = arith.constant 0 : i32
        %ne3A_105 = arith.cmpi ne, %rem3A, %ne3A : i32
        %lt3A = arith.constant 0 : i32
        %lt3A_106 = arith.cmpi slt, %rem3A, %lt3A : i32
        %lt3A_107 = arith.constant 0 : i32
        %lt3A_108 = arith.cmpi slt, %select_n3A, %lt3A_107 : i32
        %ne3A_109 = arith.xori %lt3A_106, %lt3A_108 : i1
        %and3A = arith.andi %ne3A_109, %ne3A_105 : i1
        %add3A_110 = arith.addi %rem3A, %select_n3A : i32
        %select_n3A_111 = arith.select %and3A, %add3A_110, %rem3A : i32
        %dma_start3A_112 = arith.constant 0 : i32
        %dma_start3A_113 = arith.constant 0 : i32
        %dma_start3A_114 = tpu.memref_slice %arg9[%select_n3A_111, %dma_start3A_112, %dma_start3A_113] : memref<2x128x64xf32, #tpu.memory_space<vmem>> -> memref<1x128x64xf32, #tpu.memory_space<vmem>>
        %dma_start3A_115 = tpu.memref_squeeze %dma_start3A_114 : memref<1x128x64xf32, #tpu.memory_space<vmem>> -> memref<128x64xf32, #tpu.memory_space<vmem>>
        %dma_start3A_116 = arith.constant 0 : i32
        %dma_start3A_117 = tpu.memref_slice %arg7[%add3A_99, %dma_start3A_116] : memref<158x128xi32, #tpu.memory_space<vmem>> -> memref<1x128xi32, #tpu.memory_space<vmem>>
        %dma_start3A_118 = tpu.memref_squeeze %dma_start3A_117 : memref<1x128xi32, #tpu.memory_space<vmem>> -> memref<128xi32, #tpu.memory_space<vmem>>
        %dma_start3A_119 = arith.constant 0 : i32
        %dma_start3A_120 = arith.constant 0 : i32
        %dma_start3A_121 = tpu.memref_slice %arg2[%dma_start3A_119, %dma_start3A_120] : memref<10240x64xf32, #tpu.memory_space<hbm>> -> memref<10240x64xf32, #tpu.memory_space<hbm>>
        tpu.enqueue_indirect_dma source(%dma_start3A_121 : memref<10240x64xf32, #tpu.memory_space<hbm>>) target(%dma_start3A_115 : memref<128x64xf32, #tpu.memory_space<vmem>>) offsets(%dma_start3A_118 : memref<128xi32, #tpu.memory_space<vmem>>) semaphore(%arg12 : memref<!tpu.dma_semaphore, #tpu.memory_space<semaphore_mem>>)
        %jit3A_122 = arith.constant 2 : i32
        %eq3A_123 = arith.constant 0 : i32
        %eq3A_124 = arith.cmpi eq, %jit3A_122, %eq3A_123 : i32
        %jit3A_125 = arith.constant 1 : i32
        %select_n3A_126 = arith.select %eq3A_124, %jit3A_125, %jit3A_122 : i32
        %rem3A_127 = arith.remsi %add3A_97, %select_n3A_126 : i32
        %ne3A_128 = arith.constant 0 : i32
        %ne3A_129 = arith.cmpi ne, %rem3A_127, %ne3A_128 : i32
        %lt3A_130 = arith.constant 0 : i32
        %lt3A_131 = arith.cmpi slt, %rem3A_127, %lt3A_130 : i32
        %lt3A_132 = arith.constant 0 : i32
        %lt3A_133 = arith.cmpi slt, %select_n3A_126, %lt3A_132 : i32
        %ne3A_134 = arith.xori %lt3A_131, %lt3A_133 : i1
        %and3A_135 = arith.andi %ne3A_134, %ne3A_129 : i1
        %add3A_136 = arith.addi %rem3A_127, %select_n3A_126 : i32
        %select_n3A_137 = arith.select %and3A_135, %add3A_136, %rem3A_127 : i32
        "tpu.region"() ({
          %run_scoped3A_148 = tpu.sem_alloc : memref<!tpu.dma_semaphore, #tpu.memory_space<semaphore_mem>>
          %dma_start3A_149 = arith.constant 0 : i32
          %dma_start3A_150 = arith.constant 0 : i32
          %dma_start3A_151 = tpu.memref_slice %arg9[%select_n3A_137, %dma_start3A_149, %dma_start3A_150] : memref<2x128x64xf32, #tpu.memory_space<vmem>> -> memref<1x128x64xf32, #tpu.memory_space<vmem>>
          %dma_start3A_152 = tpu.memref_squeeze %dma_start3A_151 : memref<1x128x64xf32, #tpu.memory_space<vmem>> -> memref<128x64xf32, #tpu.memory_space<vmem>>
          %dma_start3A_153 = arith.constant 0 : i32
          %dma_start3A_154 = tpu.memref_slice %arg8[%add3A_97, %dma_start3A_153] : memref<158x128xi32, #tpu.memory_space<vmem>> -> memref<1x128xi32, #tpu.memory_space<vmem>>
          %dma_start3A_155 = tpu.memref_squeeze %dma_start3A_154 : memref<1x128xi32, #tpu.memory_space<vmem>> -> memref<128xi32, #tpu.memory_space<vmem>>
          %dma_start3A_156 = arith.constant 0 : i32
          %dma_start3A_157 = arith.constant 0 : i32
          %dma_start3A_158 = tpu.memref_slice %arg10[%dma_start3A_156, %dma_start3A_157] : memref<10240x64xf32, #tpu.memory_space<vmem_shared>> -> memref<10240x64xf32, #tpu.memory_space<vmem_shared>>
          tpu.enqueue_indirect_dma source(%dma_start3A_152 : memref<128x64xf32, #tpu.memory_space<vmem>>) target(%dma_start3A_158 : memref<10240x64xf32, #tpu.memory_space<vmem_shared>>) offsets(%dma_start3A_155 : memref<128xi32, #tpu.memory_space<vmem>>) semaphore(%run_scoped3A_148 : memref<!tpu.dma_semaphore, #tpu.memory_space<semaphore_mem>>) {add = true}
          %dma_wait3A_159 = arith.constant 0 : i32
          %dma_wait3A_160 = arith.constant 0 : i32
          %dma_wait3A_161 = tpu.memref_slice %arg9[%select_n3A_137, %dma_wait3A_159, %dma_wait3A_160] : memref<2x128x64xf32, #tpu.memory_space<vmem>> -> memref<1x128x64xf32, #tpu.memory_space<vmem>>
          %dma_wait3A_162 = tpu.memref_squeeze %dma_wait3A_161 : memref<1x128x64xf32, #tpu.memory_space<vmem>> -> memref<128x64xf32, #tpu.memory_space<vmem>>
          %dma_wait3A_163 = arith.constant 0 : i32
          %dma_wait3A_164 = tpu.memref_slice %arg8[%add3A_97, %dma_wait3A_163] : memref<158x128xi32, #tpu.memory_space<vmem>> -> memref<1x128xi32, #tpu.memory_space<vmem>>
          %dma_wait3A_165 = tpu.memref_squeeze %dma_wait3A_164 : memref<1x128xi32, #tpu.memory_space<vmem>> -> memref<128xi32, #tpu.memory_space<vmem>>
          %dma_wait3A_166 = arith.constant 0 : i32
          %dma_wait3A_167 = arith.constant 0 : i32
          %dma_wait3A_168 = tpu.memref_slice %arg10[%dma_wait3A_166, %dma_wait3A_167] : memref<10240x64xf32, #tpu.memory_space<vmem_shared>> -> memref<10240x64xf32, #tpu.memory_space<vmem_shared>>
          tpu.wait_indirect_dma semaphore(%run_scoped3A_148 : memref<!tpu.dma_semaphore, #tpu.memory_space<semaphore_mem>>) src(%dma_wait3A_162 : memref<128x64xf32, #tpu.memory_space<vmem>>) dst(%dma_wait3A_168 : memref<10240x64xf32, #tpu.memory_space<vmem_shared>>)
          tpu.yield
        }) : () -> ()
        %dma_wait3A_138 = arith.constant 0 : i32
        %dma_wait3A_139 = arith.constant 0 : i32
        %dma_wait3A_140 = tpu.memref_slice %arg9[%select_n3A_111, %dma_wait3A_138, %dma_wait3A_139] : memref<2x128x64xf32, #tpu.memory_space<vmem>> -> memref<1x128x64xf32, #tpu.memory_space<vmem>>
        %dma_wait3A_141 = tpu.memref_squeeze %dma_wait3A_140 : memref<1x128x64xf32, #tpu.memory_space<vmem>> -> memref<128x64xf32, #tpu.memory_space<vmem>>
        %dma_wait3A_142 = arith.constant 0 : i32
        %dma_wait3A_143 = tpu.memref_slice %arg7[%add3A_99, %dma_wait3A_142] : memref<158x128xi32, #tpu.memory_space<vmem>> -> memref<1x128xi32, #tpu.memory_space<vmem>>
        %dma_wait3A_144 = tpu.memref_squeeze %dma_wait3A_143 : memref<1x128xi32, #tpu.memory_space<vmem>> -> memref<128xi32, #tpu.memory_space<vmem>>
        %dma_wait3A_145 = arith.constant 0 : i32
        %dma_wait3A_146 = arith.constant 0 : i32
        %dma_wait3A_147 = tpu.memref_slice %arg2[%dma_wait3A_145, %dma_wait3A_146] : memref<10240x64xf32, #tpu.memory_space<hbm>> -> memref<10240x64xf32, #tpu.memory_space<hbm>>
        tpu.wait_indirect_dma semaphore(%arg12 : memref<!tpu.dma_semaphore, #tpu.memory_space<semaphore_mem>>) src(%dma_wait3A_147 : memref<10240x64xf32, #tpu.memory_space<hbm>>) dst(%dma_wait3A_141 : memref<128x64xf32, #tpu.memory_space<vmem>>)
      }
      %scan3A_90 = arith.constant 157 : i32
      %run_scoped3A_91 = arith.constant 1 : i32
      %run_scoped3A_92 = arith.constant 157 : i32
      "tpu.region"() ({
        %run_scoped3A_93 = tpu.sem_alloc : memref<!tpu.dma_semaphore, #tpu.memory_space<semaphore_mem>>
        %dma_start3A_94 = arith.constant 0 : i32
        %dma_start3A_95 = arith.constant 0 : i32
        %dma_start3A_96 = tpu.memref_slice %arg9[%run_scoped3A_91, %dma_start3A_94, %dma_start3A_95] : memref<2x128x64xf32, #tpu.memory_space<vmem>> -> memref<1x128x64xf32, #tpu.memory_space<vmem>>
        %dma_start3A_97 = tpu.memref_squeeze %dma_start3A_96 : memref<1x128x64xf32, #tpu.memory_space<vmem>> -> memref<128x64xf32, #tpu.memory_space<vmem>>
        %dma_start3A_98 = arith.constant 0 : i32
        %dma_start3A_99 = tpu.memref_slice %arg8[%run_scoped3A_92, %dma_start3A_98] : memref<158x128xi32, #tpu.memory_space<vmem>> -> memref<1x128xi32, #tpu.memory_space<vmem>>
        %dma_start3A_100 = tpu.memref_squeeze %dma_start3A_99 : memref<1x128xi32, #tpu.memory_space<vmem>> -> memref<128xi32, #tpu.memory_space<vmem>>
        %dma_start3A_101 = arith.constant 0 : i32
        %dma_start3A_102 = arith.constant 0 : i32
        %dma_start3A_103 = tpu.memref_slice %arg10[%dma_start3A_101, %dma_start3A_102] : memref<10240x64xf32, #tpu.memory_space<vmem_shared>> -> memref<10240x64xf32, #tpu.memory_space<vmem_shared>>
        tpu.enqueue_indirect_dma source(%dma_start3A_97 : memref<128x64xf32, #tpu.memory_space<vmem>>) target(%dma_start3A_103 : memref<10240x64xf32, #tpu.memory_space<vmem_shared>>) offsets(%dma_start3A_100 : memref<128xi32, #tpu.memory_space<vmem>>) semaphore(%run_scoped3A_93 : memref<!tpu.dma_semaphore, #tpu.memory_space<semaphore_mem>>) {add = true}
        %dma_wait3A_104 = arith.constant 0 : i32
        %dma_wait3A_105 = arith.constant 0 : i32
        %dma_wait3A_106 = tpu.memref_slice %arg9[%run_scoped3A_91, %dma_wait3A_104, %dma_wait3A_105] : memref<2x128x64xf32, #tpu.memory_space<vmem>> -> memref<1x128x64xf32, #tpu.memory_space<vmem>>
        %dma_wait3A_107 = tpu.memref_squeeze %dma_wait3A_106 : memref<1x128x64xf32, #tpu.memory_space<vmem>> -> memref<128x64xf32, #tpu.memory_space<vmem>>
        %dma_wait3A_108 = arith.constant 0 : i32
        %dma_wait3A_109 = tpu.memref_slice %arg8[%run_scoped3A_92, %dma_wait3A_108] : memref<158x128xi32, #tpu.memory_space<vmem>> -> memref<1x128xi32, #tpu.memory_space<vmem>>
        %dma_wait3A_110 = tpu.memref_squeeze %dma_wait3A_109 : memref<1x128xi32, #tpu.memory_space<vmem>> -> memref<128xi32, #tpu.memory_space<vmem>>
        %dma_wait3A_111 = arith.constant 0 : i32
        %dma_wait3A_112 = arith.constant 0 : i32
        %dma_wait3A_113 = tpu.memref_slice %arg10[%dma_wait3A_111, %dma_wait3A_112] : memref<10240x64xf32, #tpu.memory_space<vmem_shared>> -> memref<10240x64xf32, #tpu.memory_space<vmem_shared>>
        tpu.wait_indirect_dma semaphore(%run_scoped3A_93 : memref<!tpu.dma_semaphore, #tpu.memory_space<semaphore_mem>>) src(%dma_wait3A_107 : memref<128x64xf32, #tpu.memory_space<vmem>>) dst(%dma_wait3A_113 : memref<10240x64xf32, #tpu.memory_space<vmem_shared>>)
        tpu.yield
      }) : () -> ()
    } else {
    }
    %eq3A_28 = arith.constant 1 : i32
    %eq3A_29 = arith.cmpi eq, %arg0, %eq3A_28 : i32
    %convert_element_type3A_30 = arith.extui %eq3A_29 : i1 to i32
    %cond3A_31 = arith.constant 0 : i32
    %cond3A_32 = arith.cmpi ne, %convert_element_type3A_30, %cond3A_31 : i32
    scf.if %cond3A_32 {
      %dma_start3A = arith.constant 0 : i32
      %dma_start3A_64 = arith.constant 0 : i32
      %dma_start3A_65 = arith.constant 0 : i32
      %dma_start3A_66 = arith.constant 0 : i32
      %dma_start3A_67 = tpu.memref_slice %arg9[%dma_start3A_64, %dma_start3A_65, %dma_start3A_66] : memref<2x128x64xf32, #tpu.memory_space<vmem>> -> memref<1x128x64xf32, #tpu.memory_space<vmem>>
      %dma_start3A_68 = tpu.memref_squeeze %dma_start3A_67 : memref<1x128x64xf32, #tpu.memory_space<vmem>> -> memref<128x64xf32, #tpu.memory_space<vmem>>
      %dma_start3A_69 = arith.constant 0 : i32
      %dma_start3A_70 = tpu.memref_slice %arg7[%dma_start3A, %dma_start3A_69] : memref<158x128xi32, #tpu.memory_space<vmem>> -> memref<1x128xi32, #tpu.memory_space<vmem>>
      %dma_start3A_71 = tpu.memref_squeeze %dma_start3A_70 : memref<1x128xi32, #tpu.memory_space<vmem>> -> memref<128xi32, #tpu.memory_space<vmem>>
      %dma_start3A_72 = arith.constant 0 : i32
      %dma_start3A_73 = arith.constant 0 : i32
      %dma_start3A_74 = tpu.memref_slice %arg3[%dma_start3A_72, %dma_start3A_73] : memref<10240x64xf32, #tpu.memory_space<hbm>> -> memref<10240x64xf32, #tpu.memory_space<hbm>>
      tpu.enqueue_indirect_dma source(%dma_start3A_74 : memref<10240x64xf32, #tpu.memory_space<hbm>>) target(%dma_start3A_68 : memref<128x64xf32, #tpu.memory_space<vmem>>) offsets(%dma_start3A_71 : memref<128xi32, #tpu.memory_space<vmem>>) semaphore(%arg11 : memref<!tpu.dma_semaphore, #tpu.memory_space<semaphore_mem>>)
      %dma_wait3A = arith.constant 0 : i32
      %dma_wait3A_75 = arith.constant 0 : i32
      %dma_wait3A_76 = arith.constant 0 : i32
      %dma_wait3A_77 = arith.constant 0 : i32
      %dma_wait3A_78 = tpu.memref_slice %arg9[%dma_wait3A_75, %dma_wait3A_76, %dma_wait3A_77] : memref<2x128x64xf32, #tpu.memory_space<vmem>> -> memref<1x128x64xf32, #tpu.memory_space<vmem>>
      %dma_wait3A_79 = tpu.memref_squeeze %dma_wait3A_78 : memref<1x128x64xf32, #tpu.memory_space<vmem>> -> memref<128x64xf32, #tpu.memory_space<vmem>>
      %dma_wait3A_80 = arith.constant 0 : i32
      %dma_wait3A_81 = tpu.memref_slice %arg7[%dma_wait3A, %dma_wait3A_80] : memref<158x128xi32, #tpu.memory_space<vmem>> -> memref<1x128xi32, #tpu.memory_space<vmem>>
      %dma_wait3A_82 = tpu.memref_squeeze %dma_wait3A_81 : memref<1x128xi32, #tpu.memory_space<vmem>> -> memref<128xi32, #tpu.memory_space<vmem>>
      %dma_wait3A_83 = arith.constant 0 : i32
      %dma_wait3A_84 = arith.constant 0 : i32
      %dma_wait3A_85 = tpu.memref_slice %arg3[%dma_wait3A_83, %dma_wait3A_84] : memref<10240x64xf32, #tpu.memory_space<hbm>> -> memref<10240x64xf32, #tpu.memory_space<hbm>>
      tpu.wait_indirect_dma semaphore(%arg11 : memref<!tpu.dma_semaphore, #tpu.memory_space<semaphore_mem>>) src(%dma_wait3A_85 : memref<10240x64xf32, #tpu.memory_space<hbm>>) dst(%dma_wait3A_79 : memref<128x64xf32, #tpu.memory_space<vmem>>)
      %scan3A_86 = arith.constant 0 : i32
      %scan3A_87 = arith.constant 157 : i32
      %scan3A_88 = arith.addi %scan3A_86, %scan3A_87 : i32
      %scan3A_89 = arith.constant 1 : i32
      scf.for %scan3A_93 = %scan3A_86 to %scan3A_88 step %scan3A_89  : i32 {
        %mul3A_94 = arith.constant 1 : i32
        %mul3A_95 = arith.muli %scan3A_93, %mul3A_94 : i32
        %add3A_96 = arith.constant 0 : i32
        %add3A_97 = arith.addi %add3A_96, %mul3A_95 : i32
        %add3A_98 = arith.constant 1 : i32
        %add3A_99 = arith.addi %add3A_97, %add3A_98 : i32
        %add3A_100 = arith.constant 1 : i32
        %add3A_101 = arith.addi %add3A_97, %add3A_100 : i32
        %jit3A = arith.constant 2 : i32
        %eq3A_102 = arith.constant 0 : i32
        %eq3A_103 = arith.cmpi eq, %jit3A, %eq3A_102 : i32
        %jit3A_104 = arith.constant 1 : i32
        %select_n3A = arith.select %eq3A_103, %jit3A_104, %jit3A : i32
        %rem3A = arith.remsi %add3A_101, %select_n3A : i32
        %ne3A = arith.constant 0 : i32
        %ne3A_105 = arith.cmpi ne, %rem3A, %ne3A : i32
        %lt3A = arith.constant 0 : i32
        %lt3A_106 = arith.cmpi slt, %rem3A, %lt3A : i32
        %lt3A_107 = arith.constant 0 : i32
        %lt3A_108 = arith.cmpi slt, %select_n3A, %lt3A_107 : i32
        %ne3A_109 = arith.xori %lt3A_106, %lt3A_108 : i1
        %and3A = arith.andi %ne3A_109, %ne3A_105 : i1
        %add3A_110 = arith.addi %rem3A, %select_n3A : i32
        %select_n3A_111 = arith.select %and3A, %add3A_110, %rem3A : i32
        %dma_start3A_112 = arith.constant 0 : i32
        %dma_start3A_113 = arith.constant 0 : i32
        %dma_start3A_114 = tpu.memref_slice %arg9[%select_n3A_111, %dma_start3A_112, %dma_start3A_113] : memref<2x128x64xf32, #tpu.memory_space<vmem>> -> memref<1x128x64xf32, #tpu.memory_space<vmem>>
        %dma_start3A_115 = tpu.memref_squeeze %dma_start3A_114 : memref<1x128x64xf32, #tpu.memory_space<vmem>> -> memref<128x64xf32, #tpu.memory_space<vmem>>
        %dma_start3A_116 = arith.constant 0 : i32
        %dma_start3A_117 = tpu.memref_slice %arg7[%add3A_99, %dma_start3A_116] : memref<158x128xi32, #tpu.memory_space<vmem>> -> memref<1x128xi32, #tpu.memory_space<vmem>>
        %dma_start3A_118 = tpu.memref_squeeze %dma_start3A_117 : memref<1x128xi32, #tpu.memory_space<vmem>> -> memref<128xi32, #tpu.memory_space<vmem>>
        %dma_start3A_119 = arith.constant 0 : i32
        %dma_start3A_120 = arith.constant 0 : i32
        %dma_start3A_121 = tpu.memref_slice %arg3[%dma_start3A_119, %dma_start3A_120] : memref<10240x64xf32, #tpu.memory_space<hbm>> -> memref<10240x64xf32, #tpu.memory_space<hbm>>
        tpu.enqueue_indirect_dma source(%dma_start3A_121 : memref<10240x64xf32, #tpu.memory_space<hbm>>) target(%dma_start3A_115 : memref<128x64xf32, #tpu.memory_space<vmem>>) offsets(%dma_start3A_118 : memref<128xi32, #tpu.memory_space<vmem>>) semaphore(%arg12 : memref<!tpu.dma_semaphore, #tpu.memory_space<semaphore_mem>>)
        %jit3A_122 = arith.constant 2 : i32
        %eq3A_123 = arith.constant 0 : i32
        %eq3A_124 = arith.cmpi eq, %jit3A_122, %eq3A_123 : i32
        %jit3A_125 = arith.constant 1 : i32
        %select_n3A_126 = arith.select %eq3A_124, %jit3A_125, %jit3A_122 : i32
        %rem3A_127 = arith.remsi %add3A_97, %select_n3A_126 : i32
        %ne3A_128 = arith.constant 0 : i32
        %ne3A_129 = arith.cmpi ne, %rem3A_127, %ne3A_128 : i32
        %lt3A_130 = arith.constant 0 : i32
        %lt3A_131 = arith.cmpi slt, %rem3A_127, %lt3A_130 : i32
        %lt3A_132 = arith.constant 0 : i32
        %lt3A_133 = arith.cmpi slt, %select_n3A_126, %lt3A_132 : i32
        %ne3A_134 = arith.xori %lt3A_131, %lt3A_133 : i1
        %and3A_135 = arith.andi %ne3A_134, %ne3A_129 : i1
        %add3A_136 = arith.addi %rem3A_127, %select_n3A_126 : i32
        %select_n3A_137 = arith.select %and3A_135, %add3A_136, %rem3A_127 : i32
        "tpu.region"() ({
          %run_scoped3A_148 = tpu.sem_alloc : memref<!tpu.dma_semaphore, #tpu.memory_space<semaphore_mem>>
          %dma_start3A_149 = arith.constant 0 : i32
          %dma_start3A_150 = arith.constant 0 : i32
          %dma_start3A_151 = tpu.memref_slice %arg9[%select_n3A_137, %dma_start3A_149, %dma_start3A_150] : memref<2x128x64xf32, #tpu.memory_space<vmem>> -> memref<1x128x64xf32, #tpu.memory_space<vmem>>
          %dma_start3A_152 = tpu.memref_squeeze %dma_start3A_151 : memref<1x128x64xf32, #tpu.memory_space<vmem>> -> memref<128x64xf32, #tpu.memory_space<vmem>>
          %dma_start3A_153 = arith.constant 0 : i32
          %dma_start3A_154 = tpu.memref_slice %arg8[%add3A_97, %dma_start3A_153] : memref<158x128xi32, #tpu.memory_space<vmem>> -> memref<1x128xi32, #tpu.memory_space<vmem>>
          %dma_start3A_155 = tpu.memref_squeeze %dma_start3A_154 : memref<1x128xi32, #tpu.memory_space<vmem>> -> memref<128xi32, #tpu.memory_space<vmem>>
          %dma_start3A_156 = arith.constant 0 : i32
          %dma_start3A_157 = arith.constant 0 : i32
          %dma_start3A_158 = tpu.memref_slice %arg10[%dma_start3A_156, %dma_start3A_157] : memref<10240x64xf32, #tpu.memory_space<vmem_shared>> -> memref<10240x64xf32, #tpu.memory_space<vmem_shared>>
          tpu.enqueue_indirect_dma source(%dma_start3A_152 : memref<128x64xf32, #tpu.memory_space<vmem>>) target(%dma_start3A_158 : memref<10240x64xf32, #tpu.memory_space<vmem_shared>>) offsets(%dma_start3A_155 : memref<128xi32, #tpu.memory_space<vmem>>) semaphore(%run_scoped3A_148 : memref<!tpu.dma_semaphore, #tpu.memory_space<semaphore_mem>>) {add = true}
          %dma_wait3A_159 = arith.constant 0 : i32
          %dma_wait3A_160 = arith.constant 0 : i32
          %dma_wait3A_161 = tpu.memref_slice %arg9[%select_n3A_137, %dma_wait3A_159, %dma_wait3A_160] : memref<2x128x64xf32, #tpu.memory_space<vmem>> -> memref<1x128x64xf32, #tpu.memory_space<vmem>>
          %dma_wait3A_162 = tpu.memref_squeeze %dma_wait3A_161 : memref<1x128x64xf32, #tpu.memory_space<vmem>> -> memref<128x64xf32, #tpu.memory_space<vmem>>
          %dma_wait3A_163 = arith.constant 0 : i32
          %dma_wait3A_164 = tpu.memref_slice %arg8[%add3A_97, %dma_wait3A_163] : memref<158x128xi32, #tpu.memory_space<vmem>> -> memref<1x128xi32, #tpu.memory_space<vmem>>
          %dma_wait3A_165 = tpu.memref_squeeze %dma_wait3A_164 : memref<1x128xi32, #tpu.memory_space<vmem>> -> memref<128xi32, #tpu.memory_space<vmem>>
          %dma_wait3A_166 = arith.constant 0 : i32
          %dma_wait3A_167 = arith.constant 0 : i32
          %dma_wait3A_168 = tpu.memref_slice %arg10[%dma_wait3A_166, %dma_wait3A_167] : memref<10240x64xf32, #tpu.memory_space<vmem_shared>> -> memref<10240x64xf32, #tpu.memory_space<vmem_shared>>
          tpu.wait_indirect_dma semaphore(%run_scoped3A_148 : memref<!tpu.dma_semaphore, #tpu.memory_space<semaphore_mem>>) src(%dma_wait3A_162 : memref<128x64xf32, #tpu.memory_space<vmem>>) dst(%dma_wait3A_168 : memref<10240x64xf32, #tpu.memory_space<vmem_shared>>)
          tpu.yield
        }) : () -> ()
        %dma_wait3A_138 = arith.constant 0 : i32
        %dma_wait3A_139 = arith.constant 0 : i32
        %dma_wait3A_140 = tpu.memref_slice %arg9[%select_n3A_111, %dma_wait3A_138, %dma_wait3A_139] : memref<2x128x64xf32, #tpu.memory_space<vmem>> -> memref<1x128x64xf32, #tpu.memory_space<vmem>>
        %dma_wait3A_141 = tpu.memref_squeeze %dma_wait3A_140 : memref<1x128x64xf32, #tpu.memory_space<vmem>> -> memref<128x64xf32, #tpu.memory_space<vmem>>
        %dma_wait3A_142 = arith.constant 0 : i32
        %dma_wait3A_143 = tpu.memref_slice %arg7[%add3A_99, %dma_wait3A_142] : memref<158x128xi32, #tpu.memory_space<vmem>> -> memref<1x128xi32, #tpu.memory_space<vmem>>
        %dma_wait3A_144 = tpu.memref_squeeze %dma_wait3A_143 : memref<1x128xi32, #tpu.memory_space<vmem>> -> memref<128xi32, #tpu.memory_space<vmem>>
        %dma_wait3A_145 = arith.constant 0 : i32
        %dma_wait3A_146 = arith.constant 0 : i32
        %dma_wait3A_147 = tpu.memref_slice %arg3[%dma_wait3A_145, %dma_wait3A_146] : memref<10240x64xf32, #tpu.memory_space<hbm>> -> memref<10240x64xf32, #tpu.memory_space<hbm>>
        tpu.wait_indirect_dma semaphore(%arg12 : memref<!tpu.dma_semaphore, #tpu.memory_space<semaphore_mem>>) src(%dma_wait3A_147 : memref<10240x64xf32, #tpu.memory_space<hbm>>) dst(%dma_wait3A_141 : memref<128x64xf32, #tpu.memory_space<vmem>>)
      }
      %scan3A_90 = arith.constant 157 : i32
      %run_scoped3A_91 = arith.constant 1 : i32
      %run_scoped3A_92 = arith.constant 157 : i32
      "tpu.region"() ({
        %run_scoped3A_93 = tpu.sem_alloc : memref<!tpu.dma_semaphore, #tpu.memory_space<semaphore_mem>>
        %dma_start3A_94 = arith.constant 0 : i32
        %dma_start3A_95 = arith.constant 0 : i32
        %dma_start3A_96 = tpu.memref_slice %arg9[%run_scoped3A_91, %dma_start3A_94, %dma_start3A_95] : memref<2x128x64xf32, #tpu.memory_space<vmem>> -> memref<1x128x64xf32, #tpu.memory_space<vmem>>
        %dma_start3A_97 = tpu.memref_squeeze %dma_start3A_96 : memref<1x128x64xf32, #tpu.memory_space<vmem>> -> memref<128x64xf32, #tpu.memory_space<vmem>>
        %dma_start3A_98 = arith.constant 0 : i32
        %dma_start3A_99 = tpu.memref_slice %arg8[%run_scoped3A_92, %dma_start3A_98] : memref<158x128xi32, #tpu.memory_space<vmem>> -> memref<1x128xi32, #tpu.memory_space<vmem>>
        %dma_start3A_100 = tpu.memref_squeeze %dma_start3A_99 : memref<1x128xi32, #tpu.memory_space<vmem>> -> memref<128xi32, #tpu.memory_space<vmem>>
        %dma_start3A_101 = arith.constant 0 : i32
        %dma_start3A_102 = arith.constant 0 : i32
        %dma_start3A_103 = tpu.memref_slice %arg10[%dma_start3A_101, %dma_start3A_102] : memref<10240x64xf32, #tpu.memory_space<vmem_shared>> -> memref<10240x64xf32, #tpu.memory_space<vmem_shared>>
        tpu.enqueue_indirect_dma source(%dma_start3A_97 : memref<128x64xf32, #tpu.memory_space<vmem>>) target(%dma_start3A_103 : memref<10240x64xf32, #tpu.memory_space<vmem_shared>>) offsets(%dma_start3A_100 : memref<128xi32, #tpu.memory_space<vmem>>) semaphore(%run_scoped3A_93 : memref<!tpu.dma_semaphore, #tpu.memory_space<semaphore_mem>>) {add = true}
        %dma_wait3A_104 = arith.constant 0 : i32
        %dma_wait3A_105 = arith.constant 0 : i32
        %dma_wait3A_106 = tpu.memref_slice %arg9[%run_scoped3A_91, %dma_wait3A_104, %dma_wait3A_105] : memref<2x128x64xf32, #tpu.memory_space<vmem>> -> memref<1x128x64xf32, #tpu.memory_space<vmem>>
        %dma_wait3A_107 = tpu.memref_squeeze %dma_wait3A_106 : memref<1x128x64xf32, #tpu.memory_space<vmem>> -> memref<128x64xf32, #tpu.memory_space<vmem>>
        %dma_wait3A_108 = arith.constant 0 : i32
        %dma_wait3A_109 = tpu.memref_slice %arg8[%run_scoped3A_92, %dma_wait3A_108] : memref<158x128xi32, #tpu.memory_space<vmem>> -> memref<1x128xi32, #tpu.memory_space<vmem>>
        %dma_wait3A_110 = tpu.memref_squeeze %dma_wait3A_109 : memref<1x128xi32, #tpu.memory_space<vmem>> -> memref<128xi32, #tpu.memory_space<vmem>>
        %dma_wait3A_111 = arith.constant 0 : i32
        %dma_wait3A_112 = arith.constant 0 : i32
        %dma_wait3A_113 = tpu.memref_slice %arg10[%dma_wait3A_111, %dma_wait3A_112] : memref<10240x64xf32, #tpu.memory_space<vmem_shared>> -> memref<10240x64xf32, #tpu.memory_space<vmem_shared>>
        tpu.wait_indirect_dma semaphore(%run_scoped3A_93 : memref<!tpu.dma_semaphore, #tpu.memory_space<semaphore_mem>>) src(%dma_wait3A_107 : memref<128x64xf32, #tpu.memory_space<vmem>>) dst(%dma_wait3A_113 : memref<10240x64xf32, #tpu.memory_space<vmem_shared>>)
        tpu.yield
      }) : () -> ()
    } else {
    }
    %barrier3A_33 = arith.constant 0 : index
    tpu.barrier barrier_id(%barrier3A_33)
    %mul3A_34 = arith.constant 640 : i32
    %mul3A_35 = arith.muli %arg1, %mul3A_34 : i32
    %add3A_36 = arith.constant 0 : i32
    %add3A_37 = arith.addi %mul3A_35, %add3A_36 : i32
    %run_scoped3A_38 = arith.constant 0 : i32
    "tpu.region"() ({
      %run_scoped3A_64 = tpu.sem_alloc : memref<!tpu.dma_semaphore, #tpu.memory_space<semaphore_mem>>
      %dma_start3A = arith.constant 0 : i32
      %dma_start3A_65 = arith.constant 0 : i32
      %dma_start3A_66 = tpu.memref_slice %arg9[%run_scoped3A_38, %dma_start3A, %dma_start3A_65] : memref<2x128x64xf32, #tpu.memory_space<vmem>> -> memref<1x128x64xf32, #tpu.memory_space<vmem>>
      %dma_start3A_67 = tpu.memref_squeeze %dma_start3A_66 : memref<1x128x64xf32, #tpu.memory_space<vmem>> -> memref<128x64xf32, #tpu.memory_space<vmem>>
      %dma_start3A_68 = arith.constant 0 : i32
      %dma_start3A_69 = tpu.memref_slice %arg10[%add3A_37, %dma_start3A_68] : memref<10240x64xf32, #tpu.memory_space<vmem_shared>> -> memref<128x64xf32, #tpu.memory_space<vmem_shared>>
      %dma_start3A_70 = arith.constant 0 : i32
      %dma_start3A_71 = arith.constant 0 : i32
      %dma_start3A_72 = tpu.memref_slice %arg9[%run_scoped3A_38, %dma_start3A_70, %dma_start3A_71] : memref<2x128x64xf32, #tpu.memory_space<vmem>> -> memref<1x128x64xf32, #tpu.memory_space<vmem>>
      %dma_start3A_73 = tpu.memref_squeeze %dma_start3A_72 : memref<1x128x64xf32, #tpu.memory_space<vmem>> -> memref<128x64xf32, #tpu.memory_space<vmem>>
      %dma_start3A_74 = arith.constant 0 : i32
      %dma_start3A_75 = tpu.memref_slice %arg10[%add3A_37, %dma_start3A_74] : memref<10240x64xf32, #tpu.memory_space<vmem_shared>> -> memref<128x64xf32, #tpu.memory_space<vmem_shared>>
      tpu.enqueue_dma source(%dma_start3A_75 : memref<128x64xf32, #tpu.memory_space<vmem_shared>>) target(%dma_start3A_73 : memref<128x64xf32, #tpu.memory_space<vmem>>) target_semaphore(%run_scoped3A_64 : memref<!tpu.dma_semaphore, #tpu.memory_space<semaphore_mem>>)
      %dma_wait3A = arith.constant 0 : i32
      %dma_wait3A_76 = arith.constant 0 : i32
      %dma_wait3A_77 = tpu.memref_slice %arg9[%run_scoped3A_38, %dma_wait3A, %dma_wait3A_76] : memref<2x128x64xf32, #tpu.memory_space<vmem>> -> memref<1x128x64xf32, #tpu.memory_space<vmem>>
      %dma_wait3A_78 = tpu.memref_squeeze %dma_wait3A_77 : memref<1x128x64xf32, #tpu.memory_space<vmem>> -> memref<128x64xf32, #tpu.memory_space<vmem>>
      %dma_wait3A_79 = arith.constant 0 : i32
      %dma_wait3A_80 = tpu.memref_slice %arg10[%add3A_37, %dma_wait3A_79] : memref<10240x64xf32, #tpu.memory_space<vmem_shared>> -> memref<128x64xf32, #tpu.memory_space<vmem_shared>>
      %dma_wait3A_81 = arith.constant 0 : i32
      %dma_wait3A_82 = arith.constant 0 : i32
      %dma_wait3A_83 = tpu.memref_slice %arg9[%run_scoped3A_38, %dma_wait3A_81, %dma_wait3A_82] : memref<2x128x64xf32, #tpu.memory_space<vmem>> -> memref<1x128x64xf32, #tpu.memory_space<vmem>>
      %dma_wait3A_84 = tpu.memref_squeeze %dma_wait3A_83 : memref<1x128x64xf32, #tpu.memory_space<vmem>> -> memref<128x64xf32, #tpu.memory_space<vmem>>
      %dma_wait3A_85 = arith.constant 0 : i32
      %dma_wait3A_86 = tpu.memref_slice %arg10[%add3A_37, %dma_wait3A_85] : memref<10240x64xf32, #tpu.memory_space<vmem_shared>> -> memref<128x64xf32, #tpu.memory_space<vmem_shared>>
      tpu.wait_dma2 semaphore(%run_scoped3A_64 : memref<!tpu.dma_semaphore, #tpu.memory_space<semaphore_mem>>) src(%dma_wait3A_86 : memref<128x64xf32, #tpu.memory_space<vmem_shared>>) dst(%dma_wait3A_84 : memref<128x64xf32, #tpu.memory_space<vmem>>)
      tpu.yield
    }) : () -> ()
    %run_scoped3A_39 = arith.constant 0 : i32
    "tpu.region"() ({
      %run_scoped3A_64 = tpu.sem_alloc : memref<!tpu.dma_semaphore, #tpu.memory_space<semaphore_mem>>
      %dma_start3A = arith.constant 0 : i32
      %dma_start3A_65 = arith.constant 0 : i32
      %dma_start3A_66 = tpu.memref_slice %arg9[%run_scoped3A_39, %dma_start3A, %dma_start3A_65] : memref<2x128x64xf32, #tpu.memory_space<vmem>> -> memref<1x128x64xf32, #tpu.memory_space<vmem>>
      %dma_start3A_67 = tpu.memref_squeeze %dma_start3A_66 : memref<1x128x64xf32, #tpu.memory_space<vmem>> -> memref<128x64xf32, #tpu.memory_space<vmem>>
      %dma_start3A_68 = arith.constant 0 : i32
      %dma_start3A_69 = tpu.memref_slice %arg6[%arg0, %add3A_37, %dma_start3A_68] : memref<2x10240x64xf32, #tpu.memory_space<hbm>> -> memref<1x128x64xf32, #tpu.memory_space<hbm>>
      %dma_start3A_70 = tpu.memref_squeeze %dma_start3A_69 : memref<1x128x64xf32, #tpu.memory_space<hbm>> -> memref<128x64xf32, #tpu.memory_space<hbm>>
      %dma_start3A_71 = arith.constant 0 : i32
      %dma_start3A_72 = tpu.memref_slice %arg6[%arg0, %add3A_37, %dma_start3A_71] : memref<2x10240x64xf32, #tpu.memory_space<hbm>> -> memref<1x128x64xf32, #tpu.memory_space<hbm>>
      %dma_start3A_73 = tpu.memref_squeeze %dma_start3A_72 : memref<1x128x64xf32, #tpu.memory_space<hbm>> -> memref<128x64xf32, #tpu.memory_space<hbm>>
      %dma_start3A_74 = arith.constant 0 : i32
      %dma_start3A_75 = arith.constant 0 : i32
      %dma_start3A_76 = tpu.memref_slice %arg9[%run_scoped3A_39, %dma_start3A_74, %dma_start3A_75] : memref<2x128x64xf32, #tpu.memory_space<vmem>> -> memref<1x128x64xf32, #tpu.memory_space<vmem>>
      %dma_start3A_77 = tpu.memref_squeeze %dma_start3A_76 : memref<1x128x64xf32, #tpu.memory_space<vmem>> -> memref<128x64xf32, #tpu.memory_space<vmem>>
      tpu.enqueue_dma source(%dma_start3A_77 : memref<128x64xf32, #tpu.memory_space<vmem>>) target(%dma_start3A_73 : memref<128x64xf32, #tpu.memory_space<hbm>>) target_semaphore(%run_scoped3A_64 : memref<!tpu.dma_semaphore, #tpu.memory_space<semaphore_mem>>)
      %dma_wait3A = arith.constant 0 : i32
      %dma_wait3A_78 = arith.constant 0 : i32
      %dma_wait3A_79 = tpu.memref_slice %arg9[%run_scoped3A_39, %dma_wait3A, %dma_wait3A_78] : memref<2x128x64xf32, #tpu.memory_space<vmem>> -> memref<1x128x64xf32, #tpu.memory_space<vmem>>
      %dma_wait3A_80 = tpu.memref_squeeze %dma_wait3A_79 : memref<1x128x64xf32, #tpu.memory_space<vmem>> -> memref<128x64xf32, #tpu.memory_space<vmem>>
      %dma_wait3A_81 = arith.constant 0 : i32
      %dma_wait3A_82 = tpu.memref_slice %arg6[%arg0, %add3A_37, %dma_wait3A_81] : memref<2x10240x64xf32, #tpu.memory_space<hbm>> -> memref<1x128x64xf32, #tpu.memory_space<hbm>>
      %dma_wait3A_83 = tpu.memref_squeeze %dma_wait3A_82 : memref<1x128x64xf32, #tpu.memory_space<hbm>> -> memref<128x64xf32, #tpu.memory_space<hbm>>
      %dma_wait3A_84 = arith.constant 0 : i32
      %dma_wait3A_85 = tpu.memref_slice %arg6[%arg0, %add3A_37, %dma_wait3A_84] : memref<2x10240x64xf32, #tpu.memory_space<hbm>> -> memref<1x128x64xf32, #tpu.memory_space<hbm>>
      %dma_wait3A_86 = tpu.memref_squeeze %dma_wait3A_85 : memref<1x128x64xf32, #tpu.memory_space<hbm>> -> memref<128x64xf32, #tpu.memory_space<hbm>>
      %dma_wait3A_87 = arith.constant 0 : i32
      %dma_wait3A_88 = arith.constant 0 : i32
      %dma_wait3A_89 = tpu.memref_slice %arg9[%run_scoped3A_39, %dma_wait3A_87, %dma_wait3A_88] : memref<2x128x64xf32, #tpu.memory_space<vmem>> -> memref<1x128x64xf32, #tpu.memory_space<vmem>>
      %dma_wait3A_90 = tpu.memref_squeeze %dma_wait3A_89 : memref<1x128x64xf32, #tpu.memory_space<vmem>> -> memref<128x64xf32, #tpu.memory_space<vmem>>
      tpu.wait_dma2 semaphore(%run_scoped3A_64 : memref<!tpu.dma_semaphore, #tpu.memory_space<semaphore_mem>>) src(%dma_wait3A_90 : memref<128x64xf32, #tpu.memory_space<vmem>>) dst(%dma_wait3A_86 : memref<128x64xf32, #tpu.memory_space<hbm>>)
      tpu.yield
    }) : () -> ()
    %mul3A_40 = arith.constant 640 : i32
    %mul3A_41 = arith.muli %arg1, %mul3A_40 : i32
    %add3A_42 = arith.constant 128 : i32
    %add3A_43 = arith.addi %mul3A_41, %add3A_42 : i32
    %run_scoped3A_44 = arith.constant 0 : i32
    "tpu.region"() ({
      %run_scoped3A_64 = tpu.sem_alloc : memref<!tpu.dma_semaphore, #tpu.memory_space<semaphore_mem>>
      %dma_start3A = arith.constant 0 : i32
      %dma_start3A_65 = arith.constant 0 : i32
      %dma_start3A_66 = tpu.memref_slice %arg9[%run_scoped3A_44, %dma_start3A, %dma_start3A_65] : memref<2x128x64xf32, #tpu.memory_space<vmem>> -> memref<1x128x64xf32, #tpu.memory_space<vmem>>
      %dma_start3A_67 = tpu.memref_squeeze %dma_start3A_66 : memref<1x128x64xf32, #tpu.memory_space<vmem>> -> memref<128x64xf32, #tpu.memory_space<vmem>>
      %dma_start3A_68 = arith.constant 0 : i32
      %dma_start3A_69 = tpu.memref_slice %arg10[%add3A_43, %dma_start3A_68] : memref<10240x64xf32, #tpu.memory_space<vmem_shared>> -> memref<128x64xf32, #tpu.memory_space<vmem_shared>>
      %dma_start3A_70 = arith.constant 0 : i32
      %dma_start3A_71 = arith.constant 0 : i32
      %dma_start3A_72 = tpu.memref_slice %arg9[%run_scoped3A_44, %dma_start3A_70, %dma_start3A_71] : memref<2x128x64xf32, #tpu.memory_space<vmem>> -> memref<1x128x64xf32, #tpu.memory_space<vmem>>
      %dma_start3A_73 = tpu.memref_squeeze %dma_start3A_72 : memref<1x128x64xf32, #tpu.memory_space<vmem>> -> memref<128x64xf32, #tpu.memory_space<vmem>>
      %dma_start3A_74 = arith.constant 0 : i32
      %dma_start3A_75 = tpu.memref_slice %arg10[%add3A_43, %dma_start3A_74] : memref<10240x64xf32, #tpu.memory_space<vmem_shared>> -> memref<128x64xf32, #tpu.memory_space<vmem_shared>>
      tpu.enqueue_dma source(%dma_start3A_75 : memref<128x64xf32, #tpu.memory_space<vmem_shared>>) target(%dma_start3A_73 : memref<128x64xf32, #tpu.memory_space<vmem>>) target_semaphore(%run_scoped3A_64 : memref<!tpu.dma_semaphore, #tpu.memory_space<semaphore_mem>>)
      %dma_wait3A = arith.constant 0 : i32
      %dma_wait3A_76 = arith.constant 0 : i32
      %dma_wait3A_77 = tpu.memref_slice %arg9[%run_scoped3A_44, %dma_wait3A, %dma_wait3A_76] : memref<2x128x64xf32, #tpu.memory_space<vmem>> -> memref<1x128x64xf32, #tpu.memory_space<vmem>>
      %dma_wait3A_78 = tpu.memref_squeeze %dma_wait3A_77 : memref<1x128x64xf32, #tpu.memory_space<vmem>> -> memref<128x64xf32, #tpu.memory_space<vmem>>
      %dma_wait3A_79 = arith.constant 0 : i32
      %dma_wait3A_80 = tpu.memref_slice %arg10[%add3A_43, %dma_wait3A_79] : memref<10240x64xf32, #tpu.memory_space<vmem_shared>> -> memref<128x64xf32, #tpu.memory_space<vmem_shared>>
      %dma_wait3A_81 = arith.constant 0 : i32
      %dma_wait3A_82 = arith.constant 0 : i32
      %dma_wait3A_83 = tpu.memref_slice %arg9[%run_scoped3A_44, %dma_wait3A_81, %dma_wait3A_82] : memref<2x128x64xf32, #tpu.memory_space<vmem>> -> memref<1x128x64xf32, #tpu.memory_space<vmem>>
      %dma_wait3A_84 = tpu.memref_squeeze %dma_wait3A_83 : memref<1x128x64xf32, #tpu.memory_space<vmem>> -> memref<128x64xf32, #tpu.memory_space<vmem>>
      %dma_wait3A_85 = arith.constant 0 : i32
      %dma_wait3A_86 = tpu.memref_slice %arg10[%add3A_43, %dma_wait3A_85] : memref<10240x64xf32, #tpu.memory_space<vmem_shared>> -> memref<128x64xf32, #tpu.memory_space<vmem_shared>>
      tpu.wait_dma2 semaphore(%run_scoped3A_64 : memref<!tpu.dma_semaphore, #tpu.memory_space<semaphore_mem>>) src(%dma_wait3A_86 : memref<128x64xf32, #tpu.memory_space<vmem_shared>>) dst(%dma_wait3A_84 : memref<128x64xf32, #tpu.memory_space<vmem>>)
      tpu.yield
    }) : () -> ()
    %run_scoped3A_45 = arith.constant 0 : i32
    "tpu.region"() ({
      %run_scoped3A_64 = tpu.sem_alloc : memref<!tpu.dma_semaphore, #tpu.memory_space<semaphore_mem>>
      %dma_start3A = arith.constant 0 : i32
      %dma_start3A_65 = arith.constant 0 : i32
      %dma_start3A_66 = tpu.memref_slice %arg9[%run_scoped3A_45, %dma_start3A, %dma_start3A_65] : memref<2x128x64xf32, #tpu.memory_space<vmem>> -> memref<1x128x64xf32, #tpu.memory_space<vmem>>
      %dma_start3A_67 = tpu.memref_squeeze %dma_start3A_66 : memref<1x128x64xf32, #tpu.memory_space<vmem>> -> memref<128x64xf32, #tpu.memory_space<vmem>>
      %dma_start3A_68 = arith.constant 0 : i32
      %dma_start3A_69 = tpu.memref_slice %arg6[%arg0, %add3A_43, %dma_start3A_68] : memref<2x10240x64xf32, #tpu.memory_space<hbm>> -> memref<1x128x64xf32, #tpu.memory_space<hbm>>
      %dma_start3A_70 = tpu.memref_squeeze %dma_start3A_69 : memref<1x128x64xf32, #tpu.memory_space<hbm>> -> memref<128x64xf32, #tpu.memory_space<hbm>>
      %dma_start3A_71 = arith.constant 0 : i32
      %dma_start3A_72 = tpu.memref_slice %arg6[%arg0, %add3A_43, %dma_start3A_71] : memref<2x10240x64xf32, #tpu.memory_space<hbm>> -> memref<1x128x64xf32, #tpu.memory_space<hbm>>
      %dma_start3A_73 = tpu.memref_squeeze %dma_start3A_72 : memref<1x128x64xf32, #tpu.memory_space<hbm>> -> memref<128x64xf32, #tpu.memory_space<hbm>>
      %dma_start3A_74 = arith.constant 0 : i32
      %dma_start3A_75 = arith.constant 0 : i32
      %dma_start3A_76 = tpu.memref_slice %arg9[%run_scoped3A_45, %dma_start3A_74, %dma_start3A_75] : memref<2x128x64xf32, #tpu.memory_space<vmem>> -> memref<1x128x64xf32, #tpu.memory_space<vmem>>
      %dma_start3A_77 = tpu.memref_squeeze %dma_start3A_76 : memref<1x128x64xf32, #tpu.memory_space<vmem>> -> memref<128x64xf32, #tpu.memory_space<vmem>>
      tpu.enqueue_dma source(%dma_start3A_77 : memref<128x64xf32, #tpu.memory_space<vmem>>) target(%dma_start3A_73 : memref<128x64xf32, #tpu.memory_space<hbm>>) target_semaphore(%run_scoped3A_64 : memref<!tpu.dma_semaphore, #tpu.memory_space<semaphore_mem>>)
      %dma_wait3A = arith.constant 0 : i32
      %dma_wait3A_78 = arith.constant 0 : i32
      %dma_wait3A_79 = tpu.memref_slice %arg9[%run_scoped3A_45, %dma_wait3A, %dma_wait3A_78] : memref<2x128x64xf32, #tpu.memory_space<vmem>> -> memref<1x128x64xf32, #tpu.memory_space<vmem>>
      %dma_wait3A_80 = tpu.memref_squeeze %dma_wait3A_79 : memref<1x128x64xf32, #tpu.memory_space<vmem>> -> memref<128x64xf32, #tpu.memory_space<vmem>>
      %dma_wait3A_81 = arith.constant 0 : i32
      %dma_wait3A_82 = tpu.memref_slice %arg6[%arg0, %add3A_43, %dma_wait3A_81] : memref<2x10240x64xf32, #tpu.memory_space<hbm>> -> memref<1x128x64xf32, #tpu.memory_space<hbm>>
      %dma_wait3A_83 = tpu.memref_squeeze %dma_wait3A_82 : memref<1x128x64xf32, #tpu.memory_space<hbm>> -> memref<128x64xf32, #tpu.memory_space<hbm>>
      %dma_wait3A_84 = arith.constant 0 : i32
      %dma_wait3A_85 = tpu.memref_slice %arg6[%arg0, %add3A_43, %dma_wait3A_84] : memref<2x10240x64xf32, #tpu.memory_space<hbm>> -> memref<1x128x64xf32, #tpu.memory_space<hbm>>
      %dma_wait3A_86 = tpu.memref_squeeze %dma_wait3A_85 : memref<1x128x64xf32, #tpu.memory_space<hbm>> -> memref<128x64xf32, #tpu.memory_space<hbm>>
      %dma_wait3A_87 = arith.constant 0 : i32
      %dma_wait3A_88 = arith.constant 0 : i32
      %dma_wait3A_89 = tpu.memref_slice %arg9[%run_scoped3A_45, %dma_wait3A_87, %dma_wait3A_88] : memref<2x128x64xf32, #tpu.memory_space<vmem>> -> memref<1x128x64xf32, #tpu.memory_space<vmem>>
      %dma_wait3A_90 = tpu.memref_squeeze %dma_wait3A_89 : memref<1x128x64xf32, #tpu.memory_space<vmem>> -> memref<128x64xf32, #tpu.memory_space<vmem>>
      tpu.wait_dma2 semaphore(%run_scoped3A_64 : memref<!tpu.dma_semaphore, #tpu.memory_space<semaphore_mem>>) src(%dma_wait3A_90 : memref<128x64xf32, #tpu.memory_space<vmem>>) dst(%dma_wait3A_86 : memref<128x64xf32, #tpu.memory_space<hbm>>)
      tpu.yield
    }) : () -> ()
    %mul3A_46 = arith.constant 640 : i32
    %mul3A_47 = arith.muli %arg1, %mul3A_46 : i32
    %add3A_48 = arith.constant 256 : i32
    %add3A_49 = arith.addi %mul3A_47, %add3A_48 : i32
    %run_scoped3A_50 = arith.constant 0 : i32
    "tpu.region"() ({
      %run_scoped3A_64 = tpu.sem_alloc : memref<!tpu.dma_semaphore, #tpu.memory_space<semaphore_mem>>
      %dma_start3A = arith.constant 0 : i32
      %dma_start3A_65 = arith.constant 0 : i32
      %dma_start3A_66 = tpu.memref_slice %arg9[%run_scoped3A_50, %dma_start3A, %dma_start3A_65] : memref<2x128x64xf32, #tpu.memory_space<vmem>> -> memref<1x128x64xf32, #tpu.memory_space<vmem>>
      %dma_start3A_67 = tpu.memref_squeeze %dma_start3A_66 : memref<1x128x64xf32, #tpu.memory_space<vmem>> -> memref<128x64xf32, #tpu.memory_space<vmem>>
      %dma_start3A_68 = arith.constant 0 : i32
      %dma_start3A_69 = tpu.memref_slice %arg10[%add3A_49, %dma_start3A_68] : memref<10240x64xf32, #tpu.memory_space<vmem_shared>> -> memref<128x64xf32, #tpu.memory_space<vmem_shared>>
      %dma_start3A_70 = arith.constant 0 : i32
      %dma_start3A_71 = arith.constant 0 : i32
      %dma_start3A_72 = tpu.memref_slice %arg9[%run_scoped3A_50, %dma_start3A_70, %dma_start3A_71] : memref<2x128x64xf32, #tpu.memory_space<vmem>> -> memref<1x128x64xf32, #tpu.memory_space<vmem>>
      %dma_start3A_73 = tpu.memref_squeeze %dma_start3A_72 : memref<1x128x64xf32, #tpu.memory_space<vmem>> -> memref<128x64xf32, #tpu.memory_space<vmem>>
      %dma_start3A_74 = arith.constant 0 : i32
      %dma_start3A_75 = tpu.memref_slice %arg10[%add3A_49, %dma_start3A_74] : memref<10240x64xf32, #tpu.memory_space<vmem_shared>> -> memref<128x64xf32, #tpu.memory_space<vmem_shared>>
      tpu.enqueue_dma source(%dma_start3A_75 : memref<128x64xf32, #tpu.memory_space<vmem_shared>>) target(%dma_start3A_73 : memref<128x64xf32, #tpu.memory_space<vmem>>) target_semaphore(%run_scoped3A_64 : memref<!tpu.dma_semaphore, #tpu.memory_space<semaphore_mem>>)
      %dma_wait3A = arith.constant 0 : i32
      %dma_wait3A_76 = arith.constant 0 : i32
      %dma_wait3A_77 = tpu.memref_slice %arg9[%run_scoped3A_50, %dma_wait3A, %dma_wait3A_76] : memref<2x128x64xf32, #tpu.memory_space<vmem>> -> memref<1x128x64xf32, #tpu.memory_space<vmem>>
      %dma_wait3A_78 = tpu.memref_squeeze %dma_wait3A_77 : memref<1x128x64xf32, #tpu.memory_space<vmem>> -> memref<128x64xf32, #tpu.memory_space<vmem>>
      %dma_wait3A_79 = arith.constant 0 : i32
      %dma_wait3A_80 = tpu.memref_slice %arg10[%add3A_49, %dma_wait3A_79] : memref<10240x64xf32, #tpu.memory_space<vmem_shared>> -> memref<128x64xf32, #tpu.memory_space<vmem_shared>>
      %dma_wait3A_81 = arith.constant 0 : i32
      %dma_wait3A_82 = arith.constant 0 : i32
      %dma_wait3A_83 = tpu.memref_slice %arg9[%run_scoped3A_50, %dma_wait3A_81, %dma_wait3A_82] : memref<2x128x64xf32, #tpu.memory_space<vmem>> -> memref<1x128x64xf32, #tpu.memory_space<vmem>>
      %dma_wait3A_84 = tpu.memref_squeeze %dma_wait3A_83 : memref<1x128x64xf32, #tpu.memory_space<vmem>> -> memref<128x64xf32, #tpu.memory_space<vmem>>
      %dma_wait3A_85 = arith.constant 0 : i32
      %dma_wait3A_86 = tpu.memref_slice %arg10[%add3A_49, %dma_wait3A_85] : memref<10240x64xf32, #tpu.memory_space<vmem_shared>> -> memref<128x64xf32, #tpu.memory_space<vmem_shared>>
      tpu.wait_dma2 semaphore(%run_scoped3A_64 : memref<!tpu.dma_semaphore, #tpu.memory_space<semaphore_mem>>) src(%dma_wait3A_86 : memref<128x64xf32, #tpu.memory_space<vmem_shared>>) dst(%dma_wait3A_84 : memref<128x64xf32, #tpu.memory_space<vmem>>)
      tpu.yield
    }) : () -> ()
    %run_scoped3A_51 = arith.constant 0 : i32
    "tpu.region"() ({
      %run_scoped3A_64 = tpu.sem_alloc : memref<!tpu.dma_semaphore, #tpu.memory_space<semaphore_mem>>
      %dma_start3A = arith.constant 0 : i32
      %dma_start3A_65 = arith.constant 0 : i32
      %dma_start3A_66 = tpu.memref_slice %arg9[%run_scoped3A_51, %dma_start3A, %dma_start3A_65] : memref<2x128x64xf32, #tpu.memory_space<vmem>> -> memref<1x128x64xf32, #tpu.memory_space<vmem>>
      %dma_start3A_67 = tpu.memref_squeeze %dma_start3A_66 : memref<1x128x64xf32, #tpu.memory_space<vmem>> -> memref<128x64xf32, #tpu.memory_space<vmem>>
      %dma_start3A_68 = arith.constant 0 : i32
      %dma_start3A_69 = tpu.memref_slice %arg6[%arg0, %add3A_49, %dma_start3A_68] : memref<2x10240x64xf32, #tpu.memory_space<hbm>> -> memref<1x128x64xf32, #tpu.memory_space<hbm>>
      %dma_start3A_70 = tpu.memref_squeeze %dma_start3A_69 : memref<1x128x64xf32, #tpu.memory_space<hbm>> -> memref<128x64xf32, #tpu.memory_space<hbm>>
      %dma_start3A_71 = arith.constant 0 : i32
      %dma_start3A_72 = tpu.memref_slice %arg6[%arg0, %add3A_49, %dma_start3A_71] : memref<2x10240x64xf32, #tpu.memory_space<hbm>> -> memref<1x128x64xf32, #tpu.memory_space<hbm>>
      %dma_start3A_73 = tpu.memref_squeeze %dma_start3A_72 : memref<1x128x64xf32, #tpu.memory_space<hbm>> -> memref<128x64xf32, #tpu.memory_space<hbm>>
      %dma_start3A_74 = arith.constant 0 : i32
      %dma_start3A_75 = arith.constant 0 : i32
      %dma_start3A_76 = tpu.memref_slice %arg9[%run_scoped3A_51, %dma_start3A_74, %dma_start3A_75] : memref<2x128x64xf32, #tpu.memory_space<vmem>> -> memref<1x128x64xf32, #tpu.memory_space<vmem>>
      %dma_start3A_77 = tpu.memref_squeeze %dma_start3A_76 : memref<1x128x64xf32, #tpu.memory_space<vmem>> -> memref<128x64xf32, #tpu.memory_space<vmem>>
      tpu.enqueue_dma source(%dma_start3A_77 : memref<128x64xf32, #tpu.memory_space<vmem>>) target(%dma_start3A_73 : memref<128x64xf32, #tpu.memory_space<hbm>>) target_semaphore(%run_scoped3A_64 : memref<!tpu.dma_semaphore, #tpu.memory_space<semaphore_mem>>)
      %dma_wait3A = arith.constant 0 : i32
      %dma_wait3A_78 = arith.constant 0 : i32
      %dma_wait3A_79 = tpu.memref_slice %arg9[%run_scoped3A_51, %dma_wait3A, %dma_wait3A_78] : memref<2x128x64xf32, #tpu.memory_space<vmem>> -> memref<1x128x64xf32, #tpu.memory_space<vmem>>
      %dma_wait3A_80 = tpu.memref_squeeze %dma_wait3A_79 : memref<1x128x64xf32, #tpu.memory_space<vmem>> -> memref<128x64xf32, #tpu.memory_space<vmem>>
      %dma_wait3A_81 = arith.constant 0 : i32
      %dma_wait3A_82 = tpu.memref_slice %arg6[%arg0, %add3A_49, %dma_wait3A_81] : memref<2x10240x64xf32, #tpu.memory_space<hbm>> -> memref<1x128x64xf32, #tpu.memory_space<hbm>>
      %dma_wait3A_83 = tpu.memref_squeeze %dma_wait3A_82 : memref<1x128x64xf32, #tpu.memory_space<hbm>> -> memref<128x64xf32, #tpu.memory_space<hbm>>
      %dma_wait3A_84 = arith.constant 0 : i32
      %dma_wait3A_85 = tpu.memref_slice %arg6[%arg0, %add3A_49, %dma_wait3A_84] : memref<2x10240x64xf32, #tpu.memory_space<hbm>> -> memref<1x128x64xf32, #tpu.memory_space<hbm>>
      %dma_wait3A_86 = tpu.memref_squeeze %dma_wait3A_85 : memref<1x128x64xf32, #tpu.memory_space<hbm>> -> memref<128x64xf32, #tpu.memory_space<hbm>>
      %dma_wait3A_87 = arith.constant 0 : i32
      %dma_wait3A_88 = arith.constant 0 : i32
      %dma_wait3A_89 = tpu.memref_slice %arg9[%run_scoped3A_51, %dma_wait3A_87, %dma_wait3A_88] : memref<2x128x64xf32, #tpu.memory_space<vmem>> -> memref<1x128x64xf32, #tpu.memory_space<vmem>>
      %dma_wait3A_90 = tpu.memref_squeeze %dma_wait3A_89 : memref<1x128x64xf32, #tpu.memory_space<vmem>> -> memref<128x64xf32, #tpu.memory_space<vmem>>
      tpu.wait_dma2 semaphore(%run_scoped3A_64 : memref<!tpu.dma_semaphore, #tpu.memory_space<semaphore_mem>>) src(%dma_wait3A_90 : memref<128x64xf32, #tpu.memory_space<vmem>>) dst(%dma_wait3A_86 : memref<128x64xf32, #tpu.memory_space<hbm>>)
      tpu.yield
    }) : () -> ()
    %mul3A_52 = arith.constant 640 : i32
    %mul3A_53 = arith.muli %arg1, %mul3A_52 : i32
    %add3A_54 = arith.constant 384 : i32
    %add3A_55 = arith.addi %mul3A_53, %add3A_54 : i32
    %run_scoped3A_56 = arith.constant 0 : i32
    "tpu.region"() ({
      %run_scoped3A_64 = tpu.sem_alloc : memref<!tpu.dma_semaphore, #tpu.memory_space<semaphore_mem>>
      %dma_start3A = arith.constant 0 : i32
      %dma_start3A_65 = arith.constant 0 : i32
      %dma_start3A_66 = tpu.memref_slice %arg9[%run_scoped3A_56, %dma_start3A, %dma_start3A_65] : memref<2x128x64xf32, #tpu.memory_space<vmem>> -> memref<1x128x64xf32, #tpu.memory_space<vmem>>
      %dma_start3A_67 = tpu.memref_squeeze %dma_start3A_66 : memref<1x128x64xf32, #tpu.memory_space<vmem>> -> memref<128x64xf32, #tpu.memory_space<vmem>>
      %dma_start3A_68 = arith.constant 0 : i32
      %dma_start3A_69 = tpu.memref_slice %arg10[%add3A_55, %dma_start3A_68] : memref<10240x64xf32, #tpu.memory_space<vmem_shared>> -> memref<128x64xf32, #tpu.memory_space<vmem_shared>>
      %dma_start3A_70 = arith.constant 0 : i32
      %dma_start3A_71 = arith.constant 0 : i32
      %dma_start3A_72 = tpu.memref_slice %arg9[%run_scoped3A_56, %dma_start3A_70, %dma_start3A_71] : memref<2x128x64xf32, #tpu.memory_space<vmem>> -> memref<1x128x64xf32, #tpu.memory_space<vmem>>
      %dma_start3A_73 = tpu.memref_squeeze %dma_start3A_72 : memref<1x128x64xf32, #tpu.memory_space<vmem>> -> memref<128x64xf32, #tpu.memory_space<vmem>>
      %dma_start3A_74 = arith.constant 0 : i32
      %dma_start3A_75 = tpu.memref_slice %arg10[%add3A_55, %dma_start3A_74] : memref<10240x64xf32, #tpu.memory_space<vmem_shared>> -> memref<128x64xf32, #tpu.memory_space<vmem_shared>>
      tpu.enqueue_dma source(%dma_start3A_75 : memref<128x64xf32, #tpu.memory_space<vmem_shared>>) target(%dma_start3A_73 : memref<128x64xf32, #tpu.memory_space<vmem>>) target_semaphore(%run_scoped3A_64 : memref<!tpu.dma_semaphore, #tpu.memory_space<semaphore_mem>>)
      %dma_wait3A = arith.constant 0 : i32
      %dma_wait3A_76 = arith.constant 0 : i32
      %dma_wait3A_77 = tpu.memref_slice %arg9[%run_scoped3A_56, %dma_wait3A, %dma_wait3A_76] : memref<2x128x64xf32, #tpu.memory_space<vmem>> -> memref<1x128x64xf32, #tpu.memory_space<vmem>>
      %dma_wait3A_78 = tpu.memref_squeeze %dma_wait3A_77 : memref<1x128x64xf32, #tpu.memory_space<vmem>> -> memref<128x64xf32, #tpu.memory_space<vmem>>
      %dma_wait3A_79 = arith.constant 0 : i32
      %dma_wait3A_80 = tpu.memref_slice %arg10[%add3A_55, %dma_wait3A_79] : memref<10240x64xf32, #tpu.memory_space<vmem_shared>> -> memref<128x64xf32, #tpu.memory_space<vmem_shared>>
      %dma_wait3A_81 = arith.constant 0 : i32
      %dma_wait3A_82 = arith.constant 0 : i32
      %dma_wait3A_83 = tpu.memref_slice %arg9[%run_scoped3A_56, %dma_wait3A_81, %dma_wait3A_82] : memref<2x128x64xf32, #tpu.memory_space<vmem>> -> memref<1x128x64xf32, #tpu.memory_space<vmem>>
      %dma_wait3A_84 = tpu.memref_squeeze %dma_wait3A_83 : memref<1x128x64xf32, #tpu.memory_space<vmem>> -> memref<128x64xf32, #tpu.memory_space<vmem>>
      %dma_wait3A_85 = arith.constant 0 : i32
      %dma_wait3A_86 = tpu.memref_slice %arg10[%add3A_55, %dma_wait3A_85] : memref<10240x64xf32, #tpu.memory_space<vmem_shared>> -> memref<128x64xf32, #tpu.memory_space<vmem_shared>>
      tpu.wait_dma2 semaphore(%run_scoped3A_64 : memref<!tpu.dma_semaphore, #tpu.memory_space<semaphore_mem>>) src(%dma_wait3A_86 : memref<128x64xf32, #tpu.memory_space<vmem_shared>>) dst(%dma_wait3A_84 : memref<128x64xf32, #tpu.memory_space<vmem>>)
      tpu.yield
    }) : () -> ()
    %run_scoped3A_57 = arith.constant 0 : i32
    "tpu.region"() ({
      %run_scoped3A_64 = tpu.sem_alloc : memref<!tpu.dma_semaphore, #tpu.memory_space<semaphore_mem>>
      %dma_start3A = arith.constant 0 : i32
      %dma_start3A_65 = arith.constant 0 : i32
      %dma_start3A_66 = tpu.memref_slice %arg9[%run_scoped3A_57, %dma_start3A, %dma_start3A_65] : memref<2x128x64xf32, #tpu.memory_space<vmem>> -> memref<1x128x64xf32, #tpu.memory_space<vmem>>
      %dma_start3A_67 = tpu.memref_squeeze %dma_start3A_66 : memref<1x128x64xf32, #tpu.memory_space<vmem>> -> memref<128x64xf32, #tpu.memory_space<vmem>>
      %dma_start3A_68 = arith.constant 0 : i32
      %dma_start3A_69 = tpu.memref_slice %arg6[%arg0, %add3A_55, %dma_start3A_68] : memref<2x10240x64xf32, #tpu.memory_space<hbm>> -> memref<1x128x64xf32, #tpu.memory_space<hbm>>
      %dma_start3A_70 = tpu.memref_squeeze %dma_start3A_69 : memref<1x128x64xf32, #tpu.memory_space<hbm>> -> memref<128x64xf32, #tpu.memory_space<hbm>>
      %dma_start3A_71 = arith.constant 0 : i32
      %dma_start3A_72 = tpu.memref_slice %arg6[%arg0, %add3A_55, %dma_start3A_71] : memref<2x10240x64xf32, #tpu.memory_space<hbm>> -> memref<1x128x64xf32, #tpu.memory_space<hbm>>
      %dma_start3A_73 = tpu.memref_squeeze %dma_start3A_72 : memref<1x128x64xf32, #tpu.memory_space<hbm>> -> memref<128x64xf32, #tpu.memory_space<hbm>>
      %dma_start3A_74 = arith.constant 0 : i32
      %dma_start3A_75 = arith.constant 0 : i32
      %dma_start3A_76 = tpu.memref_slice %arg9[%run_scoped3A_57, %dma_start3A_74, %dma_start3A_75] : memref<2x128x64xf32, #tpu.memory_space<vmem>> -> memref<1x128x64xf32, #tpu.memory_space<vmem>>
      %dma_start3A_77 = tpu.memref_squeeze %dma_start3A_76 : memref<1x128x64xf32, #tpu.memory_space<vmem>> -> memref<128x64xf32, #tpu.memory_space<vmem>>
      tpu.enqueue_dma source(%dma_start3A_77 : memref<128x64xf32, #tpu.memory_space<vmem>>) target(%dma_start3A_73 : memref<128x64xf32, #tpu.memory_space<hbm>>) target_semaphore(%run_scoped3A_64 : memref<!tpu.dma_semaphore, #tpu.memory_space<semaphore_mem>>)
      %dma_wait3A = arith.constant 0 : i32
      %dma_wait3A_78 = arith.constant 0 : i32
      %dma_wait3A_79 = tpu.memref_slice %arg9[%run_scoped3A_57, %dma_wait3A, %dma_wait3A_78] : memref<2x128x64xf32, #tpu.memory_space<vmem>> -> memref<1x128x64xf32, #tpu.memory_space<vmem>>
      %dma_wait3A_80 = tpu.memref_squeeze %dma_wait3A_79 : memref<1x128x64xf32, #tpu.memory_space<vmem>> -> memref<128x64xf32, #tpu.memory_space<vmem>>
      %dma_wait3A_81 = arith.constant 0 : i32
      %dma_wait3A_82 = tpu.memref_slice %arg6[%arg0, %add3A_55, %dma_wait3A_81] : memref<2x10240x64xf32, #tpu.memory_space<hbm>> -> memref<1x128x64xf32, #tpu.memory_space<hbm>>
      %dma_wait3A_83 = tpu.memref_squeeze %dma_wait3A_82 : memref<1x128x64xf32, #tpu.memory_space<hbm>> -> memref<128x64xf32, #tpu.memory_space<hbm>>
      %dma_wait3A_84 = arith.constant 0 : i32
      %dma_wait3A_85 = tpu.memref_slice %arg6[%arg0, %add3A_55, %dma_wait3A_84] : memref<2x10240x64xf32, #tpu.memory_space<hbm>> -> memref<1x128x64xf32, #tpu.memory_space<hbm>>
      %dma_wait3A_86 = tpu.memref_squeeze %dma_wait3A_85 : memref<1x128x64xf32, #tpu.memory_space<hbm>> -> memref<128x64xf32, #tpu.memory_space<hbm>>
      %dma_wait3A_87 = arith.constant 0 : i32
      %dma_wait3A_88 = arith.constant 0 : i32
      %dma_wait3A_89 = tpu.memref_slice %arg9[%run_scoped3A_57, %dma_wait3A_87, %dma_wait3A_88] : memref<2x128x64xf32, #tpu.memory_space<vmem>> -> memref<1x128x64xf32, #tpu.memory_space<vmem>>
      %dma_wait3A_90 = tpu.memref_squeeze %dma_wait3A_89 : memref<1x128x64xf32, #tpu.memory_space<vmem>> -> memref<128x64xf32, #tpu.memory_space<vmem>>
      tpu.wait_dma2 semaphore(%run_scoped3A_64 : memref<!tpu.dma_semaphore, #tpu.memory_space<semaphore_mem>>) src(%dma_wait3A_90 : memref<128x64xf32, #tpu.memory_space<vmem>>) dst(%dma_wait3A_86 : memref<128x64xf32, #tpu.memory_space<hbm>>)
      tpu.yield
    }) : () -> ()
    %mul3A_58 = arith.constant 640 : i32
    %mul3A_59 = arith.muli %arg1, %mul3A_58 : i32
    %add3A_60 = arith.constant 512 : i32
    %add3A_61 = arith.addi %mul3A_59, %add3A_60 : i32
    %run_scoped3A_62 = arith.constant 0 : i32
    "tpu.region"() ({
      %run_scoped3A_64 = tpu.sem_alloc : memref<!tpu.dma_semaphore, #tpu.memory_space<semaphore_mem>>
      %dma_start3A = arith.constant 0 : i32
      %dma_start3A_65 = arith.constant 0 : i32
      %dma_start3A_66 = tpu.memref_slice %arg9[%run_scoped3A_62, %dma_start3A, %dma_start3A_65] : memref<2x128x64xf32, #tpu.memory_space<vmem>> -> memref<1x128x64xf32, #tpu.memory_space<vmem>>
      %dma_start3A_67 = tpu.memref_squeeze %dma_start3A_66 : memref<1x128x64xf32, #tpu.memory_space<vmem>> -> memref<128x64xf32, #tpu.memory_space<vmem>>
      %dma_start3A_68 = arith.constant 0 : i32
      %dma_start3A_69 = tpu.memref_slice %arg10[%add3A_61, %dma_start3A_68] : memref<10240x64xf32, #tpu.memory_space<vmem_shared>> -> memref<128x64xf32, #tpu.memory_space<vmem_shared>>
      %dma_start3A_70 = arith.constant 0 : i32
      %dma_start3A_71 = arith.constant 0 : i32
      %dma_start3A_72 = tpu.memref_slice %arg9[%run_scoped3A_62, %dma_start3A_70, %dma_start3A_71] : memref<2x128x64xf32, #tpu.memory_space<vmem>> -> memref<1x128x64xf32, #tpu.memory_space<vmem>>
      %dma_start3A_73 = tpu.memref_squeeze %dma_start3A_72 : memref<1x128x64xf32, #tpu.memory_space<vmem>> -> memref<128x64xf32, #tpu.memory_space<vmem>>
      %dma_start3A_74 = arith.constant 0 : i32
      %dma_start3A_75 = tpu.memref_slice %arg10[%add3A_61, %dma_start3A_74] : memref<10240x64xf32, #tpu.memory_space<vmem_shared>> -> memref<128x64xf32, #tpu.memory_space<vmem_shared>>
      tpu.enqueue_dma source(%dma_start3A_75 : memref<128x64xf32, #tpu.memory_space<vmem_shared>>) target(%dma_start3A_73 : memref<128x64xf32, #tpu.memory_space<vmem>>) target_semaphore(%run_scoped3A_64 : memref<!tpu.dma_semaphore, #tpu.memory_space<semaphore_mem>>)
      %dma_wait3A = arith.constant 0 : i32
      %dma_wait3A_76 = arith.constant 0 : i32
      %dma_wait3A_77 = tpu.memref_slice %arg9[%run_scoped3A_62, %dma_wait3A, %dma_wait3A_76] : memref<2x128x64xf32, #tpu.memory_space<vmem>> -> memref<1x128x64xf32, #tpu.memory_space<vmem>>
      %dma_wait3A_78 = tpu.memref_squeeze %dma_wait3A_77 : memref<1x128x64xf32, #tpu.memory_space<vmem>> -> memref<128x64xf32, #tpu.memory_space<vmem>>
      %dma_wait3A_79 = arith.constant 0 : i32
      %dma_wait3A_80 = tpu.memref_slice %arg10[%add3A_61, %dma_wait3A_79] : memref<10240x64xf32, #tpu.memory_space<vmem_shared>> -> memref<128x64xf32, #tpu.memory_space<vmem_shared>>
      %dma_wait3A_81 = arith.constant 0 : i32
      %dma_wait3A_82 = arith.constant 0 : i32
      %dma_wait3A_83 = tpu.memref_slice %arg9[%run_scoped3A_62, %dma_wait3A_81, %dma_wait3A_82] : memref<2x128x64xf32, #tpu.memory_space<vmem>> -> memref<1x128x64xf32, #tpu.memory_space<vmem>>
      %dma_wait3A_84 = tpu.memref_squeeze %dma_wait3A_83 : memref<1x128x64xf32, #tpu.memory_space<vmem>> -> memref<128x64xf32, #tpu.memory_space<vmem>>
      %dma_wait3A_85 = arith.constant 0 : i32
      %dma_wait3A_86 = tpu.memref_slice %arg10[%add3A_61, %dma_wait3A_85] : memref<10240x64xf32, #tpu.memory_space<vmem_shared>> -> memref<128x64xf32, #tpu.memory_space<vmem_shared>>
      tpu.wait_dma2 semaphore(%run_scoped3A_64 : memref<!tpu.dma_semaphore, #tpu.memory_space<semaphore_mem>>) src(%dma_wait3A_86 : memref<128x64xf32, #tpu.memory_space<vmem_shared>>) dst(%dma_wait3A_84 : memref<128x64xf32, #tpu.memory_space<vmem>>)
      tpu.yield
    }) : () -> ()
    %run_scoped3A_63 = arith.constant 0 : i32
    "tpu.region"() ({
      %run_scoped3A_64 = tpu.sem_alloc : memref<!tpu.dma_semaphore, #tpu.memory_space<semaphore_mem>>
      %dma_start3A = arith.constant 0 : i32
      %dma_start3A_65 = arith.constant 0 : i32
      %dma_start3A_66 = tpu.memref_slice %arg9[%run_scoped3A_63, %dma_start3A, %dma_start3A_65] : memref<2x128x64xf32, #tpu.memory_space<vmem>> -> memref<1x128x64xf32, #tpu.memory_space<vmem>>
      %dma_start3A_67 = tpu.memref_squeeze %dma_start3A_66 : memref<1x128x64xf32, #tpu.memory_space<vmem>> -> memref<128x64xf32, #tpu.memory_space<vmem>>
      %dma_start3A_68 = arith.constant 0 : i32
      %dma_start3A_69 = tpu.memref_slice %arg6[%arg0, %add3A_61, %dma_start3A_68] : memref<2x10240x64xf32, #tpu.memory_space<hbm>> -> memref<1x128x64xf32, #tpu.memory_space<hbm>>
      %dma_start3A_70 = tpu.memref_squeeze %dma_start3A_69 : memref<1x128x64xf32, #tpu.memory_space<hbm>> -> memref<128x64xf32, #tpu.memory_space<hbm>>
      %dma_start3A_71 = arith.constant 0 : i32
      %dma_start3A_72 = tpu.memref_slice %arg6[%arg0, %add3A_61, %dma_start3A_71] : memref<2x10240x64xf32, #tpu.memory_space<hbm>> -> memref<1x128x64xf32, #tpu.memory_space<hbm>>
      %dma_start3A_73 = tpu.memref_squeeze %dma_start3A_72 : memref<1x128x64xf32, #tpu.memory_space<hbm>> -> memref<128x64xf32, #tpu.memory_space<hbm>>
      %dma_start3A_74 = arith.constant 0 : i32
      %dma_start3A_75 = arith.constant 0 : i32
      %dma_start3A_76 = tpu.memref_slice %arg9[%run_scoped3A_63, %dma_start3A_74, %dma_start3A_75] : memref<2x128x64xf32, #tpu.memory_space<vmem>> -> memref<1x128x64xf32, #tpu.memory_space<vmem>>
      %dma_start3A_77 = tpu.memref_squeeze %dma_start3A_76 : memref<1x128x64xf32, #tpu.memory_space<vmem>> -> memref<128x64xf32, #tpu.memory_space<vmem>>
      tpu.enqueue_dma source(%dma_start3A_77 : memref<128x64xf32, #tpu.memory_space<vmem>>) target(%dma_start3A_73 : memref<128x64xf32, #tpu.memory_space<hbm>>) target_semaphore(%run_scoped3A_64 : memref<!tpu.dma_semaphore, #tpu.memory_space<semaphore_mem>>)
      %dma_wait3A = arith.constant 0 : i32
      %dma_wait3A_78 = arith.constant 0 : i32
      %dma_wait3A_79 = tpu.memref_slice %arg9[%run_scoped3A_63, %dma_wait3A, %dma_wait3A_78] : memref<2x128x64xf32, #tpu.memory_space<vmem>> -> memref<1x128x64xf32, #tpu.memory_space<vmem>>
      %dma_wait3A_80 = tpu.memref_squeeze %dma_wait3A_79 : memref<1x128x64xf32, #tpu.memory_space<vmem>> -> memref<128x64xf32, #tpu.memory_space<vmem>>
      %dma_wait3A_81 = arith.constant 0 : i32
      %dma_wait3A_82 = tpu.memref_slice %arg6[%arg0, %add3A_61, %dma_wait3A_81] : memref<2x10240x64xf32, #tpu.memory_space<hbm>> -> memref<1x128x64xf32, #tpu.memory_space<hbm>>
      %dma_wait3A_83 = tpu.memref_squeeze %dma_wait3A_82 : memref<1x128x64xf32, #tpu.memory_space<hbm>> -> memref<128x64xf32, #tpu.memory_space<hbm>>
      %dma_wait3A_84 = arith.constant 0 : i32
      %dma_wait3A_85 = tpu.memref_slice %arg6[%arg0, %add3A_61, %dma_wait3A_84] : memref<2x10240x64xf32, #tpu.memory_space<hbm>> -> memref<1x128x64xf32, #tpu.memory_space<hbm>>
      %dma_wait3A_86 = tpu.memref_squeeze %dma_wait3A_85 : memref<1x128x64xf32, #tpu.memory_space<hbm>> -> memref<128x64xf32, #tpu.memory_space<hbm>>
      %dma_wait3A_87 = arith.constant 0 : i32
      %dma_wait3A_88 = arith.constant 0 : i32
      %dma_wait3A_89 = tpu.memref_slice %arg9[%run_scoped3A_63, %dma_wait3A_87, %dma_wait3A_88] : memref<2x128x64xf32, #tpu.memory_space<vmem>> -> memref<1x128x64xf32, #tpu.memory_space<vmem>>
      %dma_wait3A_90 = tpu.memref_squeeze %dma_wait3A_89 : memref<1x128x64xf32, #tpu.memory_space<vmem>> -> memref<128x64xf32, #tpu.memory_space<vmem>>
      tpu.wait_dma2 semaphore(%run_scoped3A_64 : memref<!tpu.dma_semaphore, #tpu.memory_space<semaphore_mem>>) src(%dma_wait3A_90 : memref<128x64xf32, #tpu.memory_space<vmem>>) dst(%dma_wait3A_86 : memref<128x64xf32, #tpu.memory_space<hbm>>)
      tpu.yield
    }) : () -> ()
    return
  }
}

module attributes {stable_mosaic.version = 14 : i64} {
  func.func @_tc_pre_body(%arg0: i32, %arg1: memref<512x128xf32, #tpu.memory_space<vmem>>, %arg2: memref<128x128xf32, #tpu.memory_space<vmem>>, %arg3: memref<512x1xf32, #tpu.memory_space<vmem>>, %arg4: memref<512x1xf32, #tpu.memory_space<vmem>>, %arg5: memref<512x64xf32, #tpu.memory_space<vmem>>, %arg6: memref<512x64xf32, #tpu.memory_space<vmem>>) attributes {dimension_semantics = [#tpu.dimension_semantics<arbitrary>], iteration_bounds = array<i64: 20>, scalar_prefetch = 0 : i64, scratch_operands = 0 : i64, tpu.core_type = #tpu.core_type<tc>, window_params = [{transform_indices = @transform_0, window_bounds = array<i64: 512, 128>}, {pipeline_mode = #tpu.pipeline_mode<synchronous>, transform_indices = @transform_1, window_bounds = array<i64: 128, 128>}, {transform_indices = @transform_2, window_bounds = array<i64: 512, 1>}, {transform_indices = @transform_3, window_bounds = array<i64: 512, 1>}, {transform_indices = @transform_4, window_bounds = array<i64: 512, 64>}, {transform_indices = @transform_5, window_bounds = array<i64: 512, 64>}]} {
    %get3A = arith.constant 0 : index
    %get3A_0 = arith.constant 0 : index
    %get3A_1 = vector.load %arg3[%get3A, %get3A_0] : memref<512x1xf32, #tpu.memory_space<vmem>>, vector<512x1xf32>
    %get3A_2 = arith.constant 0 : index
    %get3A_3 = arith.constant 0 : index
    %get3A_4 = vector.load %arg4[%get3A_2, %get3A_3] : memref<512x1xf32, #tpu.memory_space<vmem>>, vector<512x1xf32>
    %add3A = arith.addf %get3A_1, %get3A_4 : vector<512x1xf32>
    %add3A_5 = arith.constant 1.000000e+00 : f32
    %add3A_6 = vector.broadcast %add3A_5 : f32 to vector<512x1xf32>
    %add3A_7 = arith.addf %add3A, %add3A_6 : vector<512x1xf32>
    %rsqrt3A = math.rsqrt %add3A_7 : vector<512x1xf32>
    %get3A_8 = arith.constant 0 : index
    %get3A_9 = arith.constant 0 : index
    %get3A_10 = vector.load %arg1[%get3A_8, %get3A_9] : memref<512x128xf32, #tpu.memory_space<vmem>>, vector<512x128xf32>
    %get3A_11 = arith.constant 0 : index
    %get3A_12 = arith.constant 0 : index
    %get3A_13 = vector.load %arg2[%get3A_11, %get3A_12] : memref<128x128xf32, #tpu.memory_space<vmem>>, vector<128x128xf32>
    %dot_general3A = arith.constant dense<0.000000e+00> : vector<512x128xf32>
    %dot_general3A_14 = tpu.matmul %get3A_10, %get3A_13, %dot_general3A {dimension_numbers = #tpu.dot_dimension_numbers<[1], [0], [0], [1], [0, 0, 1, 1], [], []>, transpose_lhs_hint = false} : vector<512x128xf32>, vector<128x128xf32>, vector<512x128xf32> -> vector<512x128xf32>
    %mul3A = vector.broadcast %rsqrt3A : vector<512x1xf32> to vector<512x128xf32>
    %mul3A_15 = arith.mulf %dot_general3A_14, %mul3A : vector<512x128xf32>
    %slice3A = vector.extract_strided_slice %mul3A_15 {offsets = [0, 0], sizes = [512, 64], strides = [1, 1]} : vector<512x128xf32> to vector<512x64xf32>
    %swap3A = arith.constant 0 : index
    %swap3A_16 = arith.constant 0 : index
    %swap3A_17 = vector.load %arg5[%swap3A, %swap3A_16] : memref<512x64xf32, #tpu.memory_space<vmem>>, vector<512x64xf32>
    tpu.vector_store %arg5[%swap3A, %swap3A_16], %slice3A {strides = array<i32>} : memref<512x64xf32, #tpu.memory_space<vmem>>, vector<512x64xf32>,
    %slice3A_18 = vector.extract_strided_slice %mul3A_15 {offsets = [0, 64], sizes = [512, 64], strides = [1, 1]} : vector<512x128xf32> to vector<512x64xf32>
    %swap3A_19 = arith.constant 0 : index
    %swap3A_20 = arith.constant 0 : index
    %swap3A_21 = vector.load %arg6[%swap3A_19, %swap3A_20] : memref<512x64xf32, #tpu.memory_space<vmem>>, vector<512x64xf32>
    tpu.vector_store %arg6[%swap3A_19, %swap3A_20], %slice3A_18 {strides = array<i32>} : memref<512x64xf32, #tpu.memory_space<vmem>>, vector<512x64xf32>,
    return
  }
  func.func @transform_0(%arg0: i32) -> (i32, i32) {
    %c0_i32 = arith.constant 0 : i32
    %c0_i32_0 = arith.constant 0 : i32
    return %arg0, %c0_i32 : i32, i32
  }
  func.func @transform_1(%arg0: i32) -> (i32, i32) {
    %c0_i32 = arith.constant 0 : i32
    %c0_i32_0 = arith.constant 0 : i32
    %c0_i32_1 = arith.constant 0 : i32
    return %c0_i32, %c0_i32_0 : i32, i32
  }
  func.func @transform_2(%arg0: i32) -> (i32, i32) {
    %c0_i32 = arith.constant 0 : i32
    %c0_i32_0 = arith.constant 0 : i32
    return %arg0, %c0_i32 : i32, i32
  }
  func.func @transform_3(%arg0: i32) -> (i32, i32) {
    %c0_i32 = arith.constant 0 : i32
    %c0_i32_0 = arith.constant 0 : i32
    return %arg0, %c0_i32 : i32, i32
  }
  func.func @transform_4(%arg0: i32) -> (i32, i32) {
    %c0_i32 = arith.constant 0 : i32
    %c0_i32_0 = arith.constant 0 : i32
    return %arg0, %c0_i32 : i32, i32
  }
  func.func @transform_5(%arg0: i32) -> (i32, i32) {
    %c0_i32 = arith.constant 0 : i32
    %c0_i32_0 = arith.constant 0 : i32
    return %arg0, %c0_i32 : i32, i32
  }
}

module attributes {stable_mosaic.version = 14 : i64} {
  func.func @_tc_mid_body(%arg0: i32, %arg1: memref<512x64xf32, #tpu.memory_space<vmem>>, %arg2: memref<512x64xf32, #tpu.memory_space<vmem>>, %arg3: memref<512x64xf32, #tpu.memory_space<vmem>>, %arg4: memref<512x64xf32, #tpu.memory_space<vmem>>, %arg5: memref<512x1xf32, #tpu.memory_space<vmem>>, %arg6: memref<512x1xf32, #tpu.memory_space<vmem>>, %arg7: memref<128x128xf32, #tpu.memory_space<vmem>>, %arg8: memref<1x128xf32, #tpu.memory_space<vmem>>, %arg9: memref<512x64xf32, #tpu.memory_space<vmem>>, %arg10: memref<512x64xf32, #tpu.memory_space<vmem>>) attributes {dimension_semantics = [#tpu.dimension_semantics<arbitrary>], iteration_bounds = array<i64: 20>, scalar_prefetch = 0 : i64, scratch_operands = 0 : i64, tpu.core_type = #tpu.core_type<tc>, window_params = [{transform_indices = @transform_0, window_bounds = array<i64: 512, 64>}, {transform_indices = @transform_1, window_bounds = array<i64: 512, 64>}, {transform_indices = @transform_2, window_bounds = array<i64: 512, 64>}, {transform_indices = @transform_3, window_bounds = array<i64: 512, 64>}, {transform_indices = @transform_4, window_bounds = array<i64: 512, 1>}, {transform_indices = @transform_5, window_bounds = array<i64: 512, 1>}, {pipeline_mode = #tpu.pipeline_mode<synchronous>, transform_indices = @transform_6, window_bounds = array<i64: 128, 128>}, {pipeline_mode = #tpu.pipeline_mode<synchronous>, transform_indices = @transform_7, window_bounds = array<i64: 1, 128>}, {transform_indices = @transform_8, window_bounds = array<i64: 512, 64>}, {transform_indices = @transform_9, window_bounds = array<i64: 512, 64>}]} {
    %get3A = arith.constant 0 : index
    %get3A_0 = arith.constant 0 : index
    %get3A_1 = vector.load %arg5[%get3A, %get3A_0] : memref<512x1xf32, #tpu.memory_space<vmem>>, vector<512x1xf32>
    %get3A_2 = arith.constant 0 : index
    %get3A_3 = arith.constant 0 : index
    %get3A_4 = vector.load %arg6[%get3A_2, %get3A_3] : memref<512x1xf32, #tpu.memory_space<vmem>>, vector<512x1xf32>
    %add3A = arith.addf %get3A_1, %get3A_4 : vector<512x1xf32>
    %add3A_5 = arith.constant 1.000000e+00 : f32
    %add3A_6 = vector.broadcast %add3A_5 : f32 to vector<512x1xf32>
    %add3A_7 = arith.addf %add3A, %add3A_6 : vector<512x1xf32>
    %rsqrt3A = math.rsqrt %add3A_7 : vector<512x1xf32>
    %get3A_8 = arith.constant 0 : index
    %get3A_9 = arith.constant 0 : index
    %get3A_10 = vector.load %arg1[%get3A_8, %get3A_9] : memref<512x64xf32, #tpu.memory_space<vmem>>, vector<512x64xf32>
    %get3A_11 = arith.constant 0 : index
    %get3A_12 = arith.constant 0 : index
    %get3A_13 = vector.load %arg3[%get3A_11, %get3A_12] : memref<512x64xf32, #tpu.memory_space<vmem>>, vector<512x64xf32>
    %add3A_14 = arith.addf %get3A_10, %get3A_13 : vector<512x64xf32>
    %get3A_15 = arith.constant 0 : index
    %get3A_16 = arith.constant 0 : index
    %get3A_17 = vector.load %arg2[%get3A_15, %get3A_16] : memref<512x64xf32, #tpu.memory_space<vmem>>, vector<512x64xf32>
    %get3A_18 = arith.constant 0 : index
    %get3A_19 = arith.constant 0 : index
    %get3A_20 = vector.load %arg4[%get3A_18, %get3A_19] : memref<512x64xf32, #tpu.memory_space<vmem>>, vector<512x64xf32>
    %add3A_21 = arith.addf %get3A_17, %get3A_20 : vector<512x64xf32>
    %concatenate3A = tpu.concatenate %add3A_14, %add3A_21 in 1 : vector<512x64xf32>, vector<512x64xf32> -> vector<512x128xf32>
    %mul3A = vector.broadcast %rsqrt3A : vector<512x1xf32> to vector<512x128xf32>
    %mul3A_22 = arith.mulf %mul3A, %concatenate3A : vector<512x128xf32>
    %get3A_23 = arith.constant 0 : index
    %get3A_24 = arith.constant 0 : index
    %get3A_25 = vector.load %arg8[%get3A_23, %get3A_24] : memref<1x128xf32, #tpu.memory_space<vmem>>, vector<1x128xf32>
    %add3A_26 = vector.broadcast %get3A_25 : vector<1x128xf32> to vector<512x128xf32>
    %add3A_27 = arith.addf %mul3A_22, %add3A_26 : vector<512x128xf32>
    %max3A = arith.constant 0.000000e+00 : f32
    %max3A_28 = vector.broadcast %max3A : f32 to vector<512x128xf32>
    %max3A_29 = arith.maximumf %add3A_27, %max3A_28 : vector<512x128xf32>
    %get3A_30 = arith.constant 0 : index
    %get3A_31 = arith.constant 0 : index
    %get3A_32 = vector.load %arg7[%get3A_30, %get3A_31] : memref<128x128xf32, #tpu.memory_space<vmem>>, vector<128x128xf32>
    %dot_general3A = arith.constant dense<0.000000e+00> : vector<512x128xf32>
    %dot_general3A_33 = tpu.matmul %max3A_29, %get3A_32, %dot_general3A {dimension_numbers = #tpu.dot_dimension_numbers<[1], [0], [0], [1], [0, 0, 1, 1], [], []>, transpose_lhs_hint = false} : vector<512x128xf32>, vector<128x128xf32>, vector<512x128xf32> -> vector<512x128xf32>
    %mul3A_34 = vector.broadcast %rsqrt3A : vector<512x1xf32> to vector<512x128xf32>
    %mul3A_35 = arith.mulf %dot_general3A_33, %mul3A_34 : vector<512x128xf32>
    %slice3A = vector.extract_strided_slice %mul3A_35 {offsets = [0, 0], sizes = [512, 64], strides = [1, 1]} : vector<512x128xf32> to vector<512x64xf32>
    %swap3A = arith.constant 0 : index
    %swap3A_36 = arith.constant 0 : index
    %swap3A_37 = vector.load %arg9[%swap3A, %swap3A_36] : memref<512x64xf32, #tpu.memory_space<vmem>>, vector<512x64xf32>
    tpu.vector_store %arg9[%swap3A, %swap3A_36], %slice3A {strides = array<i32>} : memref<512x64xf32, #tpu.memory_space<vmem>>, vector<512x64xf32>,
    %slice3A_38 = vector.extract_strided_slice %mul3A_35 {offsets = [0, 64], sizes = [512, 64], strides = [1, 1]} : vector<512x128xf32> to vector<512x64xf32>
    %swap3A_39 = arith.constant 0 : index
    %swap3A_40 = arith.constant 0 : index
    %swap3A_41 = vector.load %arg10[%swap3A_39, %swap3A_40] : memref<512x64xf32, #tpu.memory_space<vmem>>, vector<512x64xf32>
    tpu.vector_store %arg10[%swap3A_39, %swap3A_40], %slice3A_38 {strides = array<i32>} : memref<512x64xf32, #tpu.memory_space<vmem>>, vector<512x64xf32>,
    return
  }
  func.func @transform_0(%arg0: i32) -> (i32, i32) {
    %c0_i32 = arith.constant 0 : i32
    %c0_i32_0 = arith.constant 0 : i32
    return %arg0, %c0_i32 : i32, i32
  }
  func.func @transform_1(%arg0: i32) -> (i32, i32) {
    %c0_i32 = arith.constant 0 : i32
    %c0_i32_0 = arith.constant 0 : i32
    return %arg0, %c0_i32 : i32, i32
  }
  func.func @transform_2(%arg0: i32) -> (i32, i32) {
    %c0_i32 = arith.constant 0 : i32
    %c0_i32_0 = arith.constant 0 : i32
    return %arg0, %c0_i32 : i32, i32
  }
  func.func @transform_3(%arg0: i32) -> (i32, i32) {
    %c0_i32 = arith.constant 0 : i32
    %c0_i32_0 = arith.constant 0 : i32
    return %arg0, %c0_i32 : i32, i32
  }
  func.func @transform_4(%arg0: i32) -> (i32, i32) {
    %c0_i32 = arith.constant 0 : i32
    %c0_i32_0 = arith.constant 0 : i32
    return %arg0, %c0_i32 : i32, i32
  }
  func.func @transform_5(%arg0: i32) -> (i32, i32) {
    %c0_i32 = arith.constant 0 : i32
    %c0_i32_0 = arith.constant 0 : i32
    return %arg0, %c0_i32 : i32, i32
  }
  func.func @transform_6(%arg0: i32) -> (i32, i32) {
    %c0_i32 = arith.constant 0 : i32
    %c0_i32_0 = arith.constant 0 : i32
    %c0_i32_1 = arith.constant 0 : i32
    return %c0_i32, %c0_i32_0 : i32, i32
  }
  func.func @transform_7(%arg0: i32) -> (i32, i32) {
    %c0_i32 = arith.constant 0 : i32
    %c0_i32_0 = arith.constant 0 : i32
    %c0_i32_1 = arith.constant 0 : i32
    return %c0_i32, %c0_i32_0 : i32, i32
  }
  func.func @transform_8(%arg0: i32) -> (i32, i32) {
    %c0_i32 = arith.constant 0 : i32
    %c0_i32_0 = arith.constant 0 : i32
    return %arg0, %c0_i32 : i32, i32
  }
  func.func @transform_9(%arg0: i32) -> (i32, i32) {
    %c0_i32 = arith.constant 0 : i32
    %c0_i32_0 = arith.constant 0 : i32
    return %arg0, %c0_i32 : i32, i32
  }
}

module attributes {stable_mosaic.version = 14 : i64} {
  func.func @_tc_fin_body(%arg0: i32, %arg1: memref<512x64xf32, #tpu.memory_space<vmem>>, %arg2: memref<512x64xf32, #tpu.memory_space<vmem>>, %arg3: memref<512x64xf32, #tpu.memory_space<vmem>>, %arg4: memref<512x64xf32, #tpu.memory_space<vmem>>, %arg5: memref<512x1xf32, #tpu.memory_space<vmem>>, %arg6: memref<512x1xf32, #tpu.memory_space<vmem>>, %arg7: memref<128x128xf32, #tpu.memory_space<vmem>>, %arg8: memref<1x128xf32, #tpu.memory_space<vmem>>, %arg9: memref<1x128xf32, #tpu.memory_space<vmem>>, %arg10: memref<512x128xf32, #tpu.memory_space<vmem>>) attributes {dimension_semantics = [#tpu.dimension_semantics<arbitrary>], iteration_bounds = array<i64: 20>, scalar_prefetch = 0 : i64, scratch_operands = 0 : i64, tpu.core_type = #tpu.core_type<tc>, window_params = [{transform_indices = @transform_0, window_bounds = array<i64: 512, 64>}, {transform_indices = @transform_1, window_bounds = array<i64: 512, 64>}, {transform_indices = @transform_2, window_bounds = array<i64: 512, 64>}, {transform_indices = @transform_3, window_bounds = array<i64: 512, 64>}, {transform_indices = @transform_4, window_bounds = array<i64: 512, 1>}, {transform_indices = @transform_5, window_bounds = array<i64: 512, 1>}, {pipeline_mode = #tpu.pipeline_mode<synchronous>, transform_indices = @transform_6, window_bounds = array<i64: 128, 128>}, {pipeline_mode = #tpu.pipeline_mode<synchronous>, transform_indices = @transform_7, window_bounds = array<i64: 1, 128>}, {pipeline_mode = #tpu.pipeline_mode<synchronous>, transform_indices = @transform_8, window_bounds = array<i64: 1, 128>}, {transform_indices = @transform_9, window_bounds = array<i64: 512, 128>}]} {
    %get3A = arith.constant 0 : index
    %get3A_0 = arith.constant 0 : index
    %get3A_1 = vector.load %arg5[%get3A, %get3A_0] : memref<512x1xf32, #tpu.memory_space<vmem>>, vector<512x1xf32>
    %get3A_2 = arith.constant 0 : index
    %get3A_3 = arith.constant 0 : index
    %get3A_4 = vector.load %arg6[%get3A_2, %get3A_3] : memref<512x1xf32, #tpu.memory_space<vmem>>, vector<512x1xf32>
    %add3A = arith.addf %get3A_1, %get3A_4 : vector<512x1xf32>
    %add3A_5 = arith.constant 1.000000e+00 : f32
    %add3A_6 = vector.broadcast %add3A_5 : f32 to vector<512x1xf32>
    %add3A_7 = arith.addf %add3A, %add3A_6 : vector<512x1xf32>
    %rsqrt3A = math.rsqrt %add3A_7 : vector<512x1xf32>
    %get3A_8 = arith.constant 0 : index
    %get3A_9 = arith.constant 0 : index
    %get3A_10 = vector.load %arg1[%get3A_8, %get3A_9] : memref<512x64xf32, #tpu.memory_space<vmem>>, vector<512x64xf32>
    %get3A_11 = arith.constant 0 : index
    %get3A_12 = arith.constant 0 : index
    %get3A_13 = vector.load %arg3[%get3A_11, %get3A_12] : memref<512x64xf32, #tpu.memory_space<vmem>>, vector<512x64xf32>
    %add3A_14 = arith.addf %get3A_10, %get3A_13 : vector<512x64xf32>
    %get3A_15 = arith.constant 0 : index
    %get3A_16 = arith.constant 0 : index
    %get3A_17 = vector.load %arg2[%get3A_15, %get3A_16] : memref<512x64xf32, #tpu.memory_space<vmem>>, vector<512x64xf32>
    %get3A_18 = arith.constant 0 : index
    %get3A_19 = arith.constant 0 : index
    %get3A_20 = vector.load %arg4[%get3A_18, %get3A_19] : memref<512x64xf32, #tpu.memory_space<vmem>>, vector<512x64xf32>
    %add3A_21 = arith.addf %get3A_17, %get3A_20 : vector<512x64xf32>
    %concatenate3A = tpu.concatenate %add3A_14, %add3A_21 in 1 : vector<512x64xf32>, vector<512x64xf32> -> vector<512x128xf32>
    %mul3A = vector.broadcast %rsqrt3A : vector<512x1xf32> to vector<512x128xf32>
    %mul3A_22 = arith.mulf %mul3A, %concatenate3A : vector<512x128xf32>
    %get3A_23 = arith.constant 0 : index
    %get3A_24 = arith.constant 0 : index
    %get3A_25 = vector.load %arg8[%get3A_23, %get3A_24] : memref<1x128xf32, #tpu.memory_space<vmem>>, vector<1x128xf32>
    %add3A_26 = vector.broadcast %get3A_25 : vector<1x128xf32> to vector<512x128xf32>
    %add3A_27 = arith.addf %mul3A_22, %add3A_26 : vector<512x128xf32>
    %max3A = arith.constant 0.000000e+00 : f32
    %max3A_28 = vector.broadcast %max3A : f32 to vector<512x128xf32>
    %max3A_29 = arith.maximumf %add3A_27, %max3A_28 : vector<512x128xf32>
    %get3A_30 = arith.constant 0 : index
    %get3A_31 = arith.constant 0 : index
    %get3A_32 = vector.load %arg7[%get3A_30, %get3A_31] : memref<128x128xf32, #tpu.memory_space<vmem>>, vector<128x128xf32>
    %dot_general3A = arith.constant dense<0.000000e+00> : vector<512x128xf32>
    %dot_general3A_33 = tpu.matmul %max3A_29, %get3A_32, %dot_general3A {dimension_numbers = #tpu.dot_dimension_numbers<[1], [0], [0], [1], [0, 0, 1, 1], [], []>, transpose_lhs_hint = false} : vector<512x128xf32>, vector<128x128xf32>, vector<512x128xf32> -> vector<512x128xf32>
    %get3A_34 = arith.constant 0 : index
    %get3A_35 = arith.constant 0 : index
    %get3A_36 = vector.load %arg9[%get3A_34, %get3A_35] : memref<1x128xf32, #tpu.memory_space<vmem>>, vector<1x128xf32>
    %add3A_37 = vector.broadcast %get3A_36 : vector<1x128xf32> to vector<512x128xf32>
    %add3A_38 = arith.addf %dot_general3A_33, %add3A_37 : vector<512x128xf32>
    %swap3A = arith.constant 0 : index
    %swap3A_39 = arith.constant 0 : index
    %swap3A_40 = vector.load %arg10[%swap3A, %swap3A_39] : memref<512x128xf32, #tpu.memory_space<vmem>>, vector<512x128xf32>
    tpu.vector_store %arg10[%swap3A, %swap3A_39], %add3A_38 {strides = array<i32>} : memref<512x128xf32, #tpu.memory_space<vmem>>, vector<512x128xf32>,
    return
  }
  func.func @transform_0(%arg0: i32) -> (i32, i32) {
    %c0_i32 = arith.constant 0 : i32
    %c0_i32_0 = arith.constant 0 : i32
    return %arg0, %c0_i32 : i32, i32
  }
  func.func @transform_1(%arg0: i32) -> (i32, i32) {
    %c0_i32 = arith.constant 0 : i32
    %c0_i32_0 = arith.constant 0 : i32
    return %arg0, %c0_i32 : i32, i32
  }
  func.func @transform_2(%arg0: i32) -> (i32, i32) {
    %c0_i32 = arith.constant 0 : i32
    %c0_i32_0 = arith.constant 0 : i32
    return %arg0, %c0_i32 : i32, i32
  }
  func.func @transform_3(%arg0: i32) -> (i32, i32) {
    %c0_i32 = arith.constant 0 : i32
    %c0_i32_0 = arith.constant 0 : i32
    return %arg0, %c0_i32 : i32, i32
  }
  func.func @transform_4(%arg0: i32) -> (i32, i32) {
    %c0_i32 = arith.constant 0 : i32
    %c0_i32_0 = arith.constant 0 : i32
    return %arg0, %c0_i32 : i32, i32
  }
  func.func @transform_5(%arg0: i32) -> (i32, i32) {
    %c0_i32 = arith.constant 0 : i32
    %c0_i32_0 = arith.constant 0 : i32
    return %arg0, %c0_i32 : i32, i32
  }
  func.func @transform_6(%arg0: i32) -> (i32, i32) {
    %c0_i32 = arith.constant 0 : i32
    %c0_i32_0 = arith.constant 0 : i32
    %c0_i32_1 = arith.constant 0 : i32
    return %c0_i32, %c0_i32_0 : i32, i32
  }
  func.func @transform_7(%arg0: i32) -> (i32, i32) {
    %c0_i32 = arith.constant 0 : i32
    %c0_i32_0 = arith.constant 0 : i32
    %c0_i32_1 = arith.constant 0 : i32
    return %c0_i32, %c0_i32_0 : i32, i32
  }
  func.func @transform_8(%arg0: i32) -> (i32, i32) {
    %c0_i32 = arith.constant 0 : i32
    %c0_i32_0 = arith.constant 0 : i32
    %c0_i32_1 = arith.constant 0 : i32
    return %c0_i32, %c0_i32_0 : i32, i32
  }
  func.func @transform_9(%arg0: i32) -> (i32, i32) {
    %c0_i32 = arith.constant 0 : i32
    %c0_i32_0 = arith.constant 0 : i32
    return %arg0, %c0_i32 : i32, i32
  }
}

</mosaic_0001>

<sc_bundles>
// kernel: kernel.11.cloned.1.call-start
scs
__scs_entry_jumppad:
0x0: {  	(pc) =	sbr.rel $0x88, $3  }
0x1: {  	(tag) =	ssettag $0x0;
	lr =	simm.s32 $0x1  }
0x2: {  	[smem:$0x3F99] =	sst lr;
	_ =	strace $0xD0000000  }
0x3: {  	_ = 	snop  }
0x4: {  	_ = 	snop  }
0x5: {  	_ = 	snop  }
0x6: {  	_ = 	snop  }
0x7: {  	_ = 	snop  }
__scs_overlays_trampoline_lowered:
0x8: {  	[smem:$0x3FA8] =	sst s0  }
0x9: {  	[smem:$0x3FA9] =	sst s1  }
0xa: {  	[smem:$0x3FAA] =	sst s2  }
0xb: {  	[smem:$0x3FAB] =	sst s3  }
0xc: {  	[smem:$0x3FAC] =	sst s4  }
0xd: {  	[smem:$0x3FAD] =	sst s5  }
0xe: {  	[smem:$0x3FAE] =	sst s6  }
0xf: {  	[smem:$0x3FAF] =	sst s7  }
0x10: {  	[smem:$0x3FB0] =	sst s8  }
0x11: {  	[smem:$0x3FB1] =	sst s9;
	s0 =	simm.s32 @!p0 $0x0  }
0x12: {  	s1 =	sld [smem:$0x3F97];
	s0 =	simm.s32 @p0 $0x1  }
0x13: {  	[smem:$0x3FB2] =	sst s0;
	s0 =	simm.s32 @!p1 $0x0  }
0x14: {  	s2 =	sld [smem:$0x3F96];
	s0 =	simm.s32 @p1 $0x1  }
0x15: {  	[smem:$0x3FB3] =	sst s0;
	s0 =	simm.s32 @!p2 $0x0  }
0x16: {  	s3 =	sld [smem:$0x3FDB];
	s0 =	simm.s32 @p2 $0x1  }
0x17: {  	s4 =	simm.s32 $0x1BF5;
	[smem:$0x3FB5] =	sst s0  }
0x18: {  	s0 =	sld [smem:$0x3F98];
	_ =	swait.ge [sflag:s4], $0x0  }
0x19: {  	s7 =	sld [smem:$0x3F99]  }
0x1a: {  	s8 =	sadd.s32 $0xFFFFE003, lr  }
0x1b: {  	s9 =	sadd.s32 $0xFFFFFEF7, lr;
	s5 =	simm.s32 $0xFFFFFFFF;
	p2 =	slt.u32 s8, $0xFFFFF086  }
0x1c: {  	p1 =	slt.u32 s9, $0xF7A;
	s5 =	simm.s32 @!p2 $0x0  }
0x1d: {  	s5 =	simm.s32 @p1 $0x1;
	p0 =	seq.s32 s7, s2  }
0x1e: {  	s7 =	smul.u32 @!p0 $0xF7A, s2;
	p2 =	seq.s32 @!p0 s5, $0x0  }
0x1f: {  	s9 =	smul.u32 $0xF7A, s1;
	s8 =	simm.s32 @!p0 $0x1BF5;
	p2 =	por !p2, p0  }
0x20: {  	[sflag:s8] =	ssyncset.s32 @!p0 $0xFFFFF086;
	s6 =	sadd.s32 @!p0 s3, s7;
	s7 =	simm.s32 @!p0 $0x108  }
0x21: {  	s3 =	sadd.s32 s3, s9;
	s6 =	sadd.s32 @!p0 $0x88, s6;
	s7 =	simm.s32 @p2 $0x1082  }
0x22: {  	[simem:s7], [sflag:s8] =	dma.local @!p0 [hbm:s6], $0xF7A  }
0x23: {  	s9 =	sor.u32 $0xD0000000, s2;
	s6 =	simm.s32 $0x108;
	_ =	swait.ge @!p0 [sflag:s8], $0x0  }
0x24: {  	s3 =	sadd.s32 $0x88, s3;
	s6 =	simm.s32 @!p1 $0x1082;
	[sflag:s4] =	ssyncset.s32 $0xFFFFF086  }
0x25: {  	[simem:s6], [sflag:s4] =	dma.local [hbm:s3], $0xF7A  }
0x26: {  	[smem:$0x3F99] =	sst s1;
	(tag) =	ssettag s2;
	_ =	strace s9  }
0x27: {  	s1 =	sld [smem:$0x3FA9]  }
0x28: {  	s2 =	sld [smem:$0x3FAA]  }
0x29: {  	s4 =	sld [smem:$0x3FAC]  }
0x2a: {  	p0 =	seq.s32 s5, $0x0;
	s5 =	sld [smem:$0x3FAD]  }
0x2b: {  	s6 =	sld [smem:$0x3FAE]  }
0x2c: {  	s7 =	sld [smem:$0x3FAF]  }
0x2d: {  	s3 =	simm.s32 $0x108;
	s8 =	sld [smem:$0x3FB0]  }
0x2e: {  	s3 =	simm.s32 @!p0 $0x1082;
	s9 =	sld [smem:$0x3FB1]  }
0x2f: {  	lr =	sadd.s32 s0, s3;
	s0 =	sld [smem:$0x3FA8]  }
0x30: {  	s3 =	sld [smem:$0x3FAB]  }
0x31: {  	[smem:$0x3FB4] =	sst s10  }
0x32: {  	s10 =	sld [smem:$0x3FB2];
	_ =	sdelay $0x3  }
0x33: {  	p0 =	seq.s32 s10, $0x1;
	s10 =	sld [smem:$0x3FB4];
	_ =	sdelay $0x3  }
0x34: {  	[smem:$0x3FB4] =	sst s10  }
0x35: {  	s10 =	sld [smem:$0x3FB3];
	_ =	sdelay $0x3  }
0x36: {  	p1 =	seq.s32 s10, $0x1;
	s10 =	sld [smem:$0x3FB4];
	_ =	sdelay $0x3  }
0x37: {  	[smem:$0x3FB4] =	sst s10  }
0x38: {  	s10 =	sld [smem:$0x3FB5]  }
0x39: {  	_ = 	snop;
	(pc) =	sbr.ind lr, $3  }
0x3a: {  	_ = 	snop  }
0x3b: {  	_ = 	snop  }
0x3c: {  	p2 =	seq.s32 s10, $0x1;
	s10 =	sld [smem:$0x3FB4]  }
0x3d: {  	_ =	shalt  }
0x3e: {  	_ =	shalt  }
0x3f: {  	_ =	shalt  }
0x40: {  	_ =	shalt  }
0x41: {  	_ =	shalt  }
0x42: {  	_ =	shalt  }
0x43: {  	_ =	shalt  }
0x44: {  	_ =	shalt  }
0x45: {  	_ =	shalt  }
0x46: {  	_ =	shalt  }
0x47: {  	_ =	shalt  }
0x48: {  	_ =	shalt  }
0x49: {  	_ =	shalt  }
0x4a: {  	_ =	shalt  }
0x4b: {  	_ =	shalt  }
0x4c: {  	_ =	shalt  }
0x4d: {  	_ =	shalt  }
0x4e: {  	_ =	shalt  }
0x4f: {  	_ =	shalt  }
0x50: {  	_ =	shalt  }
0x51: {  	_ =	shalt  }
0x52: {  	_ =	shalt  }
0x53: {  	_ =	shalt  }
0x54: {  	_ =	shalt  }
0x55: {  	_ =	shalt  }
0x56: {  	_ =	shalt  }
0x57: {  	_ =	shalt  }
0x58: {  	_ =	shalt  }
0x59: {  	_ =	shalt  }
0x5a: {  	_ =	shalt  }
0x5b: {  	_ =	shalt  }
0x5c: {  	_ =	shalt  }
0x5d: {  	_ =	shalt  }
0x5e: {  	_ =	shalt  }
0x5f: {  	_ =	shalt  }
0x60: {  	_ =	shalt  }
0x61: {  	_ =	shalt  }
0x62: {  	_ =	shalt  }
0x63: {  	_ =	shalt  }
0x64: {  	_ =	shalt  }
0x65: {  	_ =	shalt  }
0x66: {  	_ =	shalt  }
0x67: {  	_ =	shalt  }
0x68: {  	_ =	shalt  }
0x69: {  	_ =	shalt  }
0x6a: {  	_ =	shalt  }
0x6b: {  	_ =	shalt  }
0x6c: {  	_ =	shalt  }
0x6d: {  	_ =	shalt  }
0x6e: {  	_ =	shalt  }
0x6f: {  	_ =	shalt  }
0x70: {  	_ =	shalt  }
0x71: {  	_ =	shalt  }
0x72: {  	_ =	shalt  }
0x73: {  	_ =	shalt  }
0x74: {  	_ =	shalt  }
0x75: {  	_ =	shalt  }
0x76: {  	_ =	shalt  }
0x77: {  	_ =	shalt  }
0x78: {  	_ =	shalt  }
0x79: {  	_ =	shalt  }
0x7a: {  	_ =	shalt  }
0x7b: {  	_ =	shalt  }
0x7c: {  	_ =	shalt  }
0x7d: {  	_ =	shalt  }
0x7e: {  	_ =	shalt  }
0x7f: {  	_ =	shalt  }
0x80: {  	_ =	shalt  }
0x81: {  	_ =	shalt  }
0x82: {  	_ =	shalt  }
0x83: {  	_ =	shalt  }
0x84: {  	_ =	shalt  }
0x85: {  	_ =	shalt  }
0x86: {  	_ =	shalt  }
0x87: {  	_ =	shalt  }
.Lfunc_end0:
.L_simem_size_0:
called_computation.1_lowered:
.L_overlay_start_0:
0x88: {  	s2 =	sld [smem:$0x3FD9]  }
0x89: {  	s3 =	sld [smem:$0x3FFE];
	_ =	sdelay $0x1  }
0x8a: {  	s1 =	srdreg.scid  }
0x8b: {  	s0 =	sand.u32 $0x1, s1  }
0x8c: {  	s17 =	sshll.u32 s0, $0xA;
	s2 =	sadd.s32 s3, s2  }
0x8d: {  	s2 =	sadd.s32 s2, s17  }
0x8e: {  	[smem:$0x3FC0] =	sst s2  }
0x8f: {  	_ = 	snop  }
0x90: {  	s2 =	sld [smem:$0x3FD0];
	(tm) =	ssettm $0x1  }
0x91: {  	s18 =	sld [smem:$0x3FFB];
	_ =	sdelay $0x3  }
0x92: {  	_ =	strace s18  }
0x93: {  	s3 =	sld [smem:$0x3FFC];
	_ =	sdelay $0x3  }
0x94: {  	_ =	strace s3  }
0x95: {  	s3 =	sld [smem:$0x3FFD];
	_ =	sdelay $0x3  }
0x96: {  	_ =	strace s3  }
0x97: {  	_ =	strace $0x8FFFFFFF  }
0x98: {  	s19 =	sld [smem:$0x3FDB];
	_ =	sdelay $0x1  }
0x99: {  	s4 =	simm.s32 $_scs_section_size  }
0x9a: {  	s5 =	simm.s32 $_size__tile_overlayer_lowered;
	s6 =	simm.s32 $_tile_overlayer_lowered  }
0x9b: {  	s22 =	simm.s32 $0x1BFF;
	s21 =	sshll.u32 s6, $0x1;
	s3 =	sadd.s32 s4, s19  }
0x9c: {  	s7 =	simm.s32 $0x0;
	s20 =	sshll.u32 s5, $0x1;
	s5 =	sadd.s32 s21, s3  }
0x9d: {  	[timem:s7], [sflag:s22] =	dma.local [hbm:s5], s20  }
0x9e: {  	_ =	swait.ge [sflag:s22], s20  }
0x9f: {  	s4 =	ssub.s32 $0x0, s20;
	[sflag:s22] =	ssyncset.done $0x0  }
0xa0: {  	[sflag:s22] =	ssyncadd.s32 s4;
	_ =	sdelay $0x1  }
0xa1: {  	s23 =	simm.s32 $0x1B8B  }
0xa2: {  	_ =	swait.ge [sflag:s23], $0x1  }
0xa3: {  	[sflag:s23] =	ssyncset.done $0x0  }
0xa4: {  	s25 =	simm.s32 $0x1B8E;
	s24 =	sld [smem:$0x3FFE];
	[sflag:s23] =	ssyncadd.s32 $0xFFFFFFFF  }
0xa5: {  	s26 =	simm.s32 $execute0_lowered;
	[smem:$0x3FD2] =	sst s25  }
0xa6: {  	s5 =	sshll.u32 s26, $0x1;
	_ =	strace $0x80000049;
	[dreg:$0x1] =	wrdreg $0xFFFFFFFF  }
0xa7: {  	s28 =	simm.s32 $_size_execute0_lowered;
	s3 =	sadd.s32 s3, s5;
	[dreg:$0x0] =	wrdreg $0x0  }
0xa8: {  	s5 =	sshll.u32 s28, $0x1;
	[dreg:$0x2] =	wrdreg s3  }
0xa9: {  	[dreg:$0x3] =	wrdreg s5  }
0xaa: {  	[dreg:$0x4] =	wrdreg $0xC0  }
0xab: {  	_ =	task [dreg:s7], $0x5FFFF  }
0xac: {  	[dreg:$0x1] =	wrdreg $0xFFFFFFFF  }
0xad: {  	[dreg:$0x0] =	wrdreg $0x60  }
0xae: {  	[dreg:$0x2] =	wrdreg s2  }
0xaf: {  	[dreg:$0x3] =	wrdreg s24  }
0xb0: {  	[dreg:$0x4] =	wrdreg $0xDE000  }
0xb1: {  	[dreg:$0x5] =	wrdreg $0x9  }
0xb2: {  	_ =	task.clear_ibuf [dreg:s7], $0x6FFFF;
	_ =	strace $0x90000049  }
0xb3: {  	s29 =	simm.s32 $0x9;
	_ =	strace $0x8000004B  }
0xb4: {  	_ =	swait.ge [sflag:s29], $0x1  }
0xb5: {  	[sflag:s29] =	ssyncadd.s32 $0xFFFFFFFF  }
0xb6: {  	_ =	strace $0x9000004B  }
0xb7: {  	_ =	sfence  }
0xb8: {  	s30 =	sld [smem:$0x0];
	_ =	sdelay $0x2  }
0xb9: {  	s31 =	sshll.u32 s1, $0xD;
	s1 =	sshrl.u32 s1, $0x2  }
0xba: {  	s3 =	sand.u32 $0x4000, s31;
	s1 =	sadd.s32 s1, s30  }
0xbb: {  	s0 =	sor.u32 s3, s0;
	s1 =	sshll.u32 s1, $0x11  }
0xbc: {  	s0 =	sor.u32 s1, s0  }
0xbd: {  	s0 =	sadd.s32 $0x8F2B, s0  }
0xbe: {  	[sflag:s0] =	ssyncadd.remote.s32 $0x1  }
0xbf: {  	_ =	sfence.sel $0xFFFF  }
0xc0: {  	[dreg:$0x0] =	wrdreg $0xFFFFFFFF;
	(pc) =	sbr.abs _section_cstart, $3  }
0xc1: {  	[dreg:$0x1] =	wrdreg $0xFFFFFFFF  }
0xc2: {  	_ =	task.clear_ibuf [dreg:s7], $0x2FFFF;
	_ =	strace $0x9FFFFFFF  }
0xc3: {  	(tm) =	ssettm $0x7FFFFFFF  }
tec
execute0_lowered:
.L_overlay_start_1:
0x0: {  	(tag) =	ssettag $0x1  }
0x1: {  	s1 =	rddreg [dreg:$0x0]  }
0x2: {  	s6 =	rddreg [dreg:$0x1]  }
0x3: {  	s3 =	rddreg [dreg:$0x2];
	s4 =	simm.s32 $0x0;
	s0 =	stileid.u32  }
0x4: {  	s5 =	srdreg.scid;
	s22 =	simm.s32 $0x1;
	s23 =	simm.s32 $0x80  }
0x5: {  	s28 =	simm.s32 $0x0;
	[smem:$0x7FF] =	sst s4;
	s7 =	smul.u32 $0x9E0, s0  }
0x6: {  	s13 =	sand.u32 $0x1, s5;
	s5 =	sadd.s32 $0xB7200, s6;
	s14 =	smul.u32 $0xA000, s0  }
0x7: {  	s17 =	sadd.s32 $0xCB200, s6;
	_ =	strace $0x8000004A;
	s8 =	ssub.s32 $0x2, s13  }
0x8: {  	s20 =	smul.u32 $0xA0000, s13;
	p0 =	seq.s32 s13, $0x1;
	s7 =	sadd.s32 s7, s6  }
0x9: {  	s24 =	sshrl.u32 s8, $0x1;
	s15 =	sadd.s32 $0x2000, s14;
	s16 =	sadd.s32 $0x4000, s14  }
0xa: {  	s19 =	sadd.s32 $0x6000, s14;
	s21 =	sadd.s32 $0x8000, s14;
	s18 =	ssub.s32 s8, s24  }
0xb: {  	s6 =	sadd.s32 $0xD400, s7;
	s7 =	sadd.s32 $0x2C00, s7;
	s8 =	sadd.s32 s14, s3  }
0xc: {  	s9 =	sadd.s32 s15, s3;
	s10 =	sadd.s32 s16, s3;
	s11 =	sadd.s32 s19, s3  }
0xd: {  	s12 =	sadd.s32 s21, s3;
	s14 =	sadd.s32 s14, s20;
	s15 =	sadd.s32 s20, s15  }
0xe: {  	s29 =	sadd.s32 s20, s16;
	s30 =	sadd.s32 s20, s19;
	s31 =	sadd.s32 s20, s21  }
0xf: {  	s20 =	simm.s32 $0x4F00;
	s21 =	simm.s32 $0x9E00;
	s24 =	simm.s32 $0x2  }
.Ltmp0:
0x10: {  	s25 =	sshrl.u32 s14, $0x3;
	s26 =	sshrl.u32 s15, $0x3;
	(pc) =	sbr.rel .LBB2_1-.Ltmp0, $4  }
0x11: {  	s15 =	sshrl.u32 s29, $0x3;
	s16 =	sshrl.u32 s30, $0x3;
	s19 =	sshrl.u32 s31, $0x3  }
0x12: {  	s18 =	smax.u32 s18, $0x1;
	s13 =	sadd.s32 s17, s25;
	s14 =	sadd.s32 s17, s26  }
0x13: {  	s15 =	sadd.s32 s17, s15;
	s16 =	sadd.s32 s17, s16;
	s17 =	sadd.s32 s17, s19  }
0x14: {  	v0 =	vimm.f32 $0.0e+00;
	s19 =	simm.s32 $0x3;
	s25 =	simm.s32 $0x9D80;
	s26 =	simm.s32 $0xBE00  }
.LBB2_6:
0x15: {  	_ =	swait.ge [sflag:s24], $0x2000  }
0x16: {  	[sflag:s24] =	ssyncset.done $0x0  }
0x17: {  	[sflag:s24] =	ssyncadd.s32 $0xFFFFE000  }
.LBB2_10:
0x18: {  	[spmem:s3] =	stream.indirect.scatter.add.f32 [tilespmem:s26], [sflag:$0x3], $0x40, s25, s23, $0xb8;
	[tilespmem:$0x17E00] =	vst v63  }
0x19: {  	_ =	swait.ge [sflag:s19], $0x2000  }
0x1a: {  	[sflag:s19] =	ssyncset.done $0x0  }
0x1b: {  	[sflag:s19] =	ssyncadd.s32 $0xFFFFE000  }
0x1c: {  	[bflag:$0x0] =	sbarrier.arrive $0xFFFF  }
0x1d: {  	[tilespmem:s21], [sflag:$0x3] =	stream.linear.gather [spmem:s8], $0x2000, $0x38;
	[tilespmem:$0x17E00] =	vst v63  }
0x1e: {  	_ =	swait.ge [sflag:s19], $0x2000  }
0x1f: {  	[sflag:s19] =	ssyncset.done $0x0  }
0x20: {  	[sflag:s19] =	ssyncadd.s32 $0xFFFFE000  }
0x21: {  	[hbm4b:s13+s4] =	stream.linear.scatter [tilespmem:s21], [sflag:$0x3], $0x2000, $0x38;
	[tilespmem:$0x17E00] =	vst v63  }
0x22: {  	_ =	swait.ge [sflag:s19], $0x2000  }
0x23: {  	[sflag:s19] =	ssyncset.done $0x0  }
0x24: {  	[sflag:s19] =	ssyncadd.s32 $0xFFFFE000  }
0x25: {  	[tilespmem:s21], [sflag:$0x3] =	stream.linear.gather [spmem:s9], $0x2000, $0x38;
	[tilespmem:$0x17E00] =	vst v63  }
0x26: {  	_ =	swait.ge [sflag:s19], $0x2000  }
0x27: {  	[sflag:s19] =	ssyncset.done $0x0  }
0x28: {  	[sflag:s19] =	ssyncadd.s32 $0xFFFFE000  }
0x29: {  	[hbm4b:s14+s4] =	stream.linear.scatter [tilespmem:s21], [sflag:$0x3], $0x2000, $0x38;
	[tilespmem:$0x17E00] =	vst v63  }
0x2a: {  	_ =	swait.ge [sflag:s19], $0x2000  }
0x2b: {  	[sflag:s19] =	ssyncset.done $0x0  }
0x2c: {  	[sflag:s19] =	ssyncadd.s32 $0xFFFFE000  }
0x2d: {  	[tilespmem:s21], [sflag:$0x3] =	stream.linear.gather [spmem:s10], $0x2000, $0x38;
	[tilespmem:$0x17E00] =	vst v63  }
0x2e: {  	_ =	swait.ge [sflag:s19], $0x2000  }
0x2f: {  	[sflag:s19] =	ssyncset.done $0x0  }
0x30: {  	[sflag:s19] =	ssyncadd.s32 $0xFFFFE000  }
0x31: {  	[hbm4b:s15+s4] =	stream.linear.scatter [tilespmem:s21], [sflag:$0x3], $0x2000, $0x38;
	[tilespmem:$0x17E00] =	vst v63  }
0x32: {  	_ =	swait.ge [sflag:s19], $0x2000  }
0x33: {  	[sflag:s19] =	ssyncset.done $0x0  }
0x34: {  	[sflag:s19] =	ssyncadd.s32 $0xFFFFE000  }
0x35: {  	[tilespmem:s21], [sflag:$0x3] =	stream.linear.gather [spmem:s11], $0x2000, $0x38;
	[tilespmem:$0x17E00] =	vst v63  }
0x36: {  	_ =	swait.ge [sflag:s19], $0x2000  }
0x37: {  	[sflag:s19] =	ssyncset.done $0x0  }
0x38: {  	[sflag:s19] =	ssyncadd.s32 $0xFFFFE000  }
0x39: {  	[hbm4b:s16+s4] =	stream.linear.scatter [tilespmem:s21], [sflag:$0x3], $0x2000, $0x38;
	[tilespmem:$0x17E00] =	vst v63  }
0x3a: {  	_ =	swait.ge [sflag:s19], $0x2000  }
0x3b: {  	[sflag:s19] =	ssyncset.done $0x0  }
0x3c: {  	[sflag:s19] =	ssyncadd.s32 $0xFFFFE000  }
0x3d: {  	[tilespmem:s21], [sflag:$0x3] =	stream.linear.gather [spmem:s12], $0x2000, $0x38;
	[tilespmem:$0x17E00] =	vst v63  }
0x3e: {  	s28 =	sadd.s32 $0x1, s28;
	_ =	swait.ge [sflag:s19], $0x2000  }
0x3f: {  	p1 =	sne.s32 s28, s18;
	[sflag:s19] =	ssyncset.done $0x0  }
.Ltmp1:
0x40: {  	[sflag:s19] =	ssyncadd.s32 $0xFFFFE000;
	(pc) =	sbr.rel @!p1 .LBB2_11-.Ltmp1, $4  }
0x41: {  	[hbm4b:s17+s4] =	stream.linear.scatter [tilespmem:s21], [sflag:$0x3], $0x2000, $0x38;
	[tilespmem:$0x17E00] =	vst v63  }
0x42: {  	_ =	swait.ge [sflag:s19], $0x2000  }
0x43: {  	[sflag:s19] =	ssyncset.done $0x0  }
0x44: {  	[sflag:s19] =	ssyncadd.s32 $0xFFFFE000  }
.LBB2_1:
0x45: {  	[tilespmem:s4], [sflag:$0x3] =	stream.linear.gather [hbm4b:s6+s4], $0x4F00, $0x38;
	[tilespmem:$0x17E00] =	vst v63  }
0x46: {  	_ =	swait.ge [sflag:s19], $0x4F00  }
0x47: {  	[sflag:s19] =	ssyncset.done $0x0  }
0x48: {  	[sflag:s19] =	ssyncadd.s32 $0xFFFFB100  }
0x49: {  	[tilespmem:s20], [sflag:$0x3] =	stream.linear.gather [hbm4b:s7+s4], $0x4F00, $0x38;
	[tilespmem:$0x17E00] =	vst v63  }
0x4a: {  	_ =	swait.ge [sflag:s19], $0x4F00  }
0x4b: {  	[sflag:s19] =	ssyncset.done $0x0  }
0x4c: {  	s30 =	simm.s32 $0x100;
	s29 =	simm.s32 $0x0;
	[sflag:s19] =	ssyncadd.s32 $0xFFFFB100  }
.LBB2_2:
0x4d: {  	p1 =	sne.s32 s30, $0x7F00;
	[tilespmem:s29+$0x9E30] =	vst v0;
	s31 =	smov.u32 s30;
	s30 =	sadd.s32 $0x100, s30  }
.Ltmp2:
0x4e: {  	[tilespmem:s29+$0x9E20] =	vst v0;
	(pc) =	sbr.rel @p1 .LBB2_2-.Ltmp2, $3  }
0x4f: {  	[tilespmem:s29+$0x9E00] =	vst v0  }
0x50: {  	[tilespmem:s29+$0x9E10] =	vst v0;
	_ =	sdelay $0x1  }
0x51: {  	s29 =	sshra.s32 s31, $0x2  }
0x52: {  	[tilespmem:s29+$0x9E30] =	vst v0  }
0x53: {  	[tilespmem:s29+$0x9E20] =	vst v0  }
0x54: {  	[tilespmem:s29+$0x9E00] =	vst v0  }
0x55: {  	[tilespmem:s29+$0x9E10] =	vst v0  }
0x56: {  	[spmem:s8] =	stream.linear.scatter [tilespmem:s21], [sflag:$0x3], $0x2000, $0x38;
	[tilespmem:$0x17E00] =	vst v63  }
0x57: {  	_ =	swait.ge [sflag:s19], $0x2000  }
0x58: {  	[sflag:s19] =	ssyncset.done $0x0  }
0x59: {  	[sflag:s19] =	ssyncadd.s32 $0xFFFFE000  }
0x5a: {  	[spmem:s9] =	stream.linear.scatter [tilespmem:s21], [sflag:$0x3], $0x2000, $0x38;
	[tilespmem:$0x17E00] =	vst v63  }
0x5b: {  	_ =	swait.ge [sflag:s19], $0x2000  }
0x5c: {  	[sflag:s19] =	ssyncset.done $0x0  }
0x5d: {  	[sflag:s19] =	ssyncadd.s32 $0xFFFFE000  }
0x5e: {  	[spmem:s10] =	stream.linear.scatter [tilespmem:s21], [sflag:$0x3], $0x2000, $0x38;
	[tilespmem:$0x17E00] =	vst v63  }
0x5f: {  	_ =	swait.ge [sflag:s19], $0x2000  }
0x60: {  	[sflag:s19] =	ssyncset.done $0x0  }
0x61: {  	[sflag:s19] =	ssyncadd.s32 $0xFFFFE000  }
0x62: {  	[spmem:s11] =	stream.linear.scatter [tilespmem:s21], [sflag:$0x3], $0x2000, $0x38;
	[tilespmem:$0x17E00] =	vst v63  }
0x63: {  	_ =	swait.ge [sflag:s19], $0x2000  }
0x64: {  	[sflag:s19] =	ssyncset.done $0x0  }
0x65: {  	[sflag:s19] =	ssyncadd.s32 $0xFFFFE000  }
0x66: {  	[spmem:s12] =	stream.linear.scatter [tilespmem:s21], [sflag:$0x3], $0x2000, $0x38;
	[tilespmem:$0x17E00] =	vst v63  }
.Ltmp3:
0x67: {  	_ =	swait.ge [sflag:s19], $0x2000;
	(pc) =	sbr.rel @!p0 .LBB2_4-.Ltmp3, $4  }
0x68: {  	[sflag:s19] =	ssyncset.done $0x0  }
0x69: {  	[sflag:s19] =	ssyncadd.s32 $0xFFFFE000  }
0x6a: {  	[bflag:$0x0] =	sbarrier.arrive $0xFFFF  }
0x6b: {  	s29 =	simm.s32 $0x80  }
0x6c: {  	s0 =	simm.s32 $0x0  }
0x6d: {  	[tilespmem:s21], [sflag:$0x1] =	stream.indirect.gather [hbm4b:s5+s29], $0x40, s0, s29, $0xb8;
	[tilespmem:$0x17E00] =	vst v63  }
0x6e: {  	s30 =	simm.s32 $0x2000;
	_ =	swait.ge [sflag:s22], $0x2000  }
0x6f: {  	s2 =	sand.u32 $0x2000, s30;
	[sflag:s22] =	ssyncset.done $0x0  }
0x70: {  	s0 =	sand.u32 $0x2000, s0;
	s2 =	sor.u32 $0x9E00, s2;
	[sflag:s22] =	ssyncadd.s32 $0xFFFFE000  }
0x71: {  	[tilespmem:s2], [sflag:$0x2] =	stream.indirect.gather [hbm4b:s5+s23], $0x40, s29, s23, $0xb8;
	[tilespmem:$0x17E00] =	vst v63  }
0x72: {  	s31 =	simm.s32 $0x4F00;
	s0 =	sor.u32 $0x9E00, s0  }
0x73: {  	[spmem:s3] =	stream.indirect.scatter.add.f32 [tilespmem:s0], [sflag:$0x3], $0x40, s31, s23, $0xb8;
	[tilespmem:$0x17E00] =	vst v63  }
0x74: {  	_ =	swait.ge [sflag:s19], $0x2000  }
0x75: {  	[sflag:s19] =	ssyncset.done $0x0  }
0x76: {  	[sflag:s19] =	ssyncadd.s32 $0xFFFFE000  }
.LBB2_8:
0x77: {  	p1 =	sne.s32 s30, $0x138000  }
0x78: {  	_ =	swait.ge [sflag:s24], $0x2000;
	s0 =	smov.u32 s30;
	s30 =	sadd.s32 $0x2000, s30  }
0x79: {  	s29 =	sadd.s32 $0x80, s29;
	s2 =	sand.u32 $0x2000, s30;
	[sflag:s24] =	ssyncset.done $0x0  }
0x7a: {  	s0 =	sand.u32 $0x2000, s0;
	s2 =	sor.u32 $0x9E00, s2;
	[sflag:s24] =	ssyncadd.s32 $0xFFFFE000  }
0x7b: {  	[tilespmem:s2], [sflag:$0x2] =	stream.indirect.gather [hbm4b:s5+s23], $0x40, s29, s23, $0xb8;
	[tilespmem:$0x17E00] =	vst v63  }
.Ltmp4:
0x7c: {  	s31 =	sadd.s32 $0x80, s31;
	s0 =	sor.u32 $0x9E00, s0;
	(pc) =	sbr.rel @p1 .LBB2_8-.Ltmp4, $4  }
0x7d: {  	[spmem:s3] =	stream.indirect.scatter.add.f32 [tilespmem:s0], [sflag:$0x3], $0x40, s31, s23, $0xb8;
	[tilespmem:$0x17E00] =	vst v63  }
0x7e: {  	_ =	swait.ge [sflag:s19], $0x2000  }
0x7f: {  	[sflag:s19] =	ssyncset.done $0x0  }
0x80: {  	[sflag:s19] =	ssyncadd.s32 $0xFFFFE000  }
.Ltmp5:
0x81: {  	(pc) =	sbr.rel .LBB2_10-.Ltmp5, $4  }
0x82: {  	_ = 	snop  }
0x83: {  	_ =	swait.ge [sflag:s24], $0x2000  }
0x84: {  	[sflag:s24] =	ssyncset.done $0x0  }
0x85: {  	[sflag:s24] =	ssyncadd.s32 $0xFFFFE000  }
.LBB2_4:
0x86: {  	s31 =	simm.s32 $0x0  }
0x87: {  	[tilespmem:s21], [sflag:$0x1] =	stream.indirect.gather [hbm4b:s1+s29], $0x40, s31, s29, $0xb8;
	[tilespmem:$0x17E00] =	vst v63  }
0x88: {  	s30 =	simm.s32 $0x2000;
	_ =	swait.ge [sflag:s22], $0x2000  }
0x89: {  	s0 =	sand.u32 $0x2000, s30;
	[sflag:s22] =	ssyncset.done $0x0  }
0x8a: {  	s2 =	sand.u32 $0x2000, s31;
	s0 =	sor.u32 $0x9E00, s0;
	[sflag:s22] =	ssyncadd.s32 $0xFFFFE000  }
0x8b: {  	[tilespmem:s0], [sflag:$0x2] =	stream.indirect.gather [hbm4b:s1+s23], $0x40, s29, s23, $0xb8;
	[tilespmem:$0x17E00] =	vst v63  }
0x8c: {  	s31 =	simm.s32 $0x4F00;
	s2 =	sor.u32 $0x9E00, s2  }
0x8d: {  	[spmem:s3] =	stream.indirect.scatter.add.f32 [tilespmem:s2], [sflag:$0x3], $0x40, s31, s23, $0xb8;
	[tilespmem:$0x17E00] =	vst v63  }
0x8e: {  	_ =	swait.ge [sflag:s19], $0x2000  }
0x8f: {  	[sflag:s19] =	ssyncset.done $0x0  }
0x90: {  	[sflag:s19] =	ssyncadd.s32 $0xFFFFE000  }
.LBB2_5:
0x91: {  	p1 =	seq.s32 s30, $0x138000  }
0x92: {  	_ =	swait.ge [sflag:s24], $0x2000;
	s0 =	smov.u32 s30;
	s30 =	sadd.s32 $0x2000, s30  }
0x93: {  	s29 =	sadd.s32 $0x80, s29;
	s2 =	sand.u32 $0x2000, s30;
	[sflag:s24] =	ssyncset.done $0x0  }
0x94: {  	s0 =	sand.u32 $0x2000, s0;
	s2 =	sor.u32 $0x9E00, s2;
	[sflag:s24] =	ssyncadd.s32 $0xFFFFE000  }
0x95: {  	[tilespmem:s2], [sflag:$0x2] =	stream.indirect.gather [hbm4b:s1+s23], $0x40, s29, s23, $0xb8;
	[tilespmem:$0x17E00] =	vst v63  }
.Ltmp6:
0x96: {  	s31 =	sadd.s32 $0x80, s31;
	s0 =	sor.u32 $0x9E00, s0;
	(pc) =	sbr.rel @!p1 .LBB2_5-.Ltmp6, $4  }
0x97: {  	[spmem:s3] =	stream.indirect.scatter.add.f32 [tilespmem:s0], [sflag:$0x3], $0x40, s31, s23, $0xb8;
	[tilespmem:$0x17E00] =	vst v63  }
0x98: {  	_ =	swait.ge [sflag:s19], $0x2000  }
0x99: {  	[sflag:s19] =	ssyncset.done $0x0  }
0x9a: {  	[sflag:s19] =	ssyncadd.s32 $0xFFFFE000  }
.Ltmp7:
0x9b: {  	_ = 	snop;
	(pc) =	sbr.rel .LBB2_6-.Ltmp7, $1  }
0x9c: {  	_ =	sdelay $0x3  }
.LBB2_11:
0x9d: {  	_ =	sfence.sel $0x180000  }
0x9e: {  	[bflag:$0x0] =	sbarrier.arrive $0xFFFF  }
0x9f: {  	_ =	strace $0x9000004A  }
0xa0: {  	s0 =	stileid.u32;
	[bflag:$0x2] =	sbarrier.arrive $0xFFFF  }
0xa1: {  	p0 =	sne.s32 s0, $0x0;
	s0 =	rddreg [dreg:$0x3]  }
0xa2: {  	s0 =	sadd.s32 @!p0 $0x100000, s0  }
0xa3: {  	[sflag:s0] =	ssyncadd.tile.s32 @!p0 $0x1;
	_ =	shalt  }
.Lfunc_end2:
_tile_overlayer_lowered:
.L_overlay_start_2:
0xa4: {  	(tag) =	ssettag $0x2  }
0xa5: {  	s0 =	rddreg [dreg:$0x0];
	s2 =	stileid.u32  }
0xa6: {  	s1 =	rddreg [dreg:$0x1];
	p0 =	sne.s32 s2, $0x0  }
0xa7: {  	s3 =	rddreg [dreg:$0x2];
	[bflag:$0x3] =	sbarrier.arrive $0xFFFF;
	s2 =	simm.s32 @!p0 $0x1C03  }
0xa8: {  	[timem:s3], [sflag:s2] =	dma.local @!p0 [hbm:s0], s1  }
0xa9: {  	s0 =	simm.s32 @!p0 $0x3  }
0xaa: {  	_ =	swait.ge @!p0 [sflag:s0], s1  }
0xab: {  	s1 =	ssub.s32 @!p0 $0x0, s1;
	[sflag:s0] =	ssyncset.done @!p0 $0x0  }
0xac: {  	[sflag:s0] =	ssyncadd.s32 @!p0 s1  }
0xad: {  	[bflag:$0x3] =	sbarrier.arrive $0xFFFF  }
0xae: {  	_ =	shalt  }

// kernel: kernel.14.cloned.1.call-start
scs
__scs_entry_jumppad:
0x0: {  	(pc) =	sbr.rel $0x88, $3  }
0x1: {  	(tag) =	ssettag $0x0;
	lr =	simm.s32 $0x1  }
0x2: {  	[smem:$0x3F99] =	sst lr;
	_ =	strace $0xD0000000  }
0x3: {  	_ = 	snop  }
0x4: {  	_ = 	snop  }
0x5: {  	_ = 	snop  }
0x6: {  	_ = 	snop  }
0x7: {  	_ = 	snop  }
__scs_overlays_trampoline_lowered:
0x8: {  	[smem:$0x3FA8] =	sst s0  }
0x9: {  	[smem:$0x3FA9] =	sst s1  }
0xa: {  	[smem:$0x3FAA] =	sst s2  }
0xb: {  	[smem:$0x3FAB] =	sst s3  }
0xc: {  	[smem:$0x3FAC] =	sst s4  }
0xd: {  	[smem:$0x3FAD] =	sst s5  }
0xe: {  	[smem:$0x3FAE] =	sst s6  }
0xf: {  	[smem:$0x3FAF] =	sst s7  }
0x10: {  	[smem:$0x3FB0] =	sst s8  }
0x11: {  	[smem:$0x3FB1] =	sst s9;
	s0 =	simm.s32 @!p0 $0x0  }
0x12: {  	s1 =	sld [smem:$0x3F97];
	s0 =	simm.s32 @p0 $0x1  }
0x13: {  	[smem:$0x3FB2] =	sst s0;
	s0 =	simm.s32 @!p1 $0x0  }
0x14: {  	s2 =	sld [smem:$0x3F96];
	s0 =	simm.s32 @p1 $0x1  }
0x15: {  	[smem:$0x3FB3] =	sst s0;
	s0 =	simm.s32 @!p2 $0x0  }
0x16: {  	s3 =	sld [smem:$0x3FDB];
	s0 =	simm.s32 @p2 $0x1  }
0x17: {  	s4 =	simm.s32 $0x1BF5;
	[smem:$0x3FB5] =	sst s0  }
0x18: {  	s0 =	sld [smem:$0x3F98];
	_ =	swait.ge [sflag:s4], $0x0  }
0x19: {  	s7 =	sld [smem:$0x3F99]  }
0x1a: {  	s8 =	sadd.s32 $0xFFFFE003, lr  }
0x1b: {  	s9 =	sadd.s32 $0xFFFFFEF7, lr;
	s5 =	simm.s32 $0xFFFFFFFF;
	p2 =	slt.u32 s8, $0xFFFFF086  }
0x1c: {  	p1 =	slt.u32 s9, $0xF7A;
	s5 =	simm.s32 @!p2 $0x0  }
0x1d: {  	s5 =	simm.s32 @p1 $0x1;
	p0 =	seq.s32 s7, s2  }
0x1e: {  	s7 =	smul.u32 @!p0 $0xF7A, s2;
	p2 =	seq.s32 @!p0 s5, $0x0  }
0x1f: {  	s9 =	smul.u32 $0xF7A, s1;
	s8 =	simm.s32 @!p0 $0x1BF5;
	p2 =	por !p2, p0  }
0x20: {  	[sflag:s8] =	ssyncset.s32 @!p0 $0xFFFFF086;
	s6 =	sadd.s32 @!p0 s3, s7;
	s7 =	simm.s32 @!p0 $0x108  }
0x21: {  	s3 =	sadd.s32 s3, s9;
	s6 =	sadd.s32 @!p0 $0x88, s6;
	s7 =	simm.s32 @p2 $0x1082  }
0x22: {  	[simem:s7], [sflag:s8] =	dma.local @!p0 [hbm:s6], $0xF7A  }
0x23: {  	s9 =	sor.u32 $0xD0000000, s2;
	s6 =	simm.s32 $0x108;
	_ =	swait.ge @!p0 [sflag:s8], $0x0  }
0x24: {  	s3 =	sadd.s32 $0x88, s3;
	s6 =	simm.s32 @!p1 $0x1082;
	[sflag:s4] =	ssyncset.s32 $0xFFFFF086  }
0x25: {  	[simem:s6], [sflag:s4] =	dma.local [hbm:s3], $0xF7A  }
0x26: {  	[smem:$0x3F99] =	sst s1;
	(tag) =	ssettag s2;
	_ =	strace s9  }
0x27: {  	s1 =	sld [smem:$0x3FA9]  }
0x28: {  	s2 =	sld [smem:$0x3FAA]  }
0x29: {  	s4 =	sld [smem:$0x3FAC]  }
0x2a: {  	p0 =	seq.s32 s5, $0x0;
	s5 =	sld [smem:$0x3FAD]  }
0x2b: {  	s6 =	sld [smem:$0x3FAE]  }
0x2c: {  	s7 =	sld [smem:$0x3FAF]  }
0x2d: {  	s3 =	simm.s32 $0x108;
	s8 =	sld [smem:$0x3FB0]  }
0x2e: {  	s3 =	simm.s32 @!p0 $0x1082;
	s9 =	sld [smem:$0x3FB1]  }
0x2f: {  	lr =	sadd.s32 s0, s3;
	s0 =	sld [smem:$0x3FA8]  }
0x30: {  	s3 =	sld [smem:$0x3FAB]  }
0x31: {  	[smem:$0x3FB4] =	sst s10  }
0x32: {  	s10 =	sld [smem:$0x3FB2];
	_ =	sdelay $0x3  }
0x33: {  	p0 =	seq.s32 s10, $0x1;
	s10 =	sld [smem:$0x3FB4];
	_ =	sdelay $0x3  }
0x34: {  	[smem:$0x3FB4] =	sst s10  }
0x35: {  	s10 =	sld [smem:$0x3FB3];
	_ =	sdelay $0x3  }
0x36: {  	p1 =	seq.s32 s10, $0x1;
	s10 =	sld [smem:$0x3FB4];
	_ =	sdelay $0x3  }
0x37: {  	[smem:$0x3FB4] =	sst s10  }
0x38: {  	s10 =	sld [smem:$0x3FB5]  }
0x39: {  	_ = 	snop;
	(pc) =	sbr.ind lr, $3  }
0x3a: {  	_ = 	snop  }
0x3b: {  	_ = 	snop  }
0x3c: {  	p2 =	seq.s32 s10, $0x1;
	s10 =	sld [smem:$0x3FB4]  }
0x3d: {  	_ =	shalt  }
0x3e: {  	_ =	shalt  }
0x3f: {  	_ =	shalt  }
0x40: {  	_ =	shalt  }
0x41: {  	_ =	shalt  }
0x42: {  	_ =	shalt  }
0x43: {  	_ =	shalt  }
0x44: {  	_ =	shalt  }
0x45: {  	_ =	shalt  }
0x46: {  	_ =	shalt  }
0x47: {  	_ =	shalt  }
0x48: {  	_ =	shalt  }
0x49: {  	_ =	shalt  }
0x4a: {  	_ =	shalt  }
0x4b: {  	_ =	shalt  }
0x4c: {  	_ =	shalt  }
0x4d: {  	_ =	shalt  }
0x4e: {  	_ =	shalt  }
0x4f: {  	_ =	shalt  }
0x50: {  	_ =	shalt  }
0x51: {  	_ =	shalt  }
0x52: {  	_ =	shalt  }
0x53: {  	_ =	shalt  }
0x54: {  	_ =	shalt  }
0x55: {  	_ =	shalt  }
0x56: {  	_ =	shalt  }
0x57: {  	_ =	shalt  }
0x58: {  	_ =	shalt  }
0x59: {  	_ =	shalt  }
0x5a: {  	_ =	shalt  }
0x5b: {  	_ =	shalt  }
0x5c: {  	_ =	shalt  }
0x5d: {  	_ =	shalt  }
0x5e: {  	_ =	shalt  }
0x5f: {  	_ =	shalt  }
0x60: {  	_ =	shalt  }
0x61: {  	_ =	shalt  }
0x62: {  	_ =	shalt  }
0x63: {  	_ =	shalt  }
0x64: {  	_ =	shalt  }
0x65: {  	_ =	shalt  }
0x66: {  	_ =	shalt  }
0x67: {  	_ =	shalt  }
0x68: {  	_ =	shalt  }
0x69: {  	_ =	shalt  }
0x6a: {  	_ =	shalt  }
0x6b: {  	_ =	shalt  }
0x6c: {  	_ =	shalt  }
0x6d: {  	_ =	shalt  }
0x6e: {  	_ =	shalt  }
0x6f: {  	_ =	shalt  }
0x70: {  	_ =	shalt  }
0x71: {  	_ =	shalt  }
0x72: {  	_ =	shalt  }
0x73: {  	_ =	shalt  }
0x74: {  	_ =	shalt  }
0x75: {  	_ =	shalt  }
0x76: {  	_ =	shalt  }
0x77: {  	_ =	shalt  }
0x78: {  	_ =	shalt  }
0x79: {  	_ =	shalt  }
0x7a: {  	_ =	shalt  }
0x7b: {  	_ =	shalt  }
0x7c: {  	_ =	shalt  }
0x7d: {  	_ =	shalt  }
0x7e: {  	_ =	shalt  }
0x7f: {  	_ =	shalt  }
0x80: {  	_ =	shalt  }
0x81: {  	_ =	shalt  }
0x82: {  	_ =	shalt  }
0x83: {  	_ =	shalt  }
0x84: {  	_ =	shalt  }
0x85: {  	_ =	shalt  }
0x86: {  	_ =	shalt  }
0x87: {  	_ =	shalt  }
.Lfunc_end0:
.L_simem_size_0:
called_computation.2_lowered:
.L_overlay_start_0:
0x88: {  	s2 =	sld [smem:$0x3FD9]  }
0x89: {  	s3 =	sld [smem:$0x3FFE];
	_ =	sdelay $0x1  }
0x8a: {  	s1 =	srdreg.scid  }
0x8b: {  	s0 =	sand.u32 $0x1, s1  }
0x8c: {  	s17 =	sshll.u32 s0, $0xA;
	s2 =	sadd.s32 s3, s2  }
0x8d: {  	s2 =	sadd.s32 s2, s17  }
0x8e: {  	[smem:$0x3FC0] =	sst s2  }
0x8f: {  	_ = 	snop  }
0x90: {  	s2 =	sld [smem:$0x3FD0];
	(tm) =	ssettm $0x1  }
0x91: {  	s18 =	sld [smem:$0x3FFB];
	_ =	sdelay $0x3  }
0x92: {  	_ =	strace s18  }
0x93: {  	s3 =	sld [smem:$0x3FFC];
	_ =	sdelay $0x3  }
0x94: {  	_ =	strace s3  }
0x95: {  	s3 =	sld [smem:$0x3FFD];
	_ =	sdelay $0x3  }
0x96: {  	_ =	strace s3  }
0x97: {  	_ =	strace $0x8FFFFFFF  }
0x98: {  	s19 =	sld [smem:$0x3FDB];
	_ =	sdelay $0x1  }
0x99: {  	s4 =	simm.s32 $_scs_section_size  }
0x9a: {  	s5 =	simm.s32 $_size__tile_overlayer_lowered;
	s6 =	simm.s32 $_tile_overlayer_lowered  }
0x9b: {  	s22 =	simm.s32 $0x1BFF;
	s21 =	sshll.u32 s6, $0x1;
	s3 =	sadd.s32 s4, s19  }
0x9c: {  	s7 =	simm.s32 $0x0;
	s20 =	sshll.u32 s5, $0x1;
	s5 =	sadd.s32 s21, s3  }
0x9d: {  	[timem:s7], [sflag:s22] =	dma.local [hbm:s5], s20  }
0x9e: {  	_ =	swait.ge [sflag:s22], s20  }
0x9f: {  	s4 =	ssub.s32 $0x0, s20;
	[sflag:s22] =	ssyncset.done $0x0  }
0xa0: {  	[sflag:s22] =	ssyncadd.s32 s4;
	_ =	sdelay $0x1  }
0xa1: {  	s23 =	simm.s32 $0x1B8B  }
0xa2: {  	_ =	swait.ge [sflag:s23], $0x1  }
0xa3: {  	[sflag:s23] =	ssyncset.done $0x0  }
0xa4: {  	s25 =	simm.s32 $0x1B8E;
	s24 =	sld [smem:$0x3FFE];
	[sflag:s23] =	ssyncadd.s32 $0xFFFFFFFF  }
0xa5: {  	s26 =	simm.s32 $execute0_lowered;
	[smem:$0x3FD2] =	sst s25  }
0xa6: {  	s5 =	sshll.u32 s26, $0x1;
	_ =	strace $0x8000004C;
	[dreg:$0x1] =	wrdreg $0xFFFFFFFF  }
0xa7: {  	s28 =	simm.s32 $_size_execute0_lowered;
	s3 =	sadd.s32 s3, s5;
	[dreg:$0x0] =	wrdreg $0x0  }
0xa8: {  	s5 =	sshll.u32 s28, $0x1;
	[dreg:$0x2] =	wrdreg s3  }
0xa9: {  	[dreg:$0x3] =	wrdreg s5  }
0xaa: {  	[dreg:$0x4] =	wrdreg $0xC0  }
0xab: {  	_ =	task [dreg:s7], $0x5FFFF  }
0xac: {  	[dreg:$0x1] =	wrdreg $0xFFFFFFFF  }
0xad: {  	[dreg:$0x0] =	wrdreg $0x60  }
0xae: {  	[dreg:$0x2] =	wrdreg s2  }
0xaf: {  	[dreg:$0x3] =	wrdreg s24  }
0xb0: {  	[dreg:$0x4] =	wrdreg $0xDE000  }
0xb1: {  	[dreg:$0x5] =	wrdreg $0x9  }
0xb2: {  	_ =	task.clear_ibuf [dreg:s7], $0x6FFFF;
	_ =	strace $0x9000004C  }
0xb3: {  	s29 =	simm.s32 $0x9;
	_ =	strace $0x8000004E  }
0xb4: {  	_ =	swait.ge [sflag:s29], $0x1  }
0xb5: {  	[sflag:s29] =	ssyncadd.s32 $0xFFFFFFFF  }
0xb6: {  	_ =	strace $0x9000004E  }
0xb7: {  	_ =	sfence  }
0xb8: {  	s30 =	sld [smem:$0x0];
	_ =	sdelay $0x2  }
0xb9: {  	s31 =	sshll.u32 s1, $0xD;
	s1 =	sshrl.u32 s1, $0x2  }
0xba: {  	s3 =	sand.u32 $0x4000, s31;
	s1 =	sadd.s32 s1, s30  }
0xbb: {  	s0 =	sor.u32 s3, s0;
	s1 =	sshll.u32 s1, $0x11  }
0xbc: {  	s0 =	sor.u32 s1, s0  }
0xbd: {  	s0 =	sadd.s32 $0x8F2B, s0  }
0xbe: {  	[sflag:s0] =	ssyncadd.remote.s32 $0x1  }
0xbf: {  	_ =	sfence.sel $0xFFFF  }
0xc0: {  	[dreg:$0x0] =	wrdreg $0xFFFFFFFF;
	(pc) =	sbr.abs _section_cstart, $3  }
0xc1: {  	[dreg:$0x1] =	wrdreg $0xFFFFFFFF  }
0xc2: {  	_ =	task.clear_ibuf [dreg:s7], $0x2FFFF;
	_ =	strace $0x9FFFFFFF  }
0xc3: {  	(tm) =	ssettm $0x7FFFFFFF  }
tec
execute0_lowered:
.L_overlay_start_1:
0x0: {  	(tag) =	ssettag $0x1  }
0x1: {  	s1 =	rddreg [dreg:$0x0]  }
0x2: {  	s6 =	rddreg [dreg:$0x1]  }
0x3: {  	s3 =	rddreg [dreg:$0x2];
	s4 =	simm.s32 $0x0;
	s0 =	stileid.u32  }
0x4: {  	s5 =	srdreg.scid;
	s22 =	simm.s32 $0x1;
	s23 =	simm.s32 $0x80  }
0x5: {  	s28 =	simm.s32 $0x0;
	[smem:$0x7FF] =	sst s4;
	s7 =	smul.u32 $0x9E0, s0  }
0x6: {  	s13 =	sand.u32 $0x1, s5;
	s5 =	sadd.s32 $0x8F200, s6;
	s14 =	smul.u32 $0xA000, s0  }
0x7: {  	s17 =	sadd.s32 $0xA3200, s6;
	_ =	strace $0x8000004D;
	s8 =	ssub.s32 $0x2, s13  }
0x8: {  	s20 =	smul.u32 $0xA0000, s13;
	p0 =	seq.s32 s13, $0x1;
	s7 =	sadd.s32 s7, s6  }
0x9: {  	s24 =	sshrl.u32 s8, $0x1;
	s15 =	sadd.s32 $0x2000, s14;
	s16 =	sadd.s32 $0x4000, s14  }
0xa: {  	s19 =	sadd.s32 $0x6000, s14;
	s21 =	sadd.s32 $0x8000, s14;
	s18 =	ssub.s32 s8, s24  }
0xb: {  	s6 =	sadd.s32 $0xD400, s7;
	s7 =	sadd.s32 $0x2C00, s7;
	s8 =	sadd.s32 s14, s3  }
0xc: {  	s9 =	sadd.s32 s15, s3;
	s10 =	sadd.s32 s16, s3;
	s11 =	sadd.s32 s19, s3  }
0xd: {  	s12 =	sadd.s32 s21, s3;
	s14 =	sadd.s32 s14, s20;
	s15 =	sadd.s32 s20, s15  }
0xe: {  	s29 =	sadd.s32 s20, s16;
	s30 =	sadd.s32 s20, s19;
	s31 =	sadd.s32 s20, s21  }
0xf: {  	s20 =	simm.s32 $0x4F00;
	s21 =	simm.s32 $0x9E00;
	s24 =	simm.s32 $0x2  }
.Ltmp0:
0x10: {  	s25 =	sshrl.u32 s14, $0x3;
	s26 =	sshrl.u32 s15, $0x3;
	(pc) =	sbr.rel .LBB2_1-.Ltmp0, $4  }
0x11: {  	s15 =	sshrl.u32 s29, $0x3;
	s16 =	sshrl.u32 s30, $0x3;
	s19 =	sshrl.u32 s31, $0x3  }
0x12: {  	s18 =	smax.u32 s18, $0x1;
	s13 =	sadd.s32 s17, s25;
	s14 =	sadd.s32 s17, s26  }
0x13: {  	s15 =	sadd.s32 s17, s15;
	s16 =	sadd.s32 s17, s16;
	s17 =	sadd.s32 s17, s19  }
0x14: {  	v0 =	vimm.f32 $0.0e+00;
	s19 =	simm.s32 $0x3;
	s25 =	simm.s32 $0x9D80;
	s26 =	simm.s32 $0xBE00  }
.LBB2_6:
0x15: {  	_ =	swait.ge [sflag:s24], $0x2000  }
0x16: {  	[sflag:s24] =	ssyncset.done $0x0  }
0x17: {  	[sflag:s24] =	ssyncadd.s32 $0xFFFFE000  }
.LBB2_10:
0x18: {  	[spmem:s3] =	stream.indirect.scatter.add.f32 [tilespmem:s26], [sflag:$0x3], $0x40, s25, s23, $0xb8;
	[tilespmem:$0x17E00] =	vst v63  }
0x19: {  	_ =	swait.ge [sflag:s19], $0x2000  }
0x1a: {  	[sflag:s19] =	ssyncset.done $0x0  }
0x1b: {  	[sflag:s19] =	ssyncadd.s32 $0xFFFFE000  }
0x1c: {  	[bflag:$0x0] =	sbarrier.arrive $0xFFFF  }
0x1d: {  	[tilespmem:s21], [sflag:$0x3] =	stream.linear.gather [spmem:s8], $0x2000, $0x38;
	[tilespmem:$0x17E00] =	vst v63  }
0x1e: {  	_ =	swait.ge [sflag:s19], $0x2000  }
0x1f: {  	[sflag:s19] =	ssyncset.done $0x0  }
0x20: {  	[sflag:s19] =	ssyncadd.s32 $0xFFFFE000  }
0x21: {  	[hbm4b:s13+s4] =	stream.linear.scatter [tilespmem:s21], [sflag:$0x3], $0x2000, $0x38;
	[tilespmem:$0x17E00] =	vst v63  }
0x22: {  	_ =	swait.ge [sflag:s19], $0x2000  }
0x23: {  	[sflag:s19] =	ssyncset.done $0x0  }
0x24: {  	[sflag:s19] =	ssyncadd.s32 $0xFFFFE000  }
0x25: {  	[tilespmem:s21], [sflag:$0x3] =	stream.linear.gather [spmem:s9], $0x2000, $0x38;
	[tilespmem:$0x17E00] =	vst v63  }
0x26: {  	_ =	swait.ge [sflag:s19], $0x2000  }
0x27: {  	[sflag:s19] =	ssyncset.done $0x0  }
0x28: {  	[sflag:s19] =	ssyncadd.s32 $0xFFFFE000  }
0x29: {  	[hbm4b:s14+s4] =	stream.linear.scatter [tilespmem:s21], [sflag:$0x3], $0x2000, $0x38;
	[tilespmem:$0x17E00] =	vst v63  }
0x2a: {  	_ =	swait.ge [sflag:s19], $0x2000  }
0x2b: {  	[sflag:s19] =	ssyncset.done $0x0  }
0x2c: {  	[sflag:s19] =	ssyncadd.s32 $0xFFFFE000  }
0x2d: {  	[tilespmem:s21], [sflag:$0x3] =	stream.linear.gather [spmem:s10], $0x2000, $0x38;
	[tilespmem:$0x17E00] =	vst v63  }
0x2e: {  	_ =	swait.ge [sflag:s19], $0x2000  }
0x2f: {  	[sflag:s19] =	ssyncset.done $0x0  }
0x30: {  	[sflag:s19] =	ssyncadd.s32 $0xFFFFE000  }
0x31: {  	[hbm4b:s15+s4] =	stream.linear.scatter [tilespmem:s21], [sflag:$0x3], $0x2000, $0x38;
	[tilespmem:$0x17E00] =	vst v63  }
0x32: {  	_ =	swait.ge [sflag:s19], $0x2000  }
0x33: {  	[sflag:s19] =	ssyncset.done $0x0  }
0x34: {  	[sflag:s19] =	ssyncadd.s32 $0xFFFFE000  }
0x35: {  	[tilespmem:s21], [sflag:$0x3] =	stream.linear.gather [spmem:s11], $0x2000, $0x38;
	[tilespmem:$0x17E00] =	vst v63  }
0x36: {  	_ =	swait.ge [sflag:s19], $0x2000  }
0x37: {  	[sflag:s19] =	ssyncset.done $0x0  }
0x38: {  	[sflag:s19] =	ssyncadd.s32 $0xFFFFE000  }
0x39: {  	[hbm4b:s16+s4] =	stream.linear.scatter [tilespmem:s21], [sflag:$0x3], $0x2000, $0x38;
	[tilespmem:$0x17E00] =	vst v63  }
0x3a: {  	_ =	swait.ge [sflag:s19], $0x2000  }
0x3b: {  	[sflag:s19] =	ssyncset.done $0x0  }
0x3c: {  	[sflag:s19] =	ssyncadd.s32 $0xFFFFE000  }
0x3d: {  	[tilespmem:s21], [sflag:$0x3] =	stream.linear.gather [spmem:s12], $0x2000, $0x38;
	[tilespmem:$0x17E00] =	vst v63  }
0x3e: {  	s28 =	sadd.s32 $0x1, s28;
	_ =	swait.ge [sflag:s19], $0x2000  }
0x3f: {  	p1 =	sne.s32 s28, s18;
	[sflag:s19] =	ssyncset.done $0x0  }
.Ltmp1:
0x40: {  	[sflag:s19] =	ssyncadd.s32 $0xFFFFE000;
	(pc) =	sbr.rel @!p1 .LBB2_11-.Ltmp1, $4  }
0x41: {  	[hbm4b:s17+s4] =	stream.linear.scatter [tilespmem:s21], [sflag:$0x3], $0x2000, $0x38;
	[tilespmem:$0x17E00] =	vst v63  }
0x42: {  	_ =	swait.ge [sflag:s19], $0x2000  }
0x43: {  	[sflag:s19] =	ssyncset.done $0x0  }
0x44: {  	[sflag:s19] =	ssyncadd.s32 $0xFFFFE000  }
.LBB2_1:
0x45: {  	[tilespmem:s4], [sflag:$0x3] =	stream.linear.gather [hbm4b:s6+s4], $0x4F00, $0x38;
	[tilespmem:$0x17E00] =	vst v63  }
0x46: {  	_ =	swait.ge [sflag:s19], $0x4F00  }
0x47: {  	[sflag:s19] =	ssyncset.done $0x0  }
0x48: {  	[sflag:s19] =	ssyncadd.s32 $0xFFFFB100  }
0x49: {  	[tilespmem:s20], [sflag:$0x3] =	stream.linear.gather [hbm4b:s7+s4], $0x4F00, $0x38;
	[tilespmem:$0x17E00] =	vst v63  }
0x4a: {  	_ =	swait.ge [sflag:s19], $0x4F00  }
0x4b: {  	[sflag:s19] =	ssyncset.done $0x0  }
0x4c: {  	s30 =	simm.s32 $0x100;
	s29 =	simm.s32 $0x0;
	[sflag:s19] =	ssyncadd.s32 $0xFFFFB100  }
.LBB2_2:
0x4d: {  	p1 =	sne.s32 s30, $0x7F00;
	[tilespmem:s29+$0x9E30] =	vst v0;
	s31 =	smov.u32 s30;
	s30 =	sadd.s32 $0x100, s30  }
.Ltmp2:
0x4e: {  	[tilespmem:s29+$0x9E20] =	vst v0;
	(pc) =	sbr.rel @p1 .LBB2_2-.Ltmp2, $3  }
0x4f: {  	[tilespmem:s29+$0x9E00] =	vst v0  }
0x50: {  	[tilespmem:s29+$0x9E10] =	vst v0;
	_ =	sdelay $0x1  }
0x51: {  	s29 =	sshra.s32 s31, $0x2  }
0x52: {  	[tilespmem:s29+$0x9E30] =	vst v0  }
0x53: {  	[tilespmem:s29+$0x9E20] =	vst v0  }
0x54: {  	[tilespmem:s29+$0x9E00] =	vst v0  }
0x55: {  	[tilespmem:s29+$0x9E10] =	vst v0  }
0x56: {  	[spmem:s8] =	stream.linear.scatter [tilespmem:s21], [sflag:$0x3], $0x2000, $0x38;
	[tilespmem:$0x17E00] =	vst v63  }
0x57: {  	_ =	swait.ge [sflag:s19], $0x2000  }
0x58: {  	[sflag:s19] =	ssyncset.done $0x0  }
0x59: {  	[sflag:s19] =	ssyncadd.s32 $0xFFFFE000  }
0x5a: {  	[spmem:s9] =	stream.linear.scatter [tilespmem:s21], [sflag:$0x3], $0x2000, $0x38;
	[tilespmem:$0x17E00] =	vst v63  }
0x5b: {  	_ =	swait.ge [sflag:s19], $0x2000  }
0x5c: {  	[sflag:s19] =	ssyncset.done $0x0  }
0x5d: {  	[sflag:s19] =	ssyncadd.s32 $0xFFFFE000  }
0x5e: {  	[spmem:s10] =	stream.linear.scatter [tilespmem:s21], [sflag:$0x3], $0x2000, $0x38;
	[tilespmem:$0x17E00] =	vst v63  }
0x5f: {  	_ =	swait.ge [sflag:s19], $0x2000  }
0x60: {  	[sflag:s19] =	ssyncset.done $0x0  }
0x61: {  	[sflag:s19] =	ssyncadd.s32 $0xFFFFE000  }
0x62: {  	[spmem:s11] =	stream.linear.scatter [tilespmem:s21], [sflag:$0x3], $0x2000, $0x38;
	[tilespmem:$0x17E00] =	vst v63  }
0x63: {  	_ =	swait.ge [sflag:s19], $0x2000  }
0x64: {  	[sflag:s19] =	ssyncset.done $0x0  }
0x65: {  	[sflag:s19] =	ssyncadd.s32 $0xFFFFE000  }
0x66: {  	[spmem:s12] =	stream.linear.scatter [tilespmem:s21], [sflag:$0x3], $0x2000, $0x38;
	[tilespmem:$0x17E00] =	vst v63  }
.Ltmp3:
0x67: {  	_ =	swait.ge [sflag:s19], $0x2000;
	(pc) =	sbr.rel @!p0 .LBB2_4-.Ltmp3, $4  }
0x68: {  	[sflag:s19] =	ssyncset.done $0x0  }
0x69: {  	[sflag:s19] =	ssyncadd.s32 $0xFFFFE000  }
0x6a: {  	[bflag:$0x0] =	sbarrier.arrive $0xFFFF  }
0x6b: {  	s29 =	simm.s32 $0x80  }
0x6c: {  	s0 =	simm.s32 $0x0  }
0x6d: {  	[tilespmem:s21], [sflag:$0x1] =	stream.indirect.gather [hbm4b:s5+s29], $0x40, s0, s29, $0xb8;
	[tilespmem:$0x17E00] =	vst v63  }
0x6e: {  	s30 =	simm.s32 $0x2000;
	_ =	swait.ge [sflag:s22], $0x2000  }
0x6f: {  	s2 =	sand.u32 $0x2000, s30;
	[sflag:s22] =	ssyncset.done $0x0  }
0x70: {  	s0 =	sand.u32 $0x2000, s0;
	s2 =	sor.u32 $0x9E00, s2;
	[sflag:s22] =	ssyncadd.s32 $0xFFFFE000  }
0x71: {  	[tilespmem:s2], [sflag:$0x2] =	stream.indirect.gather [hbm4b:s5+s23], $0x40, s29, s23, $0xb8;
	[tilespmem:$0x17E00] =	vst v63  }
0x72: {  	s31 =	simm.s32 $0x4F00;
	s0 =	sor.u32 $0x9E00, s0  }
0x73: {  	[spmem:s3] =	stream.indirect.scatter.add.f32 [tilespmem:s0], [sflag:$0x3], $0x40, s31, s23, $0xb8;
	[tilespmem:$0x17E00] =	vst v63  }
0x74: {  	_ =	swait.ge [sflag:s19], $0x2000  }
0x75: {  	[sflag:s19] =	ssyncset.done $0x0  }
0x76: {  	[sflag:s19] =	ssyncadd.s32 $0xFFFFE000  }
.LBB2_8:
0x77: {  	p1 =	sne.s32 s30, $0x138000  }
0x78: {  	_ =	swait.ge [sflag:s24], $0x2000;
	s0 =	smov.u32 s30;
	s30 =	sadd.s32 $0x2000, s30  }
0x79: {  	s29 =	sadd.s32 $0x80, s29;
	s2 =	sand.u32 $0x2000, s30;
	[sflag:s24] =	ssyncset.done $0x0  }
0x7a: {  	s0 =	sand.u32 $0x2000, s0;
	s2 =	sor.u32 $0x9E00, s2;
	[sflag:s24] =	ssyncadd.s32 $0xFFFFE000  }
0x7b: {  	[tilespmem:s2], [sflag:$0x2] =	stream.indirect.gather [hbm4b:s5+s23], $0x40, s29, s23, $0xb8;
	[tilespmem:$0x17E00] =	vst v63  }
.Ltmp4:
0x7c: {  	s31 =	sadd.s32 $0x80, s31;
	s0 =	sor.u32 $0x9E00, s0;
	(pc) =	sbr.rel @p1 .LBB2_8-.Ltmp4, $4  }
0x7d: {  	[spmem:s3] =	stream.indirect.scatter.add.f32 [tilespmem:s0], [sflag:$0x3], $0x40, s31, s23, $0xb8;
	[tilespmem:$0x17E00] =	vst v63  }
0x7e: {  	_ =	swait.ge [sflag:s19], $0x2000  }
0x7f: {  	[sflag:s19] =	ssyncset.done $0x0  }
0x80: {  	[sflag:s19] =	ssyncadd.s32 $0xFFFFE000  }
.Ltmp5:
0x81: {  	(pc) =	sbr.rel .LBB2_10-.Ltmp5, $4  }
0x82: {  	_ = 	snop  }
0x83: {  	_ =	swait.ge [sflag:s24], $0x2000  }
0x84: {  	[sflag:s24] =	ssyncset.done $0x0  }
0x85: {  	[sflag:s24] =	ssyncadd.s32 $0xFFFFE000  }
.LBB2_4:
0x86: {  	s31 =	simm.s32 $0x0  }
0x87: {  	[tilespmem:s21], [sflag:$0x1] =	stream.indirect.gather [hbm4b:s1+s29], $0x40, s31, s29, $0xb8;
	[tilespmem:$0x17E00] =	vst v63  }
0x88: {  	s30 =	simm.s32 $0x2000;
	_ =	swait.ge [sflag:s22], $0x2000  }
0x89: {  	s0 =	sand.u32 $0x2000, s30;
	[sflag:s22] =	ssyncset.done $0x0  }
0x8a: {  	s2 =	sand.u32 $0x2000, s31;
	s0 =	sor.u32 $0x9E00, s0;
	[sflag:s22] =	ssyncadd.s32 $0xFFFFE000  }
0x8b: {  	[tilespmem:s0], [sflag:$0x2] =	stream.indirect.gather [hbm4b:s1+s23], $0x40, s29, s23, $0xb8;
	[tilespmem:$0x17E00] =	vst v63  }
0x8c: {  	s31 =	simm.s32 $0x4F00;
	s2 =	sor.u32 $0x9E00, s2  }
0x8d: {  	[spmem:s3] =	stream.indirect.scatter.add.f32 [tilespmem:s2], [sflag:$0x3], $0x40, s31, s23, $0xb8;
	[tilespmem:$0x17E00] =	vst v63  }
0x8e: {  	_ =	swait.ge [sflag:s19], $0x2000  }
0x8f: {  	[sflag:s19] =	ssyncset.done $0x0  }
0x90: {  	[sflag:s19] =	ssyncadd.s32 $0xFFFFE000  }
.LBB2_5:
0x91: {  	p1 =	seq.s32 s30, $0x138000  }
0x92: {  	_ =	swait.ge [sflag:s24], $0x2000;
	s0 =	smov.u32 s30;
	s30 =	sadd.s32 $0x2000, s30  }
0x93: {  	s29 =	sadd.s32 $0x80, s29;
	s2 =	sand.u32 $0x2000, s30;
	[sflag:s24] =	ssyncset.done $0x0  }
0x94: {  	s0 =	sand.u32 $0x2000, s0;
	s2 =	sor.u32 $0x9E00, s2;
	[sflag:s24] =	ssyncadd.s32 $0xFFFFE000  }
0x95: {  	[tilespmem:s2], [sflag:$0x2] =	stream.indirect.gather [hbm4b:s1+s23], $0x40, s29, s23, $0xb8;
	[tilespmem:$0x17E00] =	vst v63  }
.Ltmp6:
0x96: {  	s31 =	sadd.s32 $0x80, s31;
	s0 =	sor.u32 $0x9E00, s0;
	(pc) =	sbr.rel @!p1 .LBB2_5-.Ltmp6, $4  }
0x97: {  	[spmem:s3] =	stream.indirect.scatter.add.f32 [tilespmem:s0], [sflag:$0x3], $0x40, s31, s23, $0xb8;
	[tilespmem:$0x17E00] =	vst v63  }
0x98: {  	_ =	swait.ge [sflag:s19], $0x2000  }
0x99: {  	[sflag:s19] =	ssyncset.done $0x0  }
0x9a: {  	[sflag:s19] =	ssyncadd.s32 $0xFFFFE000  }
.Ltmp7:
0x9b: {  	_ = 	snop;
	(pc) =	sbr.rel .LBB2_6-.Ltmp7, $1  }
0x9c: {  	_ =	sdelay $0x3  }
.LBB2_11:
0x9d: {  	_ =	sfence.sel $0x180000  }
0x9e: {  	[bflag:$0x0] =	sbarrier.arrive $0xFFFF  }
0x9f: {  	_ =	strace $0x9000004D  }
0xa0: {  	s0 =	stileid.u32;
	[bflag:$0x2] =	sbarrier.arrive $0xFFFF  }
0xa1: {  	p0 =	sne.s32 s0, $0x0;
	s0 =	rddreg [dreg:$0x3]  }
0xa2: {  	s0 =	sadd.s32 @!p0 $0x100000, s0  }
0xa3: {  	[sflag:s0] =	ssyncadd.tile.s32 @!p0 $0x1;
	_ =	shalt  }
.Lfunc_end2:
_tile_overlayer_lowered:
.L_overlay_start_2:
0xa4: {  	(tag) =	ssettag $0x2  }
0xa5: {  	s0 =	rddreg [dreg:$0x0];
	s2 =	stileid.u32  }
0xa6: {  	s1 =	rddreg [dreg:$0x1];
	p0 =	sne.s32 s2, $0x0  }
0xa7: {  	s3 =	rddreg [dreg:$0x2];
	[bflag:$0x3] =	sbarrier.arrive $0xFFFF;
	s2 =	simm.s32 @!p0 $0x1C03  }
0xa8: {  	[timem:s3], [sflag:s2] =	dma.local @!p0 [hbm:s0], s1  }
0xa9: {  	s0 =	simm.s32 @!p0 $0x3  }
0xaa: {  	_ =	swait.ge @!p0 [sflag:s0], s1  }
0xab: {  	s1 =	ssub.s32 @!p0 $0x0, s1;
	[sflag:s0] =	ssyncset.done @!p0 $0x0  }
0xac: {  	[sflag:s0] =	ssyncadd.s32 @!p0 s1  }
0xad: {  	[bflag:$0x3] =	sbarrier.arrive $0xFFFF  }
0xae: {  	_ =	shalt  }

// kernel: kernel.8.cloned.1.call-start
scs
__scs_entry_jumppad:
0x0: {  	(pc) =	sbr.rel $0x88, $3  }
0x1: {  	(tag) =	ssettag $0x0;
	lr =	simm.s32 $0x1  }
0x2: {  	[smem:$0x3F99] =	sst lr;
	_ =	strace $0xD0000000  }
0x3: {  	_ = 	snop  }
0x4: {  	_ = 	snop  }
0x5: {  	_ = 	snop  }
0x6: {  	_ = 	snop  }
0x7: {  	_ = 	snop  }
__scs_overlays_trampoline_lowered:
0x8: {  	[smem:$0x3FA8] =	sst s0  }
0x9: {  	[smem:$0x3FA9] =	sst s1  }
0xa: {  	[smem:$0x3FAA] =	sst s2  }
0xb: {  	[smem:$0x3FAB] =	sst s3  }
0xc: {  	[smem:$0x3FAC] =	sst s4  }
0xd: {  	[smem:$0x3FAD] =	sst s5  }
0xe: {  	[smem:$0x3FAE] =	sst s6  }
0xf: {  	[smem:$0x3FAF] =	sst s7  }
0x10: {  	[smem:$0x3FB0] =	sst s8  }
0x11: {  	[smem:$0x3FB1] =	sst s9;
	s0 =	simm.s32 @!p0 $0x0  }
0x12: {  	s1 =	sld [smem:$0x3F97];
	s0 =	simm.s32 @p0 $0x1  }
0x13: {  	[smem:$0x3FB2] =	sst s0;
	s0 =	simm.s32 @!p1 $0x0  }
0x14: {  	s2 =	sld [smem:$0x3F96];
	s0 =	simm.s32 @p1 $0x1  }
0x15: {  	[smem:$0x3FB3] =	sst s0;
	s0 =	simm.s32 @!p2 $0x0  }
0x16: {  	s3 =	sld [smem:$0x3FDB];
	s0 =	simm.s32 @p2 $0x1  }
0x17: {  	s4 =	simm.s32 $0x1BF5;
	[smem:$0x3FB5] =	sst s0  }
0x18: {  	s0 =	sld [smem:$0x3F98];
	_ =	swait.ge [sflag:s4], $0x0  }
0x19: {  	s7 =	sld [smem:$0x3F99]  }
0x1a: {  	s8 =	sadd.s32 $0xFFFFE003, lr  }
0x1b: {  	s9 =	sadd.s32 $0xFFFFFEF7, lr;
	s5 =	simm.s32 $0xFFFFFFFF;
	p2 =	slt.u32 s8, $0xFFFFF086  }
0x1c: {  	p1 =	slt.u32 s9, $0xF7A;
	s5 =	simm.s32 @!p2 $0x0  }
0x1d: {  	s5 =	simm.s32 @p1 $0x1;
	p0 =	seq.s32 s7, s2  }
0x1e: {  	s7 =	smul.u32 @!p0 $0xF7A, s2;
	p2 =	seq.s32 @!p0 s5, $0x0  }
0x1f: {  	s9 =	smul.u32 $0xF7A, s1;
	s8 =	simm.s32 @!p0 $0x1BF5;
	p2 =	por !p2, p0  }
0x20: {  	[sflag:s8] =	ssyncset.s32 @!p0 $0xFFFFF086;
	s6 =	sadd.s32 @!p0 s3, s7;
	s7 =	simm.s32 @!p0 $0x108  }
0x21: {  	s3 =	sadd.s32 s3, s9;
	s6 =	sadd.s32 @!p0 $0x88, s6;
	s7 =	simm.s32 @p2 $0x1082  }
0x22: {  	[simem:s7], [sflag:s8] =	dma.local @!p0 [hbm:s6], $0xF7A  }
0x23: {  	s9 =	sor.u32 $0xD0000000, s2;
	s6 =	simm.s32 $0x108;
	_ =	swait.ge @!p0 [sflag:s8], $0x0  }
0x24: {  	s3 =	sadd.s32 $0x88, s3;
	s6 =	simm.s32 @!p1 $0x1082;
	[sflag:s4] =	ssyncset.s32 $0xFFFFF086  }
0x25: {  	[simem:s6], [sflag:s4] =	dma.local [hbm:s3], $0xF7A  }
0x26: {  	[smem:$0x3F99] =	sst s1;
	(tag) =	ssettag s2;
	_ =	strace s9  }
0x27: {  	s1 =	sld [smem:$0x3FA9]  }
0x28: {  	s2 =	sld [smem:$0x3FAA]  }
0x29: {  	s4 =	sld [smem:$0x3FAC]  }
0x2a: {  	p0 =	seq.s32 s5, $0x0;
	s5 =	sld [smem:$0x3FAD]  }
0x2b: {  	s6 =	sld [smem:$0x3FAE]  }
0x2c: {  	s7 =	sld [smem:$0x3FAF]  }
0x2d: {  	s3 =	simm.s32 $0x108;
	s8 =	sld [smem:$0x3FB0]  }
0x2e: {  	s3 =	simm.s32 @!p0 $0x1082;
	s9 =	sld [smem:$0x3FB1]  }
0x2f: {  	lr =	sadd.s32 s0, s3;
	s0 =	sld [smem:$0x3FA8]  }
0x30: {  	s3 =	sld [smem:$0x3FAB]  }
0x31: {  	[smem:$0x3FB4] =	sst s10  }
0x32: {  	s10 =	sld [smem:$0x3FB2];
	_ =	sdelay $0x3  }
0x33: {  	p0 =	seq.s32 s10, $0x1;
	s10 =	sld [smem:$0x3FB4];
	_ =	sdelay $0x3  }
0x34: {  	[smem:$0x3FB4] =	sst s10  }
0x35: {  	s10 =	sld [smem:$0x3FB3];
	_ =	sdelay $0x3  }
0x36: {  	p1 =	seq.s32 s10, $0x1;
	s10 =	sld [smem:$0x3FB4];
	_ =	sdelay $0x3  }
0x37: {  	[smem:$0x3FB4] =	sst s10  }
0x38: {  	s10 =	sld [smem:$0x3FB5]  }
0x39: {  	_ = 	snop;
	(pc) =	sbr.ind lr, $3  }
0x3a: {  	_ = 	snop  }
0x3b: {  	_ = 	snop  }
0x3c: {  	p2 =	seq.s32 s10, $0x1;
	s10 =	sld [smem:$0x3FB4]  }
0x3d: {  	_ =	shalt  }
0x3e: {  	_ =	shalt  }
0x3f: {  	_ =	shalt  }
0x40: {  	_ =	shalt  }
0x41: {  	_ =	shalt  }
0x42: {  	_ =	shalt  }
0x43: {  	_ =	shalt  }
0x44: {  	_ =	shalt  }
0x45: {  	_ =	shalt  }
0x46: {  	_ =	shalt  }
0x47: {  	_ =	shalt  }
0x48: {  	_ =	shalt  }
0x49: {  	_ =	shalt  }
0x4a: {  	_ =	shalt  }
0x4b: {  	_ =	shalt  }
0x4c: {  	_ =	shalt  }
0x4d: {  	_ =	shalt  }
0x4e: {  	_ =	shalt  }
0x4f: {  	_ =	shalt  }
0x50: {  	_ =	shalt  }
0x51: {  	_ =	shalt  }
0x52: {  	_ =	shalt  }
0x53: {  	_ =	shalt  }
0x54: {  	_ =	shalt  }
0x55: {  	_ =	shalt  }
0x56: {  	_ =	shalt  }
0x57: {  	_ =	shalt  }
0x58: {  	_ =	shalt  }
0x59: {  	_ =	shalt  }
0x5a: {  	_ =	shalt  }
0x5b: {  	_ =	shalt  }
0x5c: {  	_ =	shalt  }
0x5d: {  	_ =	shalt  }
0x5e: {  	_ =	shalt  }
0x5f: {  	_ =	shalt  }
0x60: {  	_ =	shalt  }
0x61: {  	_ =	shalt  }
0x62: {  	_ =	shalt  }
0x63: {  	_ =	shalt  }
0x64: {  	_ =	shalt  }
0x65: {  	_ =	shalt  }
0x66: {  	_ =	shalt  }
0x67: {  	_ =	shalt  }
0x68: {  	_ =	shalt  }
0x69: {  	_ =	shalt  }
0x6a: {  	_ =	shalt  }
0x6b: {  	_ =	shalt  }
0x6c: {  	_ =	shalt  }
0x6d: {  	_ =	shalt  }
0x6e: {  	_ =	shalt  }
0x6f: {  	_ =	shalt  }
0x70: {  	_ =	shalt  }
0x71: {  	_ =	shalt  }
0x72: {  	_ =	shalt  }
0x73: {  	_ =	shalt  }
0x74: {  	_ =	shalt  }
0x75: {  	_ =	shalt  }
0x76: {  	_ =	shalt  }
0x77: {  	_ =	shalt  }
0x78: {  	_ =	shalt  }
0x79: {  	_ =	shalt  }
0x7a: {  	_ =	shalt  }
0x7b: {  	_ =	shalt  }
0x7c: {  	_ =	shalt  }
0x7d: {  	_ =	shalt  }
0x7e: {  	_ =	shalt  }
0x7f: {  	_ =	shalt  }
0x80: {  	_ =	shalt  }
0x81: {  	_ =	shalt  }
0x82: {  	_ =	shalt  }
0x83: {  	_ =	shalt  }
0x84: {  	_ =	shalt  }
0x85: {  	_ =	shalt  }
0x86: {  	_ =	shalt  }
0x87: {  	_ =	shalt  }
.Lfunc_end0:
.L_simem_size_0:
called_computation_lowered:
.L_overlay_start_0:
0x88: {  	s2 =	sld [smem:$0x3FD9]  }
0x89: {  	s3 =	sld [smem:$0x3FFE];
	_ =	sdelay $0x1  }
0x8a: {  	s1 =	srdreg.scid  }
0x8b: {  	s0 =	sand.u32 $0x1, s1  }
0x8c: {  	s17 =	sshll.u32 s0, $0xA;
	s2 =	sadd.s32 s3, s2  }
0x8d: {  	s2 =	sadd.s32 s2, s17  }
0x8e: {  	[smem:$0x3FC0] =	sst s2  }
0x8f: {  	_ = 	snop  }
0x90: {  	s2 =	sld [smem:$0x3FD0];
	(tm) =	ssettm $0x1  }
0x91: {  	s18 =	sld [smem:$0x3FFB];
	_ =	sdelay $0x3  }
0x92: {  	_ =	strace s18  }
0x93: {  	s3 =	sld [smem:$0x3FFC];
	_ =	sdelay $0x3  }
0x94: {  	_ =	strace s3  }
0x95: {  	s3 =	sld [smem:$0x3FFD];
	_ =	sdelay $0x3  }
0x96: {  	_ =	strace s3  }
0x97: {  	_ =	strace $0x8FFFFFFF  }
0x98: {  	s19 =	sld [smem:$0x3FDB];
	_ =	sdelay $0x1  }
0x99: {  	s4 =	simm.s32 $_scs_section_size  }
0x9a: {  	s5 =	simm.s32 $_size__tile_overlayer_lowered;
	s6 =	simm.s32 $_tile_overlayer_lowered  }
0x9b: {  	s22 =	simm.s32 $0x1BFF;
	s21 =	sshll.u32 s6, $0x1;
	s3 =	sadd.s32 s4, s19  }
0x9c: {  	s7 =	simm.s32 $0x0;
	s20 =	sshll.u32 s5, $0x1;
	s5 =	sadd.s32 s21, s3  }
0x9d: {  	[timem:s7], [sflag:s22] =	dma.local [hbm:s5], s20  }
0x9e: {  	_ =	swait.ge [sflag:s22], s20  }
0x9f: {  	s4 =	ssub.s32 $0x0, s20;
	[sflag:s22] =	ssyncset.done $0x0  }
0xa0: {  	[sflag:s22] =	ssyncadd.s32 s4;
	_ =	sdelay $0x1  }
0xa1: {  	s23 =	simm.s32 $0x1B8B  }
0xa2: {  	_ =	swait.ge [sflag:s23], $0x1  }
0xa3: {  	[sflag:s23] =	ssyncset.done $0x0  }
0xa4: {  	s25 =	simm.s32 $0x1B8E;
	s24 =	sld [smem:$0x3FFE];
	[sflag:s23] =	ssyncadd.s32 $0xFFFFFFFF  }
0xa5: {  	s26 =	simm.s32 $execute0_lowered;
	[smem:$0x3FD2] =	sst s25  }
0xa6: {  	s5 =	sshll.u32 s26, $0x1;
	_ =	strace $0x80000046;
	[dreg:$0x1] =	wrdreg $0xFFFFFFFF  }
0xa7: {  	s28 =	simm.s32 $_size_execute0_lowered;
	s3 =	sadd.s32 s3, s5;
	[dreg:$0x0] =	wrdreg $0x0  }
0xa8: {  	s5 =	sshll.u32 s28, $0x1;
	[dreg:$0x2] =	wrdreg s3  }
0xa9: {  	[dreg:$0x3] =	wrdreg s5  }
0xaa: {  	[dreg:$0x4] =	wrdreg $0xC0  }
0xab: {  	_ =	task [dreg:s7], $0x5FFFF  }
0xac: {  	[dreg:$0x1] =	wrdreg $0xFFFFFFFF  }
0xad: {  	[dreg:$0x0] =	wrdreg $0x60  }
0xae: {  	[dreg:$0x2] =	wrdreg s2  }
0xaf: {  	[dreg:$0x3] =	wrdreg s24  }
0xb0: {  	[dreg:$0x4] =	wrdreg $0x2B000  }
0xb1: {  	[dreg:$0x5] =	wrdreg $0x9  }
0xb2: {  	_ =	task.clear_ibuf [dreg:s7], $0x6FFFF;
	_ =	strace $0x90000046  }
0xb3: {  	s29 =	simm.s32 $0x9;
	_ =	strace $0x80000048  }
0xb4: {  	_ =	swait.ge [sflag:s29], $0x1  }
0xb5: {  	[sflag:s29] =	ssyncadd.s32 $0xFFFFFFFF  }
0xb6: {  	_ =	strace $0x90000048  }
0xb7: {  	_ =	sfence  }
0xb8: {  	s30 =	sld [smem:$0x0];
	_ =	sdelay $0x2  }
0xb9: {  	s31 =	sshll.u32 s1, $0xD;
	s1 =	sshrl.u32 s1, $0x2  }
0xba: {  	s3 =	sand.u32 $0x4000, s31;
	s1 =	sadd.s32 s1, s30  }
0xbb: {  	s0 =	sor.u32 s3, s0;
	s1 =	sshll.u32 s1, $0x11  }
0xbc: {  	s0 =	sor.u32 s1, s0  }
0xbd: {  	s0 =	sadd.s32 $0x8F2B, s0  }
0xbe: {  	[sflag:s0] =	ssyncadd.remote.s32 $0x1  }
0xbf: {  	_ =	sfence.sel $0xFFFF  }
0xc0: {  	[dreg:$0x0] =	wrdreg $0xFFFFFFFF;
	(pc) =	sbr.abs _section_cstart, $3  }
0xc1: {  	[dreg:$0x1] =	wrdreg $0xFFFFFFFF  }
0xc2: {  	_ =	task.clear_ibuf [dreg:s7], $0x2FFFF;
	_ =	strace $0x9FFFFFFF  }
0xc3: {  	(tm) =	ssettm $0x7FFFFFFF  }
tec
execute0_lowered:
.L_overlay_start_1:
0x0: {  	(tag) =	ssettag $0x1  }
0x1: {  	s4 =	rddreg [dreg:$0x0]  }
0x2: {  	s5 =	rddreg [dreg:$0x1]  }
0x3: {  	s2 =	rddreg [dreg:$0x2]  }
0x4: {  	s3 =	srdreg.scid;
	s1 =	stileid.u32  }
0x5: {  	s0 =	rddreg [dreg:$0x3];
	s7 =	smul.u32 $0x500, s1  }
0x6: {  	s11 =	simm.s32 $0x2800;
	s12 =	simm.s32 $0x100;
	s28 =	smul.u32 $0x2800, s1  }
0x7: {  	s13 =	simm.s32 $0x0;
	s6 =	sand.u32 $0x1, s3;
	s29 =	smul.u32 $0xA00, s1  }
0x8: {  	s3 =	simm.s32 $0x0;
	s8 =	sshll.u32 s6, $0x7;
	s9 =	smul.u32 $0x28000, s6  }
0x9: {  	[smem:$0x7FF] =	sst s3;
	s6 =	ssub.s32 $0x2, s6;
	s7 =	sor.u32 s8, s7  }
0xa: {  	_ =	strace $0x80000047;
	s30 =	sshrl.u32 s6, $0x1;
	s31 =	sshrl.u32 s29, $0x2  }
0xb: {  	s7 =	sshrl.u32 s7, $0x3;
	s8 =	sadd.s32 s28, s9;
	s10 =	ssub.s32 s6, s30  }
0xc: {  	s9 =	simm.s32 $0x2880;
	s7 =	sadd.s32 s7, s5;
	s8 =	sshrl.u32 s8, $0x3  }
0xd: {  	s5 =	sadd.s32 s31, s2;
	s4 =	sadd.s32 s4, s8;
	s6 =	sadd.s32 $0xCA00, s7  }
0xe: {  	v0 =	vimm.f32 $0.0e+00;
	v1 =	vimm.f32 $1.000000000e+00;
	s7 =	smax.u32 s10, $0x1;
	s8 =	simm.s32 $0x1;
	s10 =	simm.s32 $0x80  }
.LBB2_1:
0xf: {  	[tilespmem:s3], [sflag:$0x1] =	stream.linear.gather [hbm4b:s4+s3], $0x2780, $0x38;
	[tilespmem:$0x2D80] =	vst v63  }
0x10: {  	_ =	swait.ge [sflag:s8], $0x2780  }
0x11: {  	[sflag:s8] =	ssyncset.done $0x0  }
0x12: {  	[sflag:s8] =	ssyncadd.s32 $0xFFFFD880  }
0x13: {  	[tilespmem:$0x2880] =	vst v0  }
0x14: {  	[tilespmem:$0x2890] =	vst v0  }
0x15: {  	[tilespmem:$0x28A0] =	vst v0  }
0x16: {  	[tilespmem:$0x28B0] =	vst v0  }
0x17: {  	[tilespmem:$0x28C0] =	vst v0  }
0x18: {  	[tilespmem:$0x28D0] =	vst v0  }
0x19: {  	[tilespmem:$0x28E0] =	vst v0  }
0x1a: {  	[tilespmem:$0x28F0] =	vst v0  }
0x1b: {  	[tilespmem:$0x2900] =	vst v0  }
0x1c: {  	[tilespmem:$0x2910] =	vst v0  }
0x1d: {  	[tilespmem:$0x2920] =	vst v0  }
0x1e: {  	[tilespmem:$0x2930] =	vst v0  }
0x1f: {  	[tilespmem:$0x2940] =	vst v0  }
0x20: {  	[tilespmem:$0x2950] =	vst v0  }
0x21: {  	[tilespmem:$0x2960] =	vst v0  }
0x22: {  	[tilespmem:$0x2970] =	vst v0  }
0x23: {  	[tilespmem:$0x2980] =	vst v0  }
0x24: {  	[tilespmem:$0x2990] =	vst v0  }
0x25: {  	[tilespmem:$0x29A0] =	vst v0  }
0x26: {  	[tilespmem:$0x29B0] =	vst v0  }
0x27: {  	[tilespmem:$0x29C0] =	vst v0  }
0x28: {  	[tilespmem:$0x29D0] =	vst v0  }
0x29: {  	[tilespmem:$0x29E0] =	vst v0  }
0x2a: {  	[tilespmem:$0x29F0] =	vst v0  }
0x2b: {  	[tilespmem:$0x2A00] =	vst v0  }
0x2c: {  	[tilespmem:$0x2A10] =	vst v0  }
0x2d: {  	[tilespmem:$0x2A20] =	vst v0  }
0x2e: {  	[tilespmem:$0x2A30] =	vst v0  }
0x2f: {  	[tilespmem:$0x2A40] =	vst v0  }
0x30: {  	[tilespmem:$0x2A50] =	vst v0  }
0x31: {  	[tilespmem:$0x2A60] =	vst v0  }
0x32: {  	[tilespmem:$0x2A70] =	vst v0  }
0x33: {  	[tilespmem:$0x2A80] =	vst v0  }
0x34: {  	[tilespmem:$0x2A90] =	vst v0  }
0x35: {  	[tilespmem:$0x2AA0] =	vst v0  }
0x36: {  	[tilespmem:$0x2AB0] =	vst v0  }
0x37: {  	[tilespmem:$0x2AC0] =	vst v0  }
0x38: {  	[tilespmem:$0x2AD0] =	vst v0  }
0x39: {  	[tilespmem:$0x2AE0] =	vst v0  }
0x3a: {  	[tilespmem:$0x2AF0] =	vst v0  }
0x3b: {  	[tilespmem:$0x2800] =	vst v1  }
0x3c: {  	[tilespmem:$0x2810] =	vst v1  }
0x3d: {  	[tilespmem:$0x2820] =	vst v1  }
0x3e: {  	[tilespmem:$0x2830] =	vst v1  }
0x3f: {  	[tilespmem:$0x2840] =	vst v1  }
0x40: {  	[tilespmem:$0x2850] =	vst v1  }
0x41: {  	[tilespmem:$0x2860] =	vst v1  }
0x42: {  	[tilespmem:$0x2870] =	vst v1  }
0x43: {  	[spmem:s5] =	stream.linear.scatter [tilespmem:s9], [sflag:$0x1], $0x280, $0x38;
	[tilespmem:$0x2D80] =	vst v63  }
0x44: {  	_ =	swait.ge [sflag:s8], $0x280  }
0x45: {  	[sflag:s8] =	ssyncset.done $0x0  }
0x46: {  	[sflag:s8] =	ssyncadd.s32 $0xFFFFFD80  }
0x47: {  	s14 =	simm.s32 $0x0;
	[bflag:$0x0] =	sbarrier.arrive $0xFFFF  }
0x48: {  	[spmem:s2] =	stream.indirect.scatter.add.f32 [tilespmem:s11], [sflag:$0x1], $0x1, s14, s10, $0xb8;
	[tilespmem:$0x2D80] =	vst v63  }
0x49: {  	_ =	swait.ge [sflag:s8], $0x80  }
0x4a: {  	s14 =	simm.s32 $0x200;
	[sflag:s8] =	ssyncset.done $0x0  }
.LBB2_2:
0x4b: {  	s15 =	sshra.s32 s14, $0x2;
	[sflag:s8] =	ssyncadd.s32 $0xFFFFFF80;
	p0 =	sne.s32 s14, $0x9C00  }
0x4c: {  	[spmem:s2] =	stream.indirect.scatter.add.f32 [tilespmem:s11], [sflag:$0x1], $0x1, s15, s10, $0xb8;
	[tilespmem:$0x2D80] =	vst v63  }
.Ltmp0:
0x4d: {  	_ = 	snop;
	(pc) =	sbr.rel @p0 .LBB2_2-.Ltmp0, $4  }
0x4e: {  	_ = 	snop  }
0x4f: {  	s14 =	sadd.s32 $0x200, s14  }
0x50: {  	_ =	swait.ge [sflag:s8], $0x80  }
0x51: {  	[sflag:s8] =	ssyncset.done $0x0  }
0x52: {  	[sflag:s8] =	ssyncadd.s32 $0xFFFFFF80  }
0x53: {  	[bflag:$0x0] =	sbarrier.arrive $0xFFFF  }
0x54: {  	[tilespmem:s9], [sflag:$0x1] =	stream.linear.gather [spmem:s5], $0x280, $0x38;
	[tilespmem:$0x2D80] =	vst v63  }
0x55: {  	s13 =	sadd.s32 $0x1, s13;
	_ =	swait.ge [sflag:s8], $0x280  }
0x56: {  	p0 =	sne.s32 s13, s7;
	[sflag:s8] =	ssyncset.done $0x0  }
.Ltmp1:
0x57: {  	[sflag:s8] =	ssyncadd.s32 $0xFFFFFD80;
	(pc) =	sbr.rel @p0 .LBB2_1-.Ltmp1, $4  }
0x58: {  	[hbm4b:s6+s10] =	stream.strided.scatter [tilespmem:s9], [sflag:$0x1], $0x280, s12, s10, $0x38;
	[tilespmem:$0x2D80] =	vst v63  }
0x59: {  	_ =	swait.ge [sflag:s8], $0x280  }
0x5a: {  	[sflag:s8] =	ssyncset.done $0x0  }
0x5b: {  	[sflag:s8] =	ssyncadd.s32 $0xFFFFFD80  }
0x5c: {  	_ =	sfence.sel $0x180000  }
0x5d: {  	[bflag:$0x0] =	sbarrier.arrive $0xFFFF  }
0x5e: {  	p0 =	sne.s32 s1, $0x0;
	_ =	strace $0x90000047  }
0x5f: {  	s0 =	sadd.s32 @!p0 $0x100000, s0;
	[bflag:$0x2] =	sbarrier.arrive $0xFFFF  }
0x60: {  	[sflag:s0] =	ssyncadd.tile.s32 @!p0 $0x1;
	_ =	shalt  }
.Lfunc_end2:
_tile_overlayer_lowered:
.L_overlay_start_2:
0x61: {  	(tag) =	ssettag $0x2  }
0x62: {  	s0 =	rddreg [dreg:$0x0];
	s2 =	stileid.u32  }
0x63: {  	s1 =	rddreg [dreg:$0x1];
	p0 =	sne.s32 s2, $0x0  }
0x64: {  	s3 =	rddreg [dreg:$0x2];
	[bflag:$0x3] =	sbarrier.arrive $0xFFFF;
	s2 =	simm.s32 @!p0 $0x1C01  }
0x65: {  	[timem:s3], [sflag:s2] =	dma.local @!p0 [hbm:s0], s1  }
0x66: {  	s0 =	simm.s32 @!p0 $0x1  }
0x67: {  	_ =	swait.ge @!p0 [sflag:s0], s1  }
0x68: {  	s1 =	ssub.s32 @!p0 $0x0, s1;
	[sflag:s0] =	ssyncset.done @!p0 $0x0  }
0x69: {  	[sflag:s0] =	ssyncadd.s32 @!p0 s1  }
0x6a: {  	[bflag:$0x3] =	sbarrier.arrive $0xFFFF  }
0x6b: {  	_ =	shalt  }

</sc_bundles>
